<compile_context>
chip_gen: v7x
topology: tpu7x:2x2x1
jax: 0.10.2.dev20260603
libtpu: 0.0.44.dev20260713+nightly
codegen_flags: <defaults>
</compile_context>

<pallas_src>
import functools

import jax
import jax.numpy as jnp
from jax import lax
from jax.experimental import pallas as pl
from jax.experimental.pallas import tpu as pltpu
from jax.experimental.pallas import tpu_sc as plsc

NC = 2
NS = 16
NW = NC * NS
L = 16
LB = 32

EB = 256


def _make_kernel(N, E, D, C, NP, NF):
    NJ = D // LB
    RP_BUF = C + 24
    FPT = NF // NS

    mesh = plsc.VectorSubcoreMesh(
        core_axis_name="c", subcore_axis_name="s", num_cores=NC, num_subcores=NS
    )

    @functools.partial(
        pl.kernel,
        mesh=mesh,
        compiler_params=pltpu.CompilerParams(
            needs_layout_passes=False, use_tc_tiling_on_sc=False
        ),
        out_type=jax.ShapeDtypeStruct((NP, D), jnp.bfloat16),
        scratch_types=[
            pltpu.VMEM((RP_BUF,), jnp.int32),
            pltpu.VMEM((EB,), jnp.int32),
            pltpu.VMEM((EB,), jnp.int32),
            pltpu.VMEM((EB, D), jnp.bfloat16),
            pltpu.VMEM((EB, D), jnp.bfloat16),
            pltpu.VMEM((C + 1, D), jnp.bfloat16),
            pltpu.VMEM_SHARED((NF, D), jnp.bfloat16),
            pltpu.SemaphoreType.DMA,
            pltpu.SemaphoreType.DMA,
            pltpu.SemaphoreType.DMA,
            pltpu.SemaphoreType.DMA,
            pltpu.SemaphoreType.DMA,
        ],
    )
    def csr_max(rp_hbm, col_hbm, feat_hbm, out_hbm, rp_v, col0_v, col1_v,
                rows0_v, rows1_v, out_v, feat_sh, sc0, sc1, sr0, sr1, s_st):
        cid = lax.axis_index("c")
        sid = lax.axis_index("s")
        wid = sid * NC + cid
        n0 = wid * C
        neg_inf = jnp.full((LB,), -jnp.inf, dtype=jnp.bfloat16)
        sem_c = (sc0, sc1)
        sem_r = (sr0, sr1)
        col_b = (col0_v, col1_v)
        rows_b = (rows0_v, rows1_v)

        f0 = sid * FPT
        stage = pltpu.make_async_copy(
            feat_hbm.at[pl.ds(f0, FPT)], feat_sh.at[pl.ds(f0, FPT)], s_st
        )
        stage.start()

        pltpu.sync_copy(rp_hbm.at[pl.ds(n0, RP_BUF)], rp_v)

        def rp_at(i):
            return rp_v[pl.ds(i, L)][0]

        e_lo = rp_at(0)
        e_hi = rp_at(C)
        base0 = jnp.bitwise_and(e_lo, jnp.int32(-8))
        nc2 = ((e_hi - base0 + (EB - 1)) // EB + 1) // 2 * 2

        def col_off(c):
            return pl.multiple_of(base0 + c * EB, 8)

        def start_col(c, b):
            pltpu.async_copy(col_hbm.at[pl.ds(col_off(c), EB)], col_b[b], sem_c[b])

        def start_rows(b):
            pltpu.async_copy(feat_sh.at[col_b[b]], rows_b[b], sem_r[b])

        def wait_col(b):
            pltpu.make_async_copy(
                col_hbm.at[pl.ds(0, EB)], col_b[b], sem_c[b]
            ).wait()

        def wait_rows(b):
            pltpu.make_async_copy(
                feat_sh.at[col_b[b]], rows_b[b], sem_r[b]
            ).wait()

        start_col(0, 0)
        start_col(1, 1)

        def init_row(i, carry):
            for j in range(NJ):
                out_v[i, pl.ds(j * LB, LB)] = neg_inf
            return carry

        lax.fori_loop(0, C + 1, init_row, 0)

        stage.wait()
        plsc.subcore_barrier()

        wait_col(0)
        start_rows(0)

        def advance(cur, e):
            return lax.while_loop(
                lambda c: jnp.logical_and(c < C, rp_at(c + 1) <= e),
                lambda c: c + 1,
                cur,
            )

        cur0 = advance(jnp.int32(0), e_lo)
        neg_acc = tuple(neg_inf for _ in range(NJ))
        carry0 = (cur0, rp_at(cur0 + 1), neg_acc, neg_acc)

        def process(c, b, carry):
            cbase = base0 + c * EB
            rows = rows_b[b]
            k_lo = jnp.maximum(jnp.int32(0), e_lo - cbase)
            k_hi = jnp.minimum(jnp.int32(EB), e_hi - cbase)
            chunk_hi = cbase + k_hi

            def emax(acc, k):
                return tuple(
                    jnp.maximum(acc[j], rows[k, pl.ds(j * LB, LB)])
                    for j in range(NJ)
                )

            def edge_run(lo, hi, acc_a, acc_b):
                klo = lo - cbase
                khi = hi - cbase
                n4 = jnp.maximum(khi - klo, 0) // 4

                def body4(t, st):
                    a, bb = st
                    k = klo + 4 * t
                    a = emax(a, k)
                    bb = emax(bb, k + 1)
                    a = emax(a, k + 2)
                    bb = emax(bb, k + 3)
                    return (a, bb)

                def body1(k, st):
                    a, bb = st
                    return (bb, emax(a, k))

                st = lax.fori_loop(0, n4, body4, (acc_a, acc_b))
                return lax.fori_loop(klo + 4 * n4, khi, body1, st)

            def node_body(st):
                pos, cur, end_cur, acc_a, acc_b = st
                acc_a, acc_b = edge_run(pos, end_cur, acc_a, acc_b)
                for j in range(NJ):
                    out_v[cur, pl.ds(j * LB, LB)] = jnp.maximum(acc_a[j], acc_b[j])
                ncur = advance(cur + 1, end_cur)
                return (end_cur, ncur, rp_at(ncur + 1), neg_acc, neg_acc)

            cur, end_cur, acc_a, acc_b = carry
            pos, cur, end_cur, acc_a, acc_b = lax.while_loop(
                lambda st: st[2] < chunk_hi, node_body,
                (cbase + k_lo, cur, end_cur, acc_a, acc_b),
            )
            acc_a, acc_b = edge_run(pos, chunk_hi, acc_a, acc_b)
            return (cur, end_cur, acc_a, acc_b)

        def pair_body(c2, carry):
            for b in (0, 1):
                c = 2 * c2 + b
                q = 1 - b
                wait_col(q)
                start_rows(q)
                wait_rows(b)
                start_col(c + 2, b)
                carry = process(c, b, carry)
            return carry

        cur_f, _, acc_fa, acc_fb = lax.fori_loop(0, nc2 // 2, pair_body, carry0)

        wait_rows(0)
        wait_col(1)

        @pl.when(e_hi > e_lo)
        def _():
            for j in range(NJ):
                out_v[cur_f, pl.ds(j * LB, LB)] = jnp.maximum(acc_fa[j], acc_fb[j])

        pltpu.sync_copy(out_v.at[pl.ds(0, C)], out_hbm.at[pl.ds(n0, C)])

    return csr_max


def kernel(row_ptr, col_idx, node_feat):
    N = row_ptr.shape[0] - 1
    E = col_idx.shape[0]
    D = node_feat.shape[1]
    C = ((N + NW - 1) // NW + 7) // 8 * 8
    NP = NW * C
    NF = ((N + 8 * NS - 1) // (8 * NS)) * 8 * NS
    rp_pad = jnp.concatenate(
        [row_ptr.astype(jnp.int32),
         jnp.full((NP + 24 - (N + 1),), E, dtype=jnp.int32)]
    )
    col_pad = jnp.concatenate(
        [col_idx.astype(jnp.int32), jnp.zeros((4 * EB,), dtype=jnp.int32)]
    )
    feat_bf = node_feat.astype(jnp.bfloat16)
    feat_bf = jnp.concatenate(
        [feat_bf, jnp.zeros((NF - N, D), dtype=jnp.bfloat16)]
    )
    out = _make_kernel(N, E, D, C, NP, NF)(rp_pad, col_pad, feat_bf)
    return out[:N].astype(jnp.float32)

# --- scband reference (transcript-rebuilt; emitter-appended) ---
"""Pipeline reference for scband-model-new-10522669875235 (READ-ONLY COPY).

The authoritative reference and input builder live on the scoring server;
editing this copy changes nothing except your own understanding.
"""

import jax, jax.numpy as jnp
import numpy as np

N = 10000
E = 320000
D = 128

def setup_inputs(seed: int = 0) -> dict:
    key = jax.random.key(seed)
    k1, k2, k3 = jax.random.split(key, 3)
    row_ptr = jnp.sort(jax.random.randint(k1, (N + 1,), 0, E, dtype=jnp.int32))
    col_idx = jax.random.randint(k2, (E,), 0, N, dtype=jnp.int32)
    node_feat = jax.random.normal(k3, (N, D), dtype=jnp.float32)
    return {"row_ptr": row_ptr, "col_idx": col_idx, "node_feat": node_feat}

def reference(row_ptr, col_idx, node_feat):
    # CSR max-aggregation: out[dst, f] = max over edges e in [row_ptr[dst], row_ptr[dst+1])
    # of node_feat[col_idx[e], f]; empty rows -> -inf (matches CUDA kernel init).
    num_nodes = row_ptr.shape[0] - 1
    num_edges = col_idx.shape[0]
    edge_ids = jnp.arange(num_edges, dtype=row_ptr.dtype)
    # dst row for edge e: last r with row_ptr[r] <= e
    seg = jnp.searchsorted(row_ptr, edge_ids, side='right') - 1
    # edges before row_ptr[0] or at/after row_ptr[N] are never visited by the kernel -> drop
    seg = jnp.where(seg < 0, num_nodes, seg)  # out-of-range ids are dropped by segment ops
    gathered = jnp.take(node_feat, col_idx, axis=0)
    out = jax.ops.segment_max(gathered, seg, num_segments=num_nodes)
    return out

if __name__ == "__main__":
    import jax
    _d = setup_inputs()
    print(jax.jit(kernel)(*tuple(_d.values())))

</pallas_src>

<mosaic_0001>
#map = affine_map<(d0, d1) -> (0)>
#map1 = affine_map<(d0, d1) -> (0, 0)>
module attributes {stable_mosaic.version = 14 : i64} {
  func.func @csr_max(%arg0: i32, %arg1: i32, %arg2: memref<10264xi32, #tpu.memory_space<hbm>>, %arg3: memref<321024xi32, #tpu.memory_space<hbm>>, %arg4: memref<10112x128xbf16, #tpu.memory_space<hbm>>, %arg5: memref<10240x128xbf16, #tpu.memory_space<hbm>>, %arg6: memref<344xi32, #tpu.memory_space<vmem>>, %arg7: memref<256xi32, #tpu.memory_space<vmem>>, %arg8: memref<256xi32, #tpu.memory_space<vmem>>, %arg9: memref<256x128xbf16, #tpu.memory_space<vmem>>, %arg10: memref<256x128xbf16, #tpu.memory_space<vmem>>, %arg11: memref<321x128xbf16, #tpu.memory_space<vmem>>, %arg12: memref<10112x128xbf16, #tpu.memory_space<vmem_shared>>, %arg13: memref<!tpu.dma_semaphore, #tpu.memory_space<semaphore_mem>>, %arg14: memref<!tpu.dma_semaphore, #tpu.memory_space<semaphore_mem>>, %arg15: memref<!tpu.dma_semaphore, #tpu.memory_space<semaphore_mem>>, %arg16: memref<!tpu.dma_semaphore, #tpu.memory_space<semaphore_mem>>, %arg17: memref<!tpu.dma_semaphore, #tpu.memory_space<semaphore_mem>>) attributes {dimension_semantics = [#tpu.dimension_semantics<core_parallel>, #tpu.dimension_semantics<subcore_parallel>], iteration_bounds = array<i64: 2, 16>, scalar_prefetch = 0 : i64, scratch_operands = 12 : i64, tpu.core_type = #tpu.core_type<sc_vector_subcore>, window_params = [{transform_indices = #map}, {transform_indices = #map}, {transform_indices = #map1}, {transform_indices = #map1}]} {
    %mul3A = arith.constant 2 : i32
    %mul3A_0 = arith.muli %arg1, %mul3A : i32
    %add3A = arith.addi %mul3A_0, %arg0 : i32
    %mul3A_1 = arith.constant 320 : i32
    %mul3A_2 = arith.muli %add3A, %mul3A_1 : i32
    %broadcast_in_dim3A = arith.constant 0xFF80 : bf16
    %broadcast_in_dim3A_3 = vector.broadcast %broadcast_in_dim3A : bf16 to vector<32xbf16>
    %mul3A_4 = arith.constant 632 : i32
    %mul3A_5 = arith.muli %arg1, %mul3A_4 : i32
    %dma_start3A = arith.constant 0 : i32
    %dma_start3A_6 = tpu.memref_slice %arg12[%mul3A_5, %dma_start3A] : memref<10112x128xbf16, #tpu.memory_space<vmem_shared>> -> memref<632x128xbf16, #tpu.memory_space<vmem_shared>>
    %dma_start3A_7 = arith.constant 0 : i32
    %dma_start3A_8 = tpu.memref_slice %arg4[%mul3A_5, %dma_start3A_7] : memref<10112x128xbf16, #tpu.memory_space<hbm>> -> memref<632x128xbf16, #tpu.memory_space<hbm>>
    tpu.enqueue_dma source(%dma_start3A_8 : memref<632x128xbf16, #tpu.memory_space<hbm>>) target(%dma_start3A_6 : memref<632x128xbf16, #tpu.memory_space<vmem_shared>>) target_semaphore(%arg17 : memref<!tpu.dma_semaphore, #tpu.memory_space<semaphore_mem>>)
    "tpu.region"() ({
      %run_scoped3A = tpu.sem_alloc : memref<!tpu.dma_semaphore, #tpu.memory_space<semaphore_mem>>
      %dma_start3A_137 = tpu.memref_slice %arg2[%mul3A_2] : memref<10264xi32, #tpu.memory_space<hbm>> -> memref<344xi32, #tpu.memory_space<hbm>>
      %dma_start3A_138 = tpu.memref_slice %arg2[%mul3A_2] : memref<10264xi32, #tpu.memory_space<hbm>> -> memref<344xi32, #tpu.memory_space<hbm>>
      tpu.enqueue_dma source(%dma_start3A_138 : memref<344xi32, #tpu.memory_space<hbm>>) target(%arg6 : memref<344xi32, #tpu.memory_space<vmem>>) target_semaphore(%run_scoped3A : memref<!tpu.dma_semaphore, #tpu.memory_space<semaphore_mem>>)
      %dma_wait3A_139 = tpu.memref_slice %arg2[%mul3A_2] : memref<10264xi32, #tpu.memory_space<hbm>> -> memref<344xi32, #tpu.memory_space<hbm>>
      %dma_wait3A_140 = tpu.memref_slice %arg2[%mul3A_2] : memref<10264xi32, #tpu.memory_space<hbm>> -> memref<344xi32, #tpu.memory_space<hbm>>
      tpu.wait_dma2 semaphore(%run_scoped3A : memref<!tpu.dma_semaphore, #tpu.memory_space<semaphore_mem>>) src(%dma_wait3A_140 : memref<344xi32, #tpu.memory_space<hbm>>) dst(%arg6 : memref<344xi32, #tpu.memory_space<vmem>>)
      tpu.yield
    }) : () -> ()
    %get3A = arith.constant 0 : index
    %get3A_9 = tpu.vector_load %arg6[%get3A] {strides = array<i32>} : memref<344xi32, #tpu.memory_space<vmem>>, vector<16xi32>,
    %slice3A = vector.extract_strided_slice %get3A_9 {offsets = [0], sizes = [1], strides = [1]} : vector<16xi32> to vector<1xi32>
    %squeeze3A = vector.extract %slice3A[0] : i32 from vector<1xi32>
    %get3A_10 = arith.constant 320 : index
    %get3A_11 = tpu.vector_load %arg6[%get3A_10] {strides = array<i32>} : memref<344xi32, #tpu.memory_space<vmem>>, vector<16xi32>,
    %slice3A_12 = vector.extract_strided_slice %get3A_11 {offsets = [0], sizes = [1], strides = [1]} : vector<16xi32> to vector<1xi32>
    %squeeze3A_13 = vector.extract %slice3A_12[0] : i32 from vector<1xi32>
    %and3A = arith.constant -8 : i32
    %and3A_14 = arith.andi %squeeze3A, %and3A : i32
    %sub3A = arith.subi %squeeze3A_13, %and3A_14 : i32
    %add3A_15 = arith.constant 255 : i32
    %add3A_16 = arith.addi %sub3A, %add3A_15 : i32
    %jit3A = arith.constant 256 : i32
    %div3A = arith.divsi %add3A_16, %jit3A : i32
    %sign3A = arith.constant 0 : i32
    %sign3A_17 = arith.cmpi sgt, %add3A_16, %sign3A : i32
    %sign3A_18 = arith.extui %sign3A_17 : i1 to i32
    %sign3A_19 = arith.constant 0 : i32
    %sign3A_20 = arith.cmpi slt, %add3A_16, %sign3A_19 : i32
    %sign3A_21 = arith.extui %sign3A_20 : i1 to i32
    %sign3A_22 = arith.subi %sign3A_18, %sign3A_21 : i32
    %sign3A_23 = arith.constant 0 : i32
    %sign3A_24 = arith.cmpi sgt, %jit3A, %sign3A_23 : i32
    %sign3A_25 = arith.extui %sign3A_24 : i1 to i32
    %sign3A_26 = arith.constant 0 : i32
    %sign3A_27 = arith.cmpi slt, %jit3A, %sign3A_26 : i32
    %sign3A_28 = arith.extui %sign3A_27 : i1 to i32
    %sign3A_29 = arith.subi %sign3A_25, %sign3A_28 : i32
    %ne3A = arith.cmpi ne, %sign3A_22, %sign3A_29 : i32
    %rem3A = arith.remsi %add3A_16, %jit3A : i32
    %ne3A_30 = arith.constant 0 : i32
    %ne3A_31 = arith.cmpi ne, %rem3A, %ne3A_30 : i32
    %and3A_32 = arith.andi %ne3A, %ne3A_31 : i1
    %sub3A_33 = arith.constant 1 : i32
    %sub3A_34 = arith.subi %div3A, %sub3A_33 : i32
    %select_n3A = arith.select %and3A_32, %sub3A_34, %div3A : i32
    %add3A_35 = arith.constant 1 : i32
    %add3A_36 = arith.addi %select_n3A, %add3A_35 : i32
    %jit3A_37 = arith.constant 2 : i32
    %div3A_38 = arith.divsi %add3A_36, %jit3A_37 : i32
    %sign3A_39 = arith.constant 0 : i32
    %sign3A_40 = arith.cmpi sgt, %add3A_36, %sign3A_39 : i32
    %sign3A_41 = arith.extui %sign3A_40 : i1 to i32
    %sign3A_42 = arith.constant 0 : i32
    %sign3A_43 = arith.cmpi slt, %add3A_36, %sign3A_42 : i32
    %sign3A_44 = arith.extui %sign3A_43 : i1 to i32
    %sign3A_45 = arith.subi %sign3A_41, %sign3A_44 : i32
    %sign3A_46 = arith.constant 0 : i32
    %sign3A_47 = arith.cmpi sgt, %jit3A_37, %sign3A_46 : i32
    %sign3A_48 = arith.extui %sign3A_47 : i1 to i32
    %sign3A_49 = arith.constant 0 : i32
    %sign3A_50 = arith.cmpi slt, %jit3A_37, %sign3A_49 : i32
    %sign3A_51 = arith.extui %sign3A_50 : i1 to i32
    %sign3A_52 = arith.subi %sign3A_48, %sign3A_51 : i32
    %ne3A_53 = arith.cmpi ne, %sign3A_45, %sign3A_52 : i32
    %rem3A_54 = arith.remsi %add3A_36, %jit3A_37 : i32
    %ne3A_55 = arith.constant 0 : i32
    %ne3A_56 = arith.cmpi ne, %rem3A_54, %ne3A_55 : i32
    %and3A_57 = arith.andi %ne3A_53, %ne3A_56 : i1
    %sub3A_58 = arith.constant 1 : i32
    %sub3A_59 = arith.subi %div3A_38, %sub3A_58 : i32
    %select_n3A_60 = arith.select %and3A_57, %sub3A_59, %div3A_38 : i32
    %mul3A_61 = arith.constant 2 : i32
    %mul3A_62 = arith.muli %select_n3A_60, %mul3A_61 : i32
    %add3A_63 = arith.constant 0 : i32
    %add3A_64 = arith.addi %and3A_14, %add3A_63 : i32
    %multiple_of3A = tpu.assume_multiple %add3A_64, 8 : i32
    %dma_start3A_65 = tpu.memref_slice %arg3[%multiple_of3A] : memref<321024xi32, #tpu.memory_space<hbm>> -> memref<256xi32, #tpu.memory_space<hbm>>
    %dma_start3A_66 = tpu.memref_slice %arg3[%multiple_of3A] : memref<321024xi32, #tpu.memory_space<hbm>> -> memref<256xi32, #tpu.memory_space<hbm>>
    tpu.enqueue_dma source(%dma_start3A_66 : memref<256xi32, #tpu.memory_space<hbm>>) target(%arg7 : memref<256xi32, #tpu.memory_space<vmem>>) target_semaphore(%arg13 : memref<!tpu.dma_semaphore, #tpu.memory_space<semaphore_mem>>)
    %add3A_67 = arith.constant 256 : i32
    %add3A_68 = arith.addi %and3A_14, %add3A_67 : i32
    %multiple_of3A_69 = tpu.assume_multiple %add3A_68, 8 : i32
    %dma_start3A_70 = tpu.memref_slice %arg3[%multiple_of3A_69] : memref<321024xi32, #tpu.memory_space<hbm>> -> memref<256xi32, #tpu.memory_space<hbm>>
    %dma_start3A_71 = tpu.memref_slice %arg3[%multiple_of3A_69] : memref<321024xi32, #tpu.memory_space<hbm>> -> memref<256xi32, #tpu.memory_space<hbm>>
    tpu.enqueue_dma source(%dma_start3A_71 : memref<256xi32, #tpu.memory_space<hbm>>) target(%arg8 : memref<256xi32, #tpu.memory_space<vmem>>) target_semaphore(%arg14 : memref<!tpu.dma_semaphore, #tpu.memory_space<semaphore_mem>>)
    %scan3A = arith.constant 0 : i32
    %scan3A_72 = arith.constant 0 : i32
    %scan3A_73 = arith.constant 321 : i32
    %scan3A_74 = arith.addi %scan3A_72, %scan3A_73 : i32
    %scan3A_75 = arith.constant 1 : i32
    scf.for %scan3A_137 = %scan3A_72 to %scan3A_74 step %scan3A_75  : i32 {
      %swap3A = arith.index_cast %scan3A_137 : i32 to index
      %swap3A_138 = arith.constant 0 : index
      %swap3A_139 = tpu.vector_load %arg11[%swap3A, %swap3A_138] {strides = array<i32>} : memref<321x128xbf16, #tpu.memory_space<vmem>>, vector<32xbf16>,
      tpu.vector_store %arg11[%swap3A, %swap3A_138], %broadcast_in_dim3A_3 {strides = array<i32>} : memref<321x128xbf16, #tpu.memory_space<vmem>>, vector<32xbf16>,
      %swap3A_140 = arith.index_cast %scan3A_137 : i32 to index
      %swap3A_141 = arith.constant 32 : index
      %swap3A_142 = tpu.vector_load %arg11[%swap3A_140, %swap3A_141] {strides = array<i32>} : memref<321x128xbf16, #tpu.memory_space<vmem>>, vector<32xbf16>,
      tpu.vector_store %arg11[%swap3A_140, %swap3A_141], %broadcast_in_dim3A_3 {strides = array<i32>} : memref<321x128xbf16, #tpu.memory_space<vmem>>, vector<32xbf16>,
      %swap3A_143 = arith.index_cast %scan3A_137 : i32 to index
      %swap3A_144 = arith.constant 64 : index
      %swap3A_145 = tpu.vector_load %arg11[%swap3A_143, %swap3A_144] {strides = array<i32>} : memref<321x128xbf16, #tpu.memory_space<vmem>>, vector<32xbf16>,
      tpu.vector_store %arg11[%swap3A_143, %swap3A_144], %broadcast_in_dim3A_3 {strides = array<i32>} : memref<321x128xbf16, #tpu.memory_space<vmem>>, vector<32xbf16>,
      %swap3A_146 = arith.index_cast %scan3A_137 : i32 to index
      %swap3A_147 = arith.constant 96 : index
      %swap3A_148 = tpu.vector_load %arg11[%swap3A_146, %swap3A_147] {strides = array<i32>} : memref<321x128xbf16, #tpu.memory_space<vmem>>, vector<32xbf16>,
      tpu.vector_store %arg11[%swap3A_146, %swap3A_147], %broadcast_in_dim3A_3 {strides = array<i32>} : memref<321x128xbf16, #tpu.memory_space<vmem>>, vector<32xbf16>,
    }
    %scan3A_76 = arith.constant 321 : i32
    %dma_wait3A = arith.constant 0 : i32
    %dma_wait3A_77 = tpu.memref_slice %arg12[%mul3A_5, %dma_wait3A] : memref<10112x128xbf16, #tpu.memory_space<vmem_shared>> -> memref<632x128xbf16, #tpu.memory_space<vmem_shared>>
    %dma_wait3A_78 = arith.constant 0 : i32
    %dma_wait3A_79 = tpu.memref_slice %arg4[%mul3A_5, %dma_wait3A_78] : memref<10112x128xbf16, #tpu.memory_space<hbm>> -> memref<632x128xbf16, #tpu.memory_space<hbm>>
    tpu.wait_dma2 semaphore(%arg17 : memref<!tpu.dma_semaphore, #tpu.memory_space<semaphore_mem>>) src(%dma_wait3A_79 : memref<632x128xbf16, #tpu.memory_space<hbm>>) dst(%dma_wait3A_77 : memref<632x128xbf16, #tpu.memory_space<vmem_shared>>)
    %barrier3A = arith.constant 0 : index
    tpu.barrier barrier_id(%barrier3A)
    %dma_wait3A_80 = arith.constant 0 : i32
    %dma_wait3A_81 = tpu.memref_slice %arg3[%dma_wait3A_80] : memref<321024xi32, #tpu.memory_space<hbm>> -> memref<256xi32, #tpu.memory_space<hbm>>
    %dma_wait3A_82 = arith.constant 0 : i32
    %dma_wait3A_83 = tpu.memref_slice %arg3[%dma_wait3A_82] : memref<321024xi32, #tpu.memory_space<hbm>> -> memref<256xi32, #tpu.memory_space<hbm>>
    tpu.wait_dma2 semaphore(%arg13 : memref<!tpu.dma_semaphore, #tpu.memory_space<semaphore_mem>>) src(%dma_wait3A_83 : memref<256xi32, #tpu.memory_space<hbm>>) dst(%arg7 : memref<256xi32, #tpu.memory_space<vmem>>)
    %dma_start3A_84 = arith.constant 0 : i32
    %dma_start3A_85 = arith.constant 0 : i32
    %dma_start3A_86 = tpu.memref_slice %arg12[%dma_start3A_84, %dma_start3A_85] : memref<10112x128xbf16, #tpu.memory_space<vmem_shared>> -> memref<10112x128xbf16, #tpu.memory_space<vmem_shared>>
    tpu.enqueue_indirect_dma source(%dma_start3A_86 : memref<10112x128xbf16, #tpu.memory_space<vmem_shared>>) target(%arg9 : memref<256x128xbf16, #tpu.memory_space<vmem>>) offsets(%arg7 : memref<256xi32, #tpu.memory_space<vmem>>) semaphore(%arg15 : memref<!tpu.dma_semaphore, #tpu.memory_space<semaphore_mem>>)
    %while3A = arith.constant 0 : i32
    %while3A_87 = scf.while (%while3A_137 = %while3A) : (i32) -> i32 {
      %lt3A = arith.constant 320 : i32
      %lt3A_138 = arith.cmpi slt, %while3A_137, %lt3A : i32
      %add3A_139 = arith.constant 1 : i32
      %add3A_140 = arith.addi %while3A_137, %add3A_139 : i32
      %get3A_141 = arith.index_cast %add3A_140 : i32 to index
      %get3A_142 = tpu.vector_load %arg6[%get3A_141] {strides = array<i32>} : memref<344xi32, #tpu.memory_space<vmem>>, vector<16xi32>,
      %slice3A_143 = vector.extract_strided_slice %get3A_142 {offsets = [0], sizes = [1], strides = [1]} : vector<16xi32> to vector<1xi32>
      %squeeze3A_144 = vector.extract %slice3A_143[0] : i32 from vector<1xi32>
      %le3A = arith.cmpi sle, %squeeze3A_144, %squeeze3A : i32
      %and3A_145 = arith.andi %lt3A_138, %le3A : i1
      scf.condition(%and3A_145) %while3A_137 : i32
    } do {
    ^bb0(%while3A_137: i32):
      %add3A_138 = arith.constant 1 : i32
      %add3A_139 = arith.addi %while3A_137, %add3A_138 : i32
      scf.yield %add3A_139 : i32
    }
    %add3A_88 = arith.constant 1 : i32
    %add3A_89 = arith.addi %while3A_87, %add3A_88 : i32
    %get3A_90 = arith.index_cast %add3A_89 : i32 to index
    %get3A_91 = tpu.vector_load %arg6[%get3A_90] {strides = array<i32>} : memref<344xi32, #tpu.memory_space<vmem>>, vector<16xi32>,
    %slice3A_92 = vector.extract_strided_slice %get3A_91 {offsets = [0], sizes = [1], strides = [1]} : vector<16xi32> to vector<1xi32>
    %squeeze3A_93 = vector.extract %slice3A_92[0] : i32 from vector<1xi32>
    %jit3A_94 = arith.constant 2 : i32
    %div3A_95 = arith.divsi %mul3A_62, %jit3A_94 : i32
    %sign3A_96 = arith.constant 0 : i32
    %sign3A_97 = arith.cmpi sgt, %mul3A_62, %sign3A_96 : i32
    %sign3A_98 = arith.extui %sign3A_97 : i1 to i32
    %sign3A_99 = arith.constant 0 : i32
    %sign3A_100 = arith.cmpi slt, %mul3A_62, %sign3A_99 : i32
    %sign3A_101 = arith.extui %sign3A_100 : i1 to i32
    %sign3A_102 = arith.subi %sign3A_98, %sign3A_101 : i32
    %sign3A_103 = arith.constant 0 : i32
    %sign3A_104 = arith.cmpi sgt, %jit3A_94, %sign3A_103 : i32
    %sign3A_105 = arith.extui %sign3A_104 : i1 to i32
    %sign3A_106 = arith.constant 0 : i32
    %sign3A_107 = arith.cmpi slt, %jit3A_94, %sign3A_106 : i32
    %sign3A_108 = arith.extui %sign3A_107 : i1 to i32
    %sign3A_109 = arith.subi %sign3A_105, %sign3A_108 : i32
    %ne3A_110 = arith.cmpi ne, %sign3A_102, %sign3A_109 : i32
    %rem3A_111 = arith.remsi %mul3A_62, %jit3A_94 : i32
    %ne3A_112 = arith.constant 0 : i32
    %ne3A_113 = arith.cmpi ne, %rem3A_111, %ne3A_112 : i32
    %and3A_114 = arith.andi %ne3A_110, %ne3A_113 : i1
    %sub3A_115 = arith.constant 1 : i32
    %sub3A_116 = arith.subi %div3A_95, %sub3A_115 : i32
    %select_n3A_117 = arith.select %and3A_114, %sub3A_116, %div3A_95 : i32
    %while3A_118 = arith.constant 0 : i32
    %while3A_119 = arith.subi %select_n3A_117, %while3A_118 : i32
    %while3A_120 = arith.addi %while3A_118, %while3A_119 : i32
    %while3A_121 = arith.constant 1 : i32
    %while3A_122 = arith.divsi %while3A_119, %while3A_121 : i32
    %while3A_123 = arith.muli %while3A_122, %while3A_121 : i32
    %while3A_124 = arith.addi %while3A_118, %while3A_123 : i32
    %while3A_125 = arith.constant 1 : i32
    %while3A_126:10 = scf.for %while3A_137 = %while3A_118 to %while3A_124 step %while3A_125 iter_args(%while3A_138 = %while3A_87, %while3A_139 = %squeeze3A_93, %while3A_140 = %broadcast_in_dim3A_3, %while3A_141 = %broadcast_in_dim3A_3, %while3A_142 = %broadcast_in_dim3A_3, %while3A_143 = %broadcast_in_dim3A_3, %while3A_144 = %broadcast_in_dim3A_3, %while3A_145 = %broadcast_in_dim3A_3, %while3A_146 = %broadcast_in_dim3A_3, %while3A_147 = %broadcast_in_dim3A_3) -> (i32, i32, vector<32xbf16>, vector<32xbf16>, vector<32xbf16>, vector<32xbf16>, vector<32xbf16>, vector<32xbf16>, vector<32xbf16>, vector<32xbf16>)  : i32 {
      %mul3A_148 = arith.constant 2 : i32
      %mul3A_149 = arith.muli %mul3A_148, %while3A_137 : i32
      %add3A_150 = arith.constant 0 : i32
      %add3A_151 = arith.addi %mul3A_149, %add3A_150 : i32
      %dma_wait3A_152 = arith.constant 0 : i32
      %dma_wait3A_153 = tpu.memref_slice %arg3[%dma_wait3A_152] : memref<321024xi32, #tpu.memory_space<hbm>> -> memref<256xi32, #tpu.memory_space<hbm>>
      %dma_wait3A_154 = arith.constant 0 : i32
      %dma_wait3A_155 = tpu.memref_slice %arg3[%dma_wait3A_154] : memref<321024xi32, #tpu.memory_space<hbm>> -> memref<256xi32, #tpu.memory_space<hbm>>
      tpu.wait_dma2 semaphore(%arg14 : memref<!tpu.dma_semaphore, #tpu.memory_space<semaphore_mem>>) src(%dma_wait3A_155 : memref<256xi32, #tpu.memory_space<hbm>>) dst(%arg8 : memref<256xi32, #tpu.memory_space<vmem>>)
      %dma_start3A_156 = arith.constant 0 : i32
      %dma_start3A_157 = arith.constant 0 : i32
      %dma_start3A_158 = tpu.memref_slice %arg12[%dma_start3A_156, %dma_start3A_157] : memref<10112x128xbf16, #tpu.memory_space<vmem_shared>> -> memref<10112x128xbf16, #tpu.memory_space<vmem_shared>>
      tpu.enqueue_indirect_dma source(%dma_start3A_158 : memref<10112x128xbf16, #tpu.memory_space<vmem_shared>>) target(%arg10 : memref<256x128xbf16, #tpu.memory_space<vmem>>) offsets(%arg8 : memref<256xi32, #tpu.memory_space<vmem>>) semaphore(%arg16 : memref<!tpu.dma_semaphore, #tpu.memory_space<semaphore_mem>>)
      %dma_wait3A_159 = arith.constant 0 : i32
      %dma_wait3A_160 = arith.constant 0 : i32
      %dma_wait3A_161 = tpu.memref_slice %arg12[%dma_wait3A_159, %dma_wait3A_160] : memref<10112x128xbf16, #tpu.memory_space<vmem_shared>> -> memref<10112x128xbf16, #tpu.memory_space<vmem_shared>>
      tpu.wait_indirect_dma semaphore(%arg15 : memref<!tpu.dma_semaphore, #tpu.memory_space<semaphore_mem>>) src(%dma_wait3A_161 : memref<10112x128xbf16, #tpu.memory_space<vmem_shared>>) dst(%arg9 : memref<256x128xbf16, #tpu.memory_space<vmem>>)
      %add3A_162 = arith.constant 2 : i32
      %add3A_163 = arith.addi %add3A_151, %add3A_162 : i32
      %mul3A_164 = arith.constant 256 : i32
      %mul3A_165 = arith.muli %add3A_163, %mul3A_164 : i32
      %add3A_166 = arith.addi %and3A_14, %mul3A_165 : i32
      %multiple_of3A_167 = tpu.assume_multiple %add3A_166, 8 : i32
      %dma_start3A_168 = tpu.memref_slice %arg3[%multiple_of3A_167] : memref<321024xi32, #tpu.memory_space<hbm>> -> memref<256xi32, #tpu.memory_space<hbm>>
      %dma_start3A_169 = tpu.memref_slice %arg3[%multiple_of3A_167] : memref<321024xi32, #tpu.memory_space<hbm>> -> memref<256xi32, #tpu.memory_space<hbm>>
      tpu.enqueue_dma source(%dma_start3A_169 : memref<256xi32, #tpu.memory_space<hbm>>) target(%arg7 : memref<256xi32, #tpu.memory_space<vmem>>) target_semaphore(%arg13 : memref<!tpu.dma_semaphore, #tpu.memory_space<semaphore_mem>>)
      %mul3A_170 = arith.constant 256 : i32
      %mul3A_171 = arith.muli %add3A_151, %mul3A_170 : i32
      %add3A_172 = arith.addi %and3A_14, %mul3A_171 : i32
      %sub3A_173 = arith.subi %squeeze3A, %add3A_172 : i32
      %max3A = arith.constant 0 : i32
      %max3A_174 = arith.maxsi %max3A, %sub3A_173 : i32
      %sub3A_175 = arith.subi %squeeze3A_13, %add3A_172 : i32
      %min3A = arith.constant 256 : i32
      %min3A_176 = arith.minsi %min3A, %sub3A_175 : i32
      %add3A_177 = arith.addi %add3A_172, %min3A_176 : i32
      %add3A_178 = arith.addi %add3A_172, %max3A_174 : i32
      %while3A_179:11 = scf.while (%while3A_320 = %add3A_178, %while3A_321 = %while3A_138, %while3A_322 = %while3A_139, %while3A_323 = %while3A_140, %while3A_324 = %while3A_141, %while3A_325 = %while3A_142, %while3A_326 = %while3A_143, %while3A_327 = %while3A_144, %while3A_328 = %while3A_145, %while3A_329 = %while3A_146, %while3A_330 = %while3A_147) : (i32, i32, i32, vector<32xbf16>, vector<32xbf16>, vector<32xbf16>, vector<32xbf16>, vector<32xbf16>, vector<32xbf16>, vector<32xbf16>, vector<32xbf16>) -> (i32, i32, i32, vector<32xbf16>, vector<32xbf16>, vector<32xbf16>, vector<32xbf16>, vector<32xbf16>, vector<32xbf16>, vector<32xbf16>, vector<32xbf16>) {
        %lt3A = arith.cmpi slt, %while3A_322, %add3A_177 : i32
        scf.condition(%lt3A) %while3A_320, %while3A_321, %while3A_322, %while3A_323, %while3A_324, %while3A_325, %while3A_326, %while3A_327, %while3A_328, %while3A_329, %while3A_330 : i32, i32, i32, vector<32xbf16>, vector<32xbf16>, vector<32xbf16>, vector<32xbf16>, vector<32xbf16>, vector<32xbf16>, vector<32xbf16>, vector<32xbf16>
      } do {
      ^bb0(%while3A_320: i32, %while3A_321: i32, %while3A_322: i32, %while3A_323: vector<32xbf16>, %while3A_324: vector<32xbf16>, %while3A_325: vector<32xbf16>, %while3A_326: vector<32xbf16>, %while3A_327: vector<32xbf16>, %while3A_328: vector<32xbf16>, %while3A_329: vector<32xbf16>, %while3A_330: vector<32xbf16>):
        %sub3A_331 = arith.subi %while3A_320, %add3A_172 : i32
        %sub3A_332 = arith.subi %while3A_322, %add3A_172 : i32
        %sub3A_333 = arith.subi %sub3A_332, %sub3A_331 : i32
        %max3A_334 = arith.constant 0 : i32
        %max3A_335 = arith.maxsi %sub3A_333, %max3A_334 : i32
        %jit3A_336 = arith.constant 4 : i32
        %div3A_337 = arith.divsi %max3A_335, %jit3A_336 : i32
        %sign3A_338 = arith.constant 0 : i32
        %sign3A_339 = arith.cmpi sgt, %max3A_335, %sign3A_338 : i32
        %sign3A_340 = arith.extui %sign3A_339 : i1 to i32
        %sign3A_341 = arith.constant 0 : i32
        %sign3A_342 = arith.cmpi slt, %max3A_335, %sign3A_341 : i32
        %sign3A_343 = arith.extui %sign3A_342 : i1 to i32
        %sign3A_344 = arith.subi %sign3A_340, %sign3A_343 : i32
        %sign3A_345 = arith.constant 0 : i32
        %sign3A_346 = arith.cmpi sgt, %jit3A_336, %sign3A_345 : i32
        %sign3A_347 = arith.extui %sign3A_346 : i1 to i32
        %sign3A_348 = arith.constant 0 : i32
        %sign3A_349 = arith.cmpi slt, %jit3A_336, %sign3A_348 : i32
        %sign3A_350 = arith.extui %sign3A_349 : i1 to i32
        %sign3A_351 = arith.subi %sign3A_347, %sign3A_350 : i32
        %ne3A_352 = arith.cmpi ne, %sign3A_344, %sign3A_351 : i32
        %rem3A_353 = arith.remsi %max3A_335, %jit3A_336 : i32
        %ne3A_354 = arith.constant 0 : i32
        %ne3A_355 = arith.cmpi ne, %rem3A_353, %ne3A_354 : i32
        %and3A_356 = arith.andi %ne3A_352, %ne3A_355 : i1
        %sub3A_357 = arith.constant 1 : i32
        %sub3A_358 = arith.subi %div3A_337, %sub3A_357 : i32
        %select_n3A_359 = arith.select %and3A_356, %sub3A_358, %div3A_337 : i32
        %while3A_360 = arith.constant 0 : i32
        %while3A_361 = arith.subi %select_n3A_359, %while3A_360 : i32
        %while3A_362 = arith.addi %while3A_360, %while3A_361 : i32
        %while3A_363 = arith.constant 1 : i32
        %while3A_364 = arith.divsi %while3A_361, %while3A_363 : i32
        %while3A_365 = arith.muli %while3A_364, %while3A_363 : i32
        %while3A_366 = arith.addi %while3A_360, %while3A_365 : i32
        %while3A_367 = arith.constant 1 : i32
        %while3A_368:8 = scf.for %while3A_408 = %while3A_360 to %while3A_366 step %while3A_367 iter_args(%while3A_409 = %while3A_323, %while3A_410 = %while3A_324, %while3A_411 = %while3A_325, %while3A_412 = %while3A_326, %while3A_413 = %while3A_327, %while3A_414 = %while3A_328, %while3A_415 = %while3A_329, %while3A_416 = %while3A_330) -> (vector<32xbf16>, vector<32xbf16>, vector<32xbf16>, vector<32xbf16>, vector<32xbf16>, vector<32xbf16>, vector<32xbf16>, vector<32xbf16>)  : i32 {
          %mul3A_417 = arith.constant 4 : i32
          %mul3A_418 = arith.muli %mul3A_417, %while3A_408 : i32
          %add3A_419 = arith.addi %sub3A_331, %mul3A_418 : i32
          %get3A_420 = arith.index_cast %add3A_419 : i32 to index
          %get3A_421 = arith.constant 0 : index
          %get3A_422 = tpu.vector_load %arg9[%get3A_420, %get3A_421] {strides = array<i32>} : memref<256x128xbf16, #tpu.memory_space<vmem>>, vector<32xbf16>,
          %max3A_423 = arith.maximumf %while3A_409, %get3A_422 : vector<32xbf16>
          %get3A_424 = arith.index_cast %add3A_419 : i32 to index
          %get3A_425 = arith.constant 32 : index
          %get3A_426 = tpu.vector_load %arg9[%get3A_424, %get3A_425] {strides = array<i32>} : memref<256x128xbf16, #tpu.memory_space<vmem>>, vector<32xbf16>,
          %max3A_427 = arith.maximumf %while3A_410, %get3A_426 : vector<32xbf16>
          %get3A_428 = arith.index_cast %add3A_419 : i32 to index
          %get3A_429 = arith.constant 64 : index
          %get3A_430 = tpu.vector_load %arg9[%get3A_428, %get3A_429] {strides = array<i32>} : memref<256x128xbf16, #tpu.memory_space<vmem>>, vector<32xbf16>,
          %max3A_431 = arith.maximumf %while3A_411, %get3A_430 : vector<32xbf16>
          %get3A_432 = arith.index_cast %add3A_419 : i32 to index
          %get3A_433 = arith.constant 96 : index
          %get3A_434 = tpu.vector_load %arg9[%get3A_432, %get3A_433] {strides = array<i32>} : memref<256x128xbf16, #tpu.memory_space<vmem>>, vector<32xbf16>,
          %max3A_435 = arith.maximumf %while3A_412, %get3A_434 : vector<32xbf16>
          %add3A_436 = arith.constant 1 : i32
          %add3A_437 = arith.addi %add3A_419, %add3A_436 : i32
          %get3A_438 = arith.index_cast %add3A_437 : i32 to index
          %get3A_439 = arith.constant 0 : index
          %get3A_440 = tpu.vector_load %arg9[%get3A_438, %get3A_439] {strides = array<i32>} : memref<256x128xbf16, #tpu.memory_space<vmem>>, vector<32xbf16>,
          %max3A_441 = arith.maximumf %while3A_413, %get3A_440 : vector<32xbf16>
          %get3A_442 = arith.index_cast %add3A_437 : i32 to index
          %get3A_443 = arith.constant 32 : index
          %get3A_444 = tpu.vector_load %arg9[%get3A_442, %get3A_443] {strides = array<i32>} : memref<256x128xbf16, #tpu.memory_space<vmem>>, vector<32xbf16>,
          %max3A_445 = arith.maximumf %while3A_414, %get3A_444 : vector<32xbf16>
          %get3A_446 = arith.index_cast %add3A_437 : i32 to index
          %get3A_447 = arith.constant 64 : index
          %get3A_448 = tpu.vector_load %arg9[%get3A_446, %get3A_447] {strides = array<i32>} : memref<256x128xbf16, #tpu.memory_space<vmem>>, vector<32xbf16>,
          %max3A_449 = arith.maximumf %while3A_415, %get3A_448 : vector<32xbf16>
          %get3A_450 = arith.index_cast %add3A_437 : i32 to index
          %get3A_451 = arith.constant 96 : index
          %get3A_452 = tpu.vector_load %arg9[%get3A_450, %get3A_451] {strides = array<i32>} : memref<256x128xbf16, #tpu.memory_space<vmem>>, vector<32xbf16>,
          %max3A_453 = arith.maximumf %while3A_416, %get3A_452 : vector<32xbf16>
          %add3A_454 = arith.constant 2 : i32
          %add3A_455 = arith.addi %add3A_419, %add3A_454 : i32
          %get3A_456 = arith.index_cast %add3A_455 : i32 to index
          %get3A_457 = arith.constant 0 : index
          %get3A_458 = tpu.vector_load %arg9[%get3A_456, %get3A_457] {strides = array<i32>} : memref<256x128xbf16, #tpu.memory_space<vmem>>, vector<32xbf16>,
          %max3A_459 = arith.maximumf %max3A_423, %get3A_458 : vector<32xbf16>
          %get3A_460 = arith.index_cast %add3A_455 : i32 to index
          %get3A_461 = arith.constant 32 : index
          %get3A_462 = tpu.vector_load %arg9[%get3A_460, %get3A_461] {strides = array<i32>} : memref<256x128xbf16, #tpu.memory_space<vmem>>, vector<32xbf16>,
          %max3A_463 = arith.maximumf %max3A_427, %get3A_462 : vector<32xbf16>
          %get3A_464 = arith.index_cast %add3A_455 : i32 to index
          %get3A_465 = arith.constant 64 : index
          %get3A_466 = tpu.vector_load %arg9[%get3A_464, %get3A_465] {strides = array<i32>} : memref<256x128xbf16, #tpu.memory_space<vmem>>, vector<32xbf16>,
          %max3A_467 = arith.maximumf %max3A_431, %get3A_466 : vector<32xbf16>
          %get3A_468 = arith.index_cast %add3A_455 : i32 to index
          %get3A_469 = arith.constant 96 : index
          %get3A_470 = tpu.vector_load %arg9[%get3A_468, %get3A_469] {strides = array<i32>} : memref<256x128xbf16, #tpu.memory_space<vmem>>, vector<32xbf16>,
          %max3A_471 = arith.maximumf %max3A_435, %get3A_470 : vector<32xbf16>
          %add3A_472 = arith.constant 3 : i32
          %add3A_473 = arith.addi %add3A_419, %add3A_472 : i32
          %get3A_474 = arith.index_cast %add3A_473 : i32 to index
          %get3A_475 = arith.constant 0 : index
          %get3A_476 = tpu.vector_load %arg9[%get3A_474, %get3A_475] {strides = array<i32>} : memref<256x128xbf16, #tpu.memory_space<vmem>>, vector<32xbf16>,
          %max3A_477 = arith.maximumf %max3A_441, %get3A_476 : vector<32xbf16>
          %get3A_478 = arith.index_cast %add3A_473 : i32 to index
          %get3A_479 = arith.constant 32 : index
          %get3A_480 = tpu.vector_load %arg9[%get3A_478, %get3A_479] {strides = array<i32>} : memref<256x128xbf16, #tpu.memory_space<vmem>>, vector<32xbf16>,
          %max3A_481 = arith.maximumf %max3A_445, %get3A_480 : vector<32xbf16>
          %get3A_482 = arith.index_cast %add3A_473 : i32 to index
          %get3A_483 = arith.constant 64 : index
          %get3A_484 = tpu.vector_load %arg9[%get3A_482, %get3A_483] {strides = array<i32>} : memref<256x128xbf16, #tpu.memory_space<vmem>>, vector<32xbf16>,
          %max3A_485 = arith.maximumf %max3A_449, %get3A_484 : vector<32xbf16>
          %get3A_486 = arith.index_cast %add3A_473 : i32 to index
          %get3A_487 = arith.constant 96 : index
          %get3A_488 = tpu.vector_load %arg9[%get3A_486, %get3A_487] {strides = array<i32>} : memref<256x128xbf16, #tpu.memory_space<vmem>>, vector<32xbf16>,
          %max3A_489 = arith.maximumf %max3A_453, %get3A_488 : vector<32xbf16>
          scf.yield %max3A_459, %max3A_463, %max3A_467, %max3A_471, %max3A_477, %max3A_481, %max3A_485, %max3A_489 : vector<32xbf16>, vector<32xbf16>, vector<32xbf16>, vector<32xbf16>, vector<32xbf16>, vector<32xbf16>, vector<32xbf16>, vector<32xbf16>
        }
        %while3A_369 = arith.constant 1 : i32
        %while3A_370:8 = scf.for %while3A_408 = %while3A_366 to %while3A_362 step %while3A_369 iter_args(%while3A_409 = %while3A_368#0, %while3A_410 = %while3A_368#1, %while3A_411 = %while3A_368#2, %while3A_412 = %while3A_368#3, %while3A_413 = %while3A_368#4, %while3A_414 = %while3A_368#5, %while3A_415 = %while3A_368#6, %while3A_416 = %while3A_368#7) -> (vector<32xbf16>, vector<32xbf16>, vector<32xbf16>, vector<32xbf16>, vector<32xbf16>, vector<32xbf16>, vector<32xbf16>, vector<32xbf16>)  : i32 {
          %mul3A_417 = arith.constant 4 : i32
          %mul3A_418 = arith.muli %mul3A_417, %while3A_408 : i32
          %add3A_419 = arith.addi %sub3A_331, %mul3A_418 : i32
          %get3A_420 = arith.index_cast %add3A_419 : i32 to index
          %get3A_421 = arith.constant 0 : index
          %get3A_422 = tpu.vector_load %arg9[%get3A_420, %get3A_421] {strides = array<i32>} : memref<256x128xbf16, #tpu.memory_space<vmem>>, vector<32xbf16>,
          %max3A_423 = arith.maximumf %while3A_409, %get3A_422 : vector<32xbf16>
          %get3A_424 = arith.index_cast %add3A_419 : i32 to index
          %get3A_425 = arith.constant 32 : index
          %get3A_426 = tpu.vector_load %arg9[%get3A_424, %get3A_425] {strides = array<i32>} : memref<256x128xbf16, #tpu.memory_space<vmem>>, vector<32xbf16>,
          %max3A_427 = arith.maximumf %while3A_410, %get3A_426 : vector<32xbf16>
          %get3A_428 = arith.index_cast %add3A_419 : i32 to index
          %get3A_429 = arith.constant 64 : index
          %get3A_430 = tpu.vector_load %arg9[%get3A_428, %get3A_429] {strides = array<i32>} : memref<256x128xbf16, #tpu.memory_space<vmem>>, vector<32xbf16>,
          %max3A_431 = arith.maximumf %while3A_411, %get3A_430 : vector<32xbf16>
          %get3A_432 = arith.index_cast %add3A_419 : i32 to index
          %get3A_433 = arith.constant 96 : index
          %get3A_434 = tpu.vector_load %arg9[%get3A_432, %get3A_433] {strides = array<i32>} : memref<256x128xbf16, #tpu.memory_space<vmem>>, vector<32xbf16>,
          %max3A_435 = arith.maximumf %while3A_412, %get3A_434 : vector<32xbf16>
          %add3A_436 = arith.constant 1 : i32
          %add3A_437 = arith.addi %add3A_419, %add3A_436 : i32
          %get3A_438 = arith.index_cast %add3A_437 : i32 to index
          %get3A_439 = arith.constant 0 : index
          %get3A_440 = tpu.vector_load %arg9[%get3A_438, %get3A_439] {strides = array<i32>} : memref<256x128xbf16, #tpu.memory_space<vmem>>, vector<32xbf16>,
          %max3A_441 = arith.maximumf %while3A_413, %get3A_440 : vector<32xbf16>
          %get3A_442 = arith.index_cast %add3A_437 : i32 to index
          %get3A_443 = arith.constant 32 : index
          %get3A_444 = tpu.vector_load %arg9[%get3A_442, %get3A_443] {strides = array<i32>} : memref<256x128xbf16, #tpu.memory_space<vmem>>, vector<32xbf16>,
          %max3A_445 = arith.maximumf %while3A_414, %get3A_444 : vector<32xbf16>
          %get3A_446 = arith.index_cast %add3A_437 : i32 to index
          %get3A_447 = arith.constant 64 : index
          %get3A_448 = tpu.vector_load %arg9[%get3A_446, %get3A_447] {strides = array<i32>} : memref<256x128xbf16, #tpu.memory_space<vmem>>, vector<32xbf16>,
          %max3A_449 = arith.maximumf %while3A_415, %get3A_448 : vector<32xbf16>
          %get3A_450 = arith.index_cast %add3A_437 : i32 to index
          %get3A_451 = arith.constant 96 : index
          %get3A_452 = tpu.vector_load %arg9[%get3A_450, %get3A_451] {strides = array<i32>} : memref<256x128xbf16, #tpu.memory_space<vmem>>, vector<32xbf16>,
          %max3A_453 = arith.maximumf %while3A_416, %get3A_452 : vector<32xbf16>
          %add3A_454 = arith.constant 2 : i32
          %add3A_455 = arith.addi %add3A_419, %add3A_454 : i32
          %get3A_456 = arith.index_cast %add3A_455 : i32 to index
          %get3A_457 = arith.constant 0 : index
          %get3A_458 = tpu.vector_load %arg9[%get3A_456, %get3A_457] {strides = array<i32>} : memref<256x128xbf16, #tpu.memory_space<vmem>>, vector<32xbf16>,
          %max3A_459 = arith.maximumf %max3A_423, %get3A_458 : vector<32xbf16>
          %get3A_460 = arith.index_cast %add3A_455 : i32 to index
          %get3A_461 = arith.constant 32 : index
          %get3A_462 = tpu.vector_load %arg9[%get3A_460, %get3A_461] {strides = array<i32>} : memref<256x128xbf16, #tpu.memory_space<vmem>>, vector<32xbf16>,
          %max3A_463 = arith.maximumf %max3A_427, %get3A_462 : vector<32xbf16>
          %get3A_464 = arith.index_cast %add3A_455 : i32 to index
          %get3A_465 = arith.constant 64 : index
          %get3A_466 = tpu.vector_load %arg9[%get3A_464, %get3A_465] {strides = array<i32>} : memref<256x128xbf16, #tpu.memory_space<vmem>>, vector<32xbf16>,
          %max3A_467 = arith.maximumf %max3A_431, %get3A_466 : vector<32xbf16>
          %get3A_468 = arith.index_cast %add3A_455 : i32 to index
          %get3A_469 = arith.constant 96 : index
          %get3A_470 = tpu.vector_load %arg9[%get3A_468, %get3A_469] {strides = array<i32>} : memref<256x128xbf16, #tpu.memory_space<vmem>>, vector<32xbf16>,
          %max3A_471 = arith.maximumf %max3A_435, %get3A_470 : vector<32xbf16>
          %add3A_472 = arith.constant 3 : i32
          %add3A_473 = arith.addi %add3A_419, %add3A_472 : i32
          %get3A_474 = arith.index_cast %add3A_473 : i32 to index
          %get3A_475 = arith.constant 0 : index
          %get3A_476 = tpu.vector_load %arg9[%get3A_474, %get3A_475] {strides = array<i32>} : memref<256x128xbf16, #tpu.memory_space<vmem>>, vector<32xbf16>,
          %max3A_477 = arith.maximumf %max3A_441, %get3A_476 : vector<32xbf16>
          %get3A_478 = arith.index_cast %add3A_473 : i32 to index
          %get3A_479 = arith.constant 32 : index
          %get3A_480 = tpu.vector_load %arg9[%get3A_478, %get3A_479] {strides = array<i32>} : memref<256x128xbf16, #tpu.memory_space<vmem>>, vector<32xbf16>,
          %max3A_481 = arith.maximumf %max3A_445, %get3A_480 : vector<32xbf16>
          %get3A_482 = arith.index_cast %add3A_473 : i32 to index
          %get3A_483 = arith.constant 64 : index
          %get3A_484 = tpu.vector_load %arg9[%get3A_482, %get3A_483] {strides = array<i32>} : memref<256x128xbf16, #tpu.memory_space<vmem>>, vector<32xbf16>,
          %max3A_485 = arith.maximumf %max3A_449, %get3A_484 : vector<32xbf16>
          %get3A_486 = arith.index_cast %add3A_473 : i32 to index
          %get3A_487 = arith.constant 96 : index
          %get3A_488 = tpu.vector_load %arg9[%get3A_486, %get3A_487] {strides = array<i32>} : memref<256x128xbf16, #tpu.memory_space<vmem>>, vector<32xbf16>,
          %max3A_489 = arith.maximumf %max3A_453, %get3A_488 : vector<32xbf16>
          scf.yield %max3A_459, %max3A_463, %max3A_467, %max3A_471, %max3A_477, %max3A_481, %max3A_485, %max3A_489 : vector<32xbf16>, vector<32xbf16>, vector<32xbf16>, vector<32xbf16>, vector<32xbf16>, vector<32xbf16>, vector<32xbf16>, vector<32xbf16>
        }
        %mul3A_371 = arith.constant 4 : i32
        %mul3A_372 = arith.muli %mul3A_371, %select_n3A_359 : i32
        %add3A_373 = arith.addi %sub3A_331, %mul3A_372 : i32
        %while3A_374 = arith.subi %sub3A_332, %add3A_373 : i32
        %while3A_375 = arith.addi %add3A_373, %while3A_374 : i32
        %while3A_376 = arith.constant 1 : i32
        %while3A_377 = arith.divsi %while3A_374, %while3A_376 : i32
        %while3A_378 = arith.muli %while3A_377, %while3A_376 : i32
        %while3A_379 = arith.addi %add3A_373, %while3A_378 : i32
        %while3A_380 = arith.constant 1 : i32
        %while3A_381:8 = scf.for %while3A_408 = %add3A_373 to %while3A_379 step %while3A_380 iter_args(%while3A_409 = %while3A_370#0, %while3A_410 = %while3A_370#1, %while3A_411 = %while3A_370#2, %while3A_412 = %while3A_370#3, %while3A_413 = %while3A_370#4, %while3A_414 = %while3A_370#5, %while3A_415 = %while3A_370#6, %while3A_416 = %while3A_370#7) -> (vector<32xbf16>, vector<32xbf16>, vector<32xbf16>, vector<32xbf16>, vector<32xbf16>, vector<32xbf16>, vector<32xbf16>, vector<32xbf16>)  : i32 {
          %get3A_417 = arith.index_cast %while3A_408 : i32 to index
          %get3A_418 = arith.constant 0 : index
          %get3A_419 = tpu.vector_load %arg9[%get3A_417, %get3A_418] {strides = array<i32>} : memref<256x128xbf16, #tpu.memory_space<vmem>>, vector<32xbf16>,
          %max3A_420 = arith.maximumf %while3A_409, %get3A_419 : vector<32xbf16>
          %get3A_421 = arith.index_cast %while3A_408 : i32 to index
          %get3A_422 = arith.constant 32 : index
          %get3A_423 = tpu.vector_load %arg9[%get3A_421, %get3A_422] {strides = array<i32>} : memref<256x128xbf16, #tpu.memory_space<vmem>>, vector<32xbf16>,
          %max3A_424 = arith.maximumf %while3A_410, %get3A_423 : vector<32xbf16>
          %get3A_425 = arith.index_cast %while3A_408 : i32 to index
          %get3A_426 = arith.constant 64 : index
          %get3A_427 = tpu.vector_load %arg9[%get3A_425, %get3A_426] {strides = array<i32>} : memref<256x128xbf16, #tpu.memory_space<vmem>>, vector<32xbf16>,
          %max3A_428 = arith.maximumf %while3A_411, %get3A_427 : vector<32xbf16>
          %get3A_429 = arith.index_cast %while3A_408 : i32 to index
          %get3A_430 = arith.constant 96 : index
          %get3A_431 = tpu.vector_load %arg9[%get3A_429, %get3A_430] {strides = array<i32>} : memref<256x128xbf16, #tpu.memory_space<vmem>>, vector<32xbf16>,
          %max3A_432 = arith.maximumf %while3A_412, %get3A_431 : vector<32xbf16>
          scf.yield %while3A_413, %while3A_414, %while3A_415, %while3A_416, %max3A_420, %max3A_424, %max3A_428, %max3A_432 : vector<32xbf16>, vector<32xbf16>, vector<32xbf16>, vector<32xbf16>, vector<32xbf16>, vector<32xbf16>, vector<32xbf16>, vector<32xbf16>
        }
        %while3A_382 = arith.constant 1 : i32
        %while3A_383:8 = scf.for %while3A_408 = %while3A_379 to %while3A_375 step %while3A_382 iter_args(%while3A_409 = %while3A_381#0, %while3A_410 = %while3A_381#1, %while3A_411 = %while3A_381#2, %while3A_412 = %while3A_381#3, %while3A_413 = %while3A_381#4, %while3A_414 = %while3A_381#5, %while3A_415 = %while3A_381#6, %while3A_416 = %while3A_381#7) -> (vector<32xbf16>, vector<32xbf16>, vector<32xbf16>, vector<32xbf16>, vector<32xbf16>, vector<32xbf16>, vector<32xbf16>, vector<32xbf16>)  : i32 {
          %get3A_417 = arith.index_cast %while3A_408 : i32 to index
          %get3A_418 = arith.constant 0 : index
          %get3A_419 = tpu.vector_load %arg9[%get3A_417, %get3A_418] {strides = array<i32>} : memref<256x128xbf16, #tpu.memory_space<vmem>>, vector<32xbf16>,
          %max3A_420 = arith.maximumf %while3A_409, %get3A_419 : vector<32xbf16>
          %get3A_421 = arith.index_cast %while3A_408 : i32 to index
          %get3A_422 = arith.constant 32 : index
          %get3A_423 = tpu.vector_load %arg9[%get3A_421, %get3A_422] {strides = array<i32>} : memref<256x128xbf16, #tpu.memory_space<vmem>>, vector<32xbf16>,
          %max3A_424 = arith.maximumf %while3A_410, %get3A_423 : vector<32xbf16>
          %get3A_425 = arith.index_cast %while3A_408 : i32 to index
          %get3A_426 = arith.constant 64 : index
          %get3A_427 = tpu.vector_load %arg9[%get3A_425, %get3A_426] {strides = array<i32>} : memref<256x128xbf16, #tpu.memory_space<vmem>>, vector<32xbf16>,
          %max3A_428 = arith.maximumf %while3A_411, %get3A_427 : vector<32xbf16>
          %get3A_429 = arith.index_cast %while3A_408 : i32 to index
          %get3A_430 = arith.constant 96 : index
          %get3A_431 = tpu.vector_load %arg9[%get3A_429, %get3A_430] {strides = array<i32>} : memref<256x128xbf16, #tpu.memory_space<vmem>>, vector<32xbf16>,
          %max3A_432 = arith.maximumf %while3A_412, %get3A_431 : vector<32xbf16>
          scf.yield %while3A_413, %while3A_414, %while3A_415, %while3A_416, %max3A_420, %max3A_424, %max3A_428, %max3A_432 : vector<32xbf16>, vector<32xbf16>, vector<32xbf16>, vector<32xbf16>, vector<32xbf16>, vector<32xbf16>, vector<32xbf16>, vector<32xbf16>
        }
        %max3A_384 = arith.maximumf %while3A_383#0, %while3A_383#4 : vector<32xbf16>
        %swap3A = arith.index_cast %while3A_321 : i32 to index
        %swap3A_385 = arith.constant 0 : index
        %swap3A_386 = tpu.vector_load %arg11[%swap3A, %swap3A_385] {strides = array<i32>} : memref<321x128xbf16, #tpu.memory_space<vmem>>, vector<32xbf16>,
        tpu.vector_store %arg11[%swap3A, %swap3A_385], %max3A_384 {strides = array<i32>} : memref<321x128xbf16, #tpu.memory_space<vmem>>, vector<32xbf16>,
        %max3A_387 = arith.maximumf %while3A_383#1, %while3A_383#5 : vector<32xbf16>
        %swap3A_388 = arith.index_cast %while3A_321 : i32 to index
        %swap3A_389 = arith.constant 32 : index
        %swap3A_390 = tpu.vector_load %arg11[%swap3A_388, %swap3A_389] {strides = array<i32>} : memref<321x128xbf16, #tpu.memory_space<vmem>>, vector<32xbf16>,
        tpu.vector_store %arg11[%swap3A_388, %swap3A_389], %max3A_387 {strides = array<i32>} : memref<321x128xbf16, #tpu.memory_space<vmem>>, vector<32xbf16>,
        %max3A_391 = arith.maximumf %while3A_383#2, %while3A_383#6 : vector<32xbf16>
        %swap3A_392 = arith.index_cast %while3A_321 : i32 to index
        %swap3A_393 = arith.constant 64 : index
        %swap3A_394 = tpu.vector_load %arg11[%swap3A_392, %swap3A_393] {strides = array<i32>} : memref<321x128xbf16, #tpu.memory_space<vmem>>, vector<32xbf16>,
        tpu.vector_store %arg11[%swap3A_392, %swap3A_393], %max3A_391 {strides = array<i32>} : memref<321x128xbf16, #tpu.memory_space<vmem>>, vector<32xbf16>,
        %max3A_395 = arith.maximumf %while3A_383#3, %while3A_383#7 : vector<32xbf16>
        %swap3A_396 = arith.index_cast %while3A_321 : i32 to index
        %swap3A_397 = arith.constant 96 : index
        %swap3A_398 = tpu.vector_load %arg11[%swap3A_396, %swap3A_397] {strides = array<i32>} : memref<321x128xbf16, #tpu.memory_space<vmem>>, vector<32xbf16>,
        tpu.vector_store %arg11[%swap3A_396, %swap3A_397], %max3A_395 {strides = array<i32>} : memref<321x128xbf16, #tpu.memory_space<vmem>>, vector<32xbf16>,
        %add3A_399 = arith.constant 1 : i32
        %add3A_400 = arith.addi %while3A_321, %add3A_399 : i32
        %while3A_401 = scf.while (%while3A_408 = %add3A_400) : (i32) -> i32 {
          %lt3A = arith.constant 320 : i32
          %lt3A_409 = arith.cmpi slt, %while3A_408, %lt3A : i32
          %add3A_410 = arith.constant 1 : i32
          %add3A_411 = arith.addi %while3A_408, %add3A_410 : i32
          %get3A_412 = arith.index_cast %add3A_411 : i32 to index
          %get3A_413 = tpu.vector_load %arg6[%get3A_412] {strides = array<i32>} : memref<344xi32, #tpu.memory_space<vmem>>, vector<16xi32>,
          %slice3A_414 = vector.extract_strided_slice %get3A_413 {offsets = [0], sizes = [1], strides = [1]} : vector<16xi32> to vector<1xi32>
          %squeeze3A_415 = vector.extract %slice3A_414[0] : i32 from vector<1xi32>
          %le3A = arith.cmpi sle, %squeeze3A_415, %while3A_322 : i32
          %and3A_416 = arith.andi %lt3A_409, %le3A : i1
          scf.condition(%and3A_416) %while3A_408 : i32
        } do {
        ^bb0(%while3A_408: i32):
          %add3A_409 = arith.constant 1 : i32
          %add3A_410 = arith.addi %while3A_408, %add3A_409 : i32
          scf.yield %add3A_410 : i32
        }
        %add3A_402 = arith.constant 1 : i32
        %add3A_403 = arith.addi %while3A_401, %add3A_402 : i32
        %get3A_404 = arith.index_cast %add3A_403 : i32 to index
        %get3A_405 = tpu.vector_load %arg6[%get3A_404] {strides = array<i32>} : memref<344xi32, #tpu.memory_space<vmem>>, vector<16xi32>,
        %slice3A_406 = vector.extract_strided_slice %get3A_405 {offsets = [0], sizes = [1], strides = [1]} : vector<16xi32> to vector<1xi32>
        %squeeze3A_407 = vector.extract %slice3A_406[0] : i32 from vector<1xi32>
        scf.yield %while3A_322, %while3A_401, %squeeze3A_407, %broadcast_in_dim3A_3, %broadcast_in_dim3A_3, %broadcast_in_dim3A_3, %broadcast_in_dim3A_3, %broadcast_in_dim3A_3, %broadcast_in_dim3A_3, %broadcast_in_dim3A_3, %broadcast_in_dim3A_3 : i32, i32, i32, vector<32xbf16>, vector<32xbf16>, vector<32xbf16>, vector<32xbf16>, vector<32xbf16>, vector<32xbf16>, vector<32xbf16>, vector<32xbf16>
      }
      %sub3A_180 = arith.subi %while3A_179#0, %add3A_172 : i32
      %sub3A_181 = arith.subi %add3A_177, %add3A_172 : i32
      %sub3A_182 = arith.subi %sub3A_181, %sub3A_180 : i32
      %max3A_183 = arith.constant 0 : i32
      %max3A_184 = arith.maxsi %sub3A_182, %max3A_183 : i32
      %jit3A_185 = arith.constant 4 : i32
      %div3A_186 = arith.divsi %max3A_184, %jit3A_185 : i32
      %sign3A_187 = arith.constant 0 : i32
      %sign3A_188 = arith.cmpi sgt, %max3A_184, %sign3A_187 : i32
      %sign3A_189 = arith.extui %sign3A_188 : i1 to i32
      %sign3A_190 = arith.constant 0 : i32
      %sign3A_191 = arith.cmpi slt, %max3A_184, %sign3A_190 : i32
      %sign3A_192 = arith.extui %sign3A_191 : i1 to i32
      %sign3A_193 = arith.subi %sign3A_189, %sign3A_192 : i32
      %sign3A_194 = arith.constant 0 : i32
      %sign3A_195 = arith.cmpi sgt, %jit3A_185, %sign3A_194 : i32
      %sign3A_196 = arith.extui %sign3A_195 : i1 to i32
      %sign3A_197 = arith.constant 0 : i32
      %sign3A_198 = arith.cmpi slt, %jit3A_185, %sign3A_197 : i32
      %sign3A_199 = arith.extui %sign3A_198 : i1 to i32
      %sign3A_200 = arith.subi %sign3A_196, %sign3A_199 : i32
      %ne3A_201 = arith.cmpi ne, %sign3A_193, %sign3A_200 : i32
      %rem3A_202 = arith.remsi %max3A_184, %jit3A_185 : i32
      %ne3A_203 = arith.constant 0 : i32
      %ne3A_204 = arith.cmpi ne, %rem3A_202, %ne3A_203 : i32
      %and3A_205 = arith.andi %ne3A_201, %ne3A_204 : i1
      %sub3A_206 = arith.constant 1 : i32
      %sub3A_207 = arith.subi %div3A_186, %sub3A_206 : i32
      %select_n3A_208 = arith.select %and3A_205, %sub3A_207, %div3A_186 : i32
      %while3A_209 = arith.constant 0 : i32
      %while3A_210 = arith.subi %select_n3A_208, %while3A_209 : i32
      %while3A_211 = arith.addi %while3A_209, %while3A_210 : i32
      %while3A_212 = arith.constant 1 : i32
      %while3A_213 = arith.divsi %while3A_210, %while3A_212 : i32
      %while3A_214 = arith.muli %while3A_213, %while3A_212 : i32
      %while3A_215 = arith.addi %while3A_209, %while3A_214 : i32
      %while3A_216 = arith.constant 1 : i32
      %while3A_217:8 = scf.for %while3A_320 = %while3A_209 to %while3A_215 step %while3A_216 iter_args(%while3A_321 = %while3A_179#3, %while3A_322 = %while3A_179#4, %while3A_323 = %while3A_179#5, %while3A_324 = %while3A_179#6, %while3A_325 = %while3A_179#7, %while3A_326 = %while3A_179#8, %while3A_327 = %while3A_179#9, %while3A_328 = %while3A_179#10) -> (vector<32xbf16>, vector<32xbf16>, vector<32xbf16>, vector<32xbf16>, vector<32xbf16>, vector<32xbf16>, vector<32xbf16>, vector<32xbf16>)  : i32 {
        %mul3A_329 = arith.constant 4 : i32
        %mul3A_330 = arith.muli %mul3A_329, %while3A_320 : i32
        %add3A_331 = arith.addi %sub3A_180, %mul3A_330 : i32
        %get3A_332 = arith.index_cast %add3A_331 : i32 to index
        %get3A_333 = arith.constant 0 : index
        %get3A_334 = tpu.vector_load %arg9[%get3A_332, %get3A_333] {strides = array<i32>} : memref<256x128xbf16, #tpu.memory_space<vmem>>, vector<32xbf16>,
        %max3A_335 = arith.maximumf %while3A_321, %get3A_334 : vector<32xbf16>
        %get3A_336 = arith.index_cast %add3A_331 : i32 to index
        %get3A_337 = arith.constant 32 : index
        %get3A_338 = tpu.vector_load %arg9[%get3A_336, %get3A_337] {strides = array<i32>} : memref<256x128xbf16, #tpu.memory_space<vmem>>, vector<32xbf16>,
        %max3A_339 = arith.maximumf %while3A_322, %get3A_338 : vector<32xbf16>
        %get3A_340 = arith.index_cast %add3A_331 : i32 to index
        %get3A_341 = arith.constant 64 : index
        %get3A_342 = tpu.vector_load %arg9[%get3A_340, %get3A_341] {strides = array<i32>} : memref<256x128xbf16, #tpu.memory_space<vmem>>, vector<32xbf16>,
        %max3A_343 = arith.maximumf %while3A_323, %get3A_342 : vector<32xbf16>
        %get3A_344 = arith.index_cast %add3A_331 : i32 to index
        %get3A_345 = arith.constant 96 : index
        %get3A_346 = tpu.vector_load %arg9[%get3A_344, %get3A_345] {strides = array<i32>} : memref<256x128xbf16, #tpu.memory_space<vmem>>, vector<32xbf16>,
        %max3A_347 = arith.maximumf %while3A_324, %get3A_346 : vector<32xbf16>
        %add3A_348 = arith.constant 1 : i32
        %add3A_349 = arith.addi %add3A_331, %add3A_348 : i32
        %get3A_350 = arith.index_cast %add3A_349 : i32 to index
        %get3A_351 = arith.constant 0 : index
        %get3A_352 = tpu.vector_load %arg9[%get3A_350, %get3A_351] {strides = array<i32>} : memref<256x128xbf16, #tpu.memory_space<vmem>>, vector<32xbf16>,
        %max3A_353 = arith.maximumf %while3A_325, %get3A_352 : vector<32xbf16>
        %get3A_354 = arith.index_cast %add3A_349 : i32 to index
        %get3A_355 = arith.constant 32 : index
        %get3A_356 = tpu.vector_load %arg9[%get3A_354, %get3A_355] {strides = array<i32>} : memref<256x128xbf16, #tpu.memory_space<vmem>>, vector<32xbf16>,
        %max3A_357 = arith.maximumf %while3A_326, %get3A_356 : vector<32xbf16>
        %get3A_358 = arith.index_cast %add3A_349 : i32 to index
        %get3A_359 = arith.constant 64 : index
        %get3A_360 = tpu.vector_load %arg9[%get3A_358, %get3A_359] {strides = array<i32>} : memref<256x128xbf16, #tpu.memory_space<vmem>>, vector<32xbf16>,
        %max3A_361 = arith.maximumf %while3A_327, %get3A_360 : vector<32xbf16>
        %get3A_362 = arith.index_cast %add3A_349 : i32 to index
        %get3A_363 = arith.constant 96 : index
        %get3A_364 = tpu.vector_load %arg9[%get3A_362, %get3A_363] {strides = array<i32>} : memref<256x128xbf16, #tpu.memory_space<vmem>>, vector<32xbf16>,
        %max3A_365 = arith.maximumf %while3A_328, %get3A_364 : vector<32xbf16>
        %add3A_366 = arith.constant 2 : i32
        %add3A_367 = arith.addi %add3A_331, %add3A_366 : i32
        %get3A_368 = arith.index_cast %add3A_367 : i32 to index
        %get3A_369 = arith.constant 0 : index
        %get3A_370 = tpu.vector_load %arg9[%get3A_368, %get3A_369] {strides = array<i32>} : memref<256x128xbf16, #tpu.memory_space<vmem>>, vector<32xbf16>,
        %max3A_371 = arith.maximumf %max3A_335, %get3A_370 : vector<32xbf16>
        %get3A_372 = arith.index_cast %add3A_367 : i32 to index
        %get3A_373 = arith.constant 32 : index
        %get3A_374 = tpu.vector_load %arg9[%get3A_372, %get3A_373] {strides = array<i32>} : memref<256x128xbf16, #tpu.memory_space<vmem>>, vector<32xbf16>,
        %max3A_375 = arith.maximumf %max3A_339, %get3A_374 : vector<32xbf16>
        %get3A_376 = arith.index_cast %add3A_367 : i32 to index
        %get3A_377 = arith.constant 64 : index
        %get3A_378 = tpu.vector_load %arg9[%get3A_376, %get3A_377] {strides = array<i32>} : memref<256x128xbf16, #tpu.memory_space<vmem>>, vector<32xbf16>,
        %max3A_379 = arith.maximumf %max3A_343, %get3A_378 : vector<32xbf16>
        %get3A_380 = arith.index_cast %add3A_367 : i32 to index
        %get3A_381 = arith.constant 96 : index
        %get3A_382 = tpu.vector_load %arg9[%get3A_380, %get3A_381] {strides = array<i32>} : memref<256x128xbf16, #tpu.memory_space<vmem>>, vector<32xbf16>,
        %max3A_383 = arith.maximumf %max3A_347, %get3A_382 : vector<32xbf16>
        %add3A_384 = arith.constant 3 : i32
        %add3A_385 = arith.addi %add3A_331, %add3A_384 : i32
        %get3A_386 = arith.index_cast %add3A_385 : i32 to index
        %get3A_387 = arith.constant 0 : index
        %get3A_388 = tpu.vector_load %arg9[%get3A_386, %get3A_387] {strides = array<i32>} : memref<256x128xbf16, #tpu.memory_space<vmem>>, vector<32xbf16>,
        %max3A_389 = arith.maximumf %max3A_353, %get3A_388 : vector<32xbf16>
        %get3A_390 = arith.index_cast %add3A_385 : i32 to index
        %get3A_391 = arith.constant 32 : index
        %get3A_392 = tpu.vector_load %arg9[%get3A_390, %get3A_391] {strides = array<i32>} : memref<256x128xbf16, #tpu.memory_space<vmem>>, vector<32xbf16>,
        %max3A_393 = arith.maximumf %max3A_357, %get3A_392 : vector<32xbf16>
        %get3A_394 = arith.index_cast %add3A_385 : i32 to index
        %get3A_395 = arith.constant 64 : index
        %get3A_396 = tpu.vector_load %arg9[%get3A_394, %get3A_395] {strides = array<i32>} : memref<256x128xbf16, #tpu.memory_space<vmem>>, vector<32xbf16>,
        %max3A_397 = arith.maximumf %max3A_361, %get3A_396 : vector<32xbf16>
        %get3A_398 = arith.index_cast %add3A_385 : i32 to index
        %get3A_399 = arith.constant 96 : index
        %get3A_400 = tpu.vector_load %arg9[%get3A_398, %get3A_399] {strides = array<i32>} : memref<256x128xbf16, #tpu.memory_space<vmem>>, vector<32xbf16>,
        %max3A_401 = arith.maximumf %max3A_365, %get3A_400 : vector<32xbf16>
        scf.yield %max3A_371, %max3A_375, %max3A_379, %max3A_383, %max3A_389, %max3A_393, %max3A_397, %max3A_401 : vector<32xbf16>, vector<32xbf16>, vector<32xbf16>, vector<32xbf16>, vector<32xbf16>, vector<32xbf16>, vector<32xbf16>, vector<32xbf16>
      }
      %while3A_218 = arith.constant 1 : i32
      %while3A_219:8 = scf.for %while3A_320 = %while3A_215 to %while3A_211 step %while3A_218 iter_args(%while3A_321 = %while3A_217#0, %while3A_322 = %while3A_217#1, %while3A_323 = %while3A_217#2, %while3A_324 = %while3A_217#3, %while3A_325 = %while3A_217#4, %while3A_326 = %while3A_217#5, %while3A_327 = %while3A_217#6, %while3A_328 = %while3A_217#7) -> (vector<32xbf16>, vector<32xbf16>, vector<32xbf16>, vector<32xbf16>, vector<32xbf16>, vector<32xbf16>, vector<32xbf16>, vector<32xbf16>)  : i32 {
        %mul3A_329 = arith.constant 4 : i32
        %mul3A_330 = arith.muli %mul3A_329, %while3A_320 : i32
        %add3A_331 = arith.addi %sub3A_180, %mul3A_330 : i32
        %get3A_332 = arith.index_cast %add3A_331 : i32 to index
        %get3A_333 = arith.constant 0 : index
        %get3A_334 = tpu.vector_load %arg9[%get3A_332, %get3A_333] {strides = array<i32>} : memref<256x128xbf16, #tpu.memory_space<vmem>>, vector<32xbf16>,
        %max3A_335 = arith.maximumf %while3A_321, %get3A_334 : vector<32xbf16>
        %get3A_336 = arith.index_cast %add3A_331 : i32 to index
        %get3A_337 = arith.constant 32 : index
        %get3A_338 = tpu.vector_load %arg9[%get3A_336, %get3A_337] {strides = array<i32>} : memref<256x128xbf16, #tpu.memory_space<vmem>>, vector<32xbf16>,
        %max3A_339 = arith.maximumf %while3A_322, %get3A_338 : vector<32xbf16>
        %get3A_340 = arith.index_cast %add3A_331 : i32 to index
        %get3A_341 = arith.constant 64 : index
        %get3A_342 = tpu.vector_load %arg9[%get3A_340, %get3A_341] {strides = array<i32>} : memref<256x128xbf16, #tpu.memory_space<vmem>>, vector<32xbf16>,
        %max3A_343 = arith.maximumf %while3A_323, %get3A_342 : vector<32xbf16>
        %get3A_344 = arith.index_cast %add3A_331 : i32 to index
        %get3A_345 = arith.constant 96 : index
        %get3A_346 = tpu.vector_load %arg9[%get3A_344, %get3A_345] {strides = array<i32>} : memref<256x128xbf16, #tpu.memory_space<vmem>>, vector<32xbf16>,
        %max3A_347 = arith.maximumf %while3A_324, %get3A_346 : vector<32xbf16>
        %add3A_348 = arith.constant 1 : i32
        %add3A_349 = arith.addi %add3A_331, %add3A_348 : i32
        %get3A_350 = arith.index_cast %add3A_349 : i32 to index
        %get3A_351 = arith.constant 0 : index
        %get3A_352 = tpu.vector_load %arg9[%get3A_350, %get3A_351] {strides = array<i32>} : memref<256x128xbf16, #tpu.memory_space<vmem>>, vector<32xbf16>,
        %max3A_353 = arith.maximumf %while3A_325, %get3A_352 : vector<32xbf16>
        %get3A_354 = arith.index_cast %add3A_349 : i32 to index
        %get3A_355 = arith.constant 32 : index
        %get3A_356 = tpu.vector_load %arg9[%get3A_354, %get3A_355] {strides = array<i32>} : memref<256x128xbf16, #tpu.memory_space<vmem>>, vector<32xbf16>,
        %max3A_357 = arith.maximumf %while3A_326, %get3A_356 : vector<32xbf16>
        %get3A_358 = arith.index_cast %add3A_349 : i32 to index
        %get3A_359 = arith.constant 64 : index
        %get3A_360 = tpu.vector_load %arg9[%get3A_358, %get3A_359] {strides = array<i32>} : memref<256x128xbf16, #tpu.memory_space<vmem>>, vector<32xbf16>,
        %max3A_361 = arith.maximumf %while3A_327, %get3A_360 : vector<32xbf16>
        %get3A_362 = arith.index_cast %add3A_349 : i32 to index
        %get3A_363 = arith.constant 96 : index
        %get3A_364 = tpu.vector_load %arg9[%get3A_362, %get3A_363] {strides = array<i32>} : memref<256x128xbf16, #tpu.memory_space<vmem>>, vector<32xbf16>,
        %max3A_365 = arith.maximumf %while3A_328, %get3A_364 : vector<32xbf16>
        %add3A_366 = arith.constant 2 : i32
        %add3A_367 = arith.addi %add3A_331, %add3A_366 : i32
        %get3A_368 = arith.index_cast %add3A_367 : i32 to index
        %get3A_369 = arith.constant 0 : index
        %get3A_370 = tpu.vector_load %arg9[%get3A_368, %get3A_369] {strides = array<i32>} : memref<256x128xbf16, #tpu.memory_space<vmem>>, vector<32xbf16>,
        %max3A_371 = arith.maximumf %max3A_335, %get3A_370 : vector<32xbf16>
        %get3A_372 = arith.index_cast %add3A_367 : i32 to index
        %get3A_373 = arith.constant 32 : index
        %get3A_374 = tpu.vector_load %arg9[%get3A_372, %get3A_373] {strides = array<i32>} : memref<256x128xbf16, #tpu.memory_space<vmem>>, vector<32xbf16>,
        %max3A_375 = arith.maximumf %max3A_339, %get3A_374 : vector<32xbf16>
        %get3A_376 = arith.index_cast %add3A_367 : i32 to index
        %get3A_377 = arith.constant 64 : index
        %get3A_378 = tpu.vector_load %arg9[%get3A_376, %get3A_377] {strides = array<i32>} : memref<256x128xbf16, #tpu.memory_space<vmem>>, vector<32xbf16>,
        %max3A_379 = arith.maximumf %max3A_343, %get3A_378 : vector<32xbf16>
        %get3A_380 = arith.index_cast %add3A_367 : i32 to index
        %get3A_381 = arith.constant 96 : index
        %get3A_382 = tpu.vector_load %arg9[%get3A_380, %get3A_381] {strides = array<i32>} : memref<256x128xbf16, #tpu.memory_space<vmem>>, vector<32xbf16>,
        %max3A_383 = arith.maximumf %max3A_347, %get3A_382 : vector<32xbf16>
        %add3A_384 = arith.constant 3 : i32
        %add3A_385 = arith.addi %add3A_331, %add3A_384 : i32
        %get3A_386 = arith.index_cast %add3A_385 : i32 to index
        %get3A_387 = arith.constant 0 : index
        %get3A_388 = tpu.vector_load %arg9[%get3A_386, %get3A_387] {strides = array<i32>} : memref<256x128xbf16, #tpu.memory_space<vmem>>, vector<32xbf16>,
        %max3A_389 = arith.maximumf %max3A_353, %get3A_388 : vector<32xbf16>
        %get3A_390 = arith.index_cast %add3A_385 : i32 to index
        %get3A_391 = arith.constant 32 : index
        %get3A_392 = tpu.vector_load %arg9[%get3A_390, %get3A_391] {strides = array<i32>} : memref<256x128xbf16, #tpu.memory_space<vmem>>, vector<32xbf16>,
        %max3A_393 = arith.maximumf %max3A_357, %get3A_392 : vector<32xbf16>
        %get3A_394 = arith.index_cast %add3A_385 : i32 to index
        %get3A_395 = arith.constant 64 : index
        %get3A_396 = tpu.vector_load %arg9[%get3A_394, %get3A_395] {strides = array<i32>} : memref<256x128xbf16, #tpu.memory_space<vmem>>, vector<32xbf16>,
        %max3A_397 = arith.maximumf %max3A_361, %get3A_396 : vector<32xbf16>
        %get3A_398 = arith.index_cast %add3A_385 : i32 to index
        %get3A_399 = arith.constant 96 : index
        %get3A_400 = tpu.vector_load %arg9[%get3A_398, %get3A_399] {strides = array<i32>} : memref<256x128xbf16, #tpu.memory_space<vmem>>, vector<32xbf16>,
        %max3A_401 = arith.maximumf %max3A_365, %get3A_400 : vector<32xbf16>
        scf.yield %max3A_371, %max3A_375, %max3A_379, %max3A_383, %max3A_389, %max3A_393, %max3A_397, %max3A_401 : vector<32xbf16>, vector<32xbf16>, vector<32xbf16>, vector<32xbf16>, vector<32xbf16>, vector<32xbf16>, vector<32xbf16>, vector<32xbf16>
      }
      %mul3A_220 = arith.constant 4 : i32
      %mul3A_221 = arith.muli %mul3A_220, %select_n3A_208 : i32
      %add3A_222 = arith.addi %sub3A_180, %mul3A_221 : i32
      %while3A_223 = arith.subi %sub3A_181, %add3A_222 : i32
      %while3A_224 = arith.addi %add3A_222, %while3A_223 : i32
      %while3A_225 = arith.constant 1 : i32
      %while3A_226 = arith.divsi %while3A_223, %while3A_225 : i32
      %while3A_227 = arith.muli %while3A_226, %while3A_225 : i32
      %while3A_228 = arith.addi %add3A_222, %while3A_227 : i32
      %while3A_229 = arith.constant 1 : i32
      %while3A_230:8 = scf.for %while3A_320 = %add3A_222 to %while3A_228 step %while3A_229 iter_args(%while3A_321 = %while3A_219#0, %while3A_322 = %while3A_219#1, %while3A_323 = %while3A_219#2, %while3A_324 = %while3A_219#3, %while3A_325 = %while3A_219#4, %while3A_326 = %while3A_219#5, %while3A_327 = %while3A_219#6, %while3A_328 = %while3A_219#7) -> (vector<32xbf16>, vector<32xbf16>, vector<32xbf16>, vector<32xbf16>, vector<32xbf16>, vector<32xbf16>, vector<32xbf16>, vector<32xbf16>)  : i32 {
        %get3A_329 = arith.index_cast %while3A_320 : i32 to index
        %get3A_330 = arith.constant 0 : index
        %get3A_331 = tpu.vector_load %arg9[%get3A_329, %get3A_330] {strides = array<i32>} : memref<256x128xbf16, #tpu.memory_space<vmem>>, vector<32xbf16>,
        %max3A_332 = arith.maximumf %while3A_321, %get3A_331 : vector<32xbf16>
        %get3A_333 = arith.index_cast %while3A_320 : i32 to index
        %get3A_334 = arith.constant 32 : index
        %get3A_335 = tpu.vector_load %arg9[%get3A_333, %get3A_334] {strides = array<i32>} : memref<256x128xbf16, #tpu.memory_space<vmem>>, vector<32xbf16>,
        %max3A_336 = arith.maximumf %while3A_322, %get3A_335 : vector<32xbf16>
        %get3A_337 = arith.index_cast %while3A_320 : i32 to index
        %get3A_338 = arith.constant 64 : index
        %get3A_339 = tpu.vector_load %arg9[%get3A_337, %get3A_338] {strides = array<i32>} : memref<256x128xbf16, #tpu.memory_space<vmem>>, vector<32xbf16>,
        %max3A_340 = arith.maximumf %while3A_323, %get3A_339 : vector<32xbf16>
        %get3A_341 = arith.index_cast %while3A_320 : i32 to index
        %get3A_342 = arith.constant 96 : index
        %get3A_343 = tpu.vector_load %arg9[%get3A_341, %get3A_342] {strides = array<i32>} : memref<256x128xbf16, #tpu.memory_space<vmem>>, vector<32xbf16>,
        %max3A_344 = arith.maximumf %while3A_324, %get3A_343 : vector<32xbf16>
        scf.yield %while3A_325, %while3A_326, %while3A_327, %while3A_328, %max3A_332, %max3A_336, %max3A_340, %max3A_344 : vector<32xbf16>, vector<32xbf16>, vector<32xbf16>, vector<32xbf16>, vector<32xbf16>, vector<32xbf16>, vector<32xbf16>, vector<32xbf16>
      }
      %while3A_231 = arith.constant 1 : i32
      %while3A_232:8 = scf.for %while3A_320 = %while3A_228 to %while3A_224 step %while3A_231 iter_args(%while3A_321 = %while3A_230#0, %while3A_322 = %while3A_230#1, %while3A_323 = %while3A_230#2, %while3A_324 = %while3A_230#3, %while3A_325 = %while3A_230#4, %while3A_326 = %while3A_230#5, %while3A_327 = %while3A_230#6, %while3A_328 = %while3A_230#7) -> (vector<32xbf16>, vector<32xbf16>, vector<32xbf16>, vector<32xbf16>, vector<32xbf16>, vector<32xbf16>, vector<32xbf16>, vector<32xbf16>)  : i32 {
        %get3A_329 = arith.index_cast %while3A_320 : i32 to index
        %get3A_330 = arith.constant 0 : index
        %get3A_331 = tpu.vector_load %arg9[%get3A_329, %get3A_330] {strides = array<i32>} : memref<256x128xbf16, #tpu.memory_space<vmem>>, vector<32xbf16>,
        %max3A_332 = arith.maximumf %while3A_321, %get3A_331 : vector<32xbf16>
        %get3A_333 = arith.index_cast %while3A_320 : i32 to index
        %get3A_334 = arith.constant 32 : index
        %get3A_335 = tpu.vector_load %arg9[%get3A_333, %get3A_334] {strides = array<i32>} : memref<256x128xbf16, #tpu.memory_space<vmem>>, vector<32xbf16>,
        %max3A_336 = arith.maximumf %while3A_322, %get3A_335 : vector<32xbf16>
        %get3A_337 = arith.index_cast %while3A_320 : i32 to index
        %get3A_338 = arith.constant 64 : index
        %get3A_339 = tpu.vector_load %arg9[%get3A_337, %get3A_338] {strides = array<i32>} : memref<256x128xbf16, #tpu.memory_space<vmem>>, vector<32xbf16>,
        %max3A_340 = arith.maximumf %while3A_323, %get3A_339 : vector<32xbf16>
        %get3A_341 = arith.index_cast %while3A_320 : i32 to index
        %get3A_342 = arith.constant 96 : index
        %get3A_343 = tpu.vector_load %arg9[%get3A_341, %get3A_342] {strides = array<i32>} : memref<256x128xbf16, #tpu.memory_space<vmem>>, vector<32xbf16>,
        %max3A_344 = arith.maximumf %while3A_324, %get3A_343 : vector<32xbf16>
        scf.yield %while3A_325, %while3A_326, %while3A_327, %while3A_328, %max3A_332, %max3A_336, %max3A_340, %max3A_344 : vector<32xbf16>, vector<32xbf16>, vector<32xbf16>, vector<32xbf16>, vector<32xbf16>, vector<32xbf16>, vector<32xbf16>, vector<32xbf16>
      }
      %mul3A_233 = arith.constant 2 : i32
      %mul3A_234 = arith.muli %mul3A_233, %while3A_137 : i32
      %add3A_235 = arith.constant 1 : i32
      %add3A_236 = arith.addi %mul3A_234, %add3A_235 : i32
      %dma_wait3A_237 = arith.constant 0 : i32
      %dma_wait3A_238 = tpu.memref_slice %arg3[%dma_wait3A_237] : memref<321024xi32, #tpu.memory_space<hbm>> -> memref<256xi32, #tpu.memory_space<hbm>>
      %dma_wait3A_239 = arith.constant 0 : i32
      %dma_wait3A_240 = tpu.memref_slice %arg3[%dma_wait3A_239] : memref<321024xi32, #tpu.memory_space<hbm>> -> memref<256xi32, #tpu.memory_space<hbm>>
      tpu.wait_dma2 semaphore(%arg13 : memref<!tpu.dma_semaphore, #tpu.memory_space<semaphore_mem>>) src(%dma_wait3A_240 : memref<256xi32, #tpu.memory_space<hbm>>) dst(%arg7 : memref<256xi32, #tpu.memory_space<vmem>>)
      %dma_start3A_241 = arith.constant 0 : i32
      %dma_start3A_242 = arith.constant 0 : i32
      %dma_start3A_243 = tpu.memref_slice %arg12[%dma_start3A_241, %dma_start3A_242] : memref<10112x128xbf16, #tpu.memory_space<vmem_shared>> -> memref<10112x128xbf16, #tpu.memory_space<vmem_shared>>
      tpu.enqueue_indirect_dma source(%dma_start3A_243 : memref<10112x128xbf16, #tpu.memory_space<vmem_shared>>) target(%arg9 : memref<256x128xbf16, #tpu.memory_space<vmem>>) offsets(%arg7 : memref<256xi32, #tpu.memory_space<vmem>>) semaphore(%arg15 : memref<!tpu.dma_semaphore, #tpu.memory_space<semaphore_mem>>)
      %dma_wait3A_244 = arith.constant 0 : i32
      %dma_wait3A_245 = arith.constant 0 : i32
      %dma_wait3A_246 = tpu.memref_slice %arg12[%dma_wait3A_244, %dma_wait3A_245] : memref<10112x128xbf16, #tpu.memory_space<vmem_shared>> -> memref<10112x128xbf16, #tpu.memory_space<vmem_shared>>
      tpu.wait_indirect_dma semaphore(%arg16 : memref<!tpu.dma_semaphore, #tpu.memory_space<semaphore_mem>>) src(%dma_wait3A_246 : memref<10112x128xbf16, #tpu.memory_space<vmem_shared>>) dst(%arg10 : memref<256x128xbf16, #tpu.memory_space<vmem>>)
      %add3A_247 = arith.constant 2 : i32
      %add3A_248 = arith.addi %add3A_236, %add3A_247 : i32
      %mul3A_249 = arith.constant 256 : i32
      %mul3A_250 = arith.muli %add3A_248, %mul3A_249 : i32
      %add3A_251 = arith.addi %and3A_14, %mul3A_250 : i32
      %multiple_of3A_252 = tpu.assume_multiple %add3A_251, 8 : i32
      %dma_start3A_253 = tpu.memref_slice %arg3[%multiple_of3A_252] : memref<321024xi32, #tpu.memory_space<hbm>> -> memref<256xi32, #tpu.memory_space<hbm>>
      %dma_start3A_254 = tpu.memref_slice %arg3[%multiple_of3A_252] : memref<321024xi32, #tpu.memory_space<hbm>> -> memref<256xi32, #tpu.memory_space<hbm>>
      tpu.enqueue_dma source(%dma_start3A_254 : memref<256xi32, #tpu.memory_space<hbm>>) target(%arg8 : memref<256xi32, #tpu.memory_space<vmem>>) target_semaphore(%arg14 : memref<!tpu.dma_semaphore, #tpu.memory_space<semaphore_mem>>)
      %mul3A_255 = arith.constant 256 : i32
      %mul3A_256 = arith.muli %add3A_236, %mul3A_255 : i32
      %add3A_257 = arith.addi %and3A_14, %mul3A_256 : i32
      %sub3A_258 = arith.subi %squeeze3A, %add3A_257 : i32
      %max3A_259 = arith.constant 0 : i32
      %max3A_260 = arith.maxsi %max3A_259, %sub3A_258 : i32
      %sub3A_261 = arith.subi %squeeze3A_13, %add3A_257 : i32
      %min3A_262 = arith.constant 256 : i32
      %min3A_263 = arith.minsi %min3A_262, %sub3A_261 : i32
      %add3A_264 = arith.addi %add3A_257, %min3A_263 : i32
      %add3A_265 = arith.addi %add3A_257, %max3A_260 : i32
      %while3A_266:11 = scf.while (%while3A_320 = %add3A_265, %while3A_321 = %while3A_179#1, %while3A_322 = %while3A_179#2, %while3A_323 = %while3A_232#0, %while3A_324 = %while3A_232#1, %while3A_325 = %while3A_232#2, %while3A_326 = %while3A_232#3, %while3A_327 = %while3A_232#4, %while3A_328 = %while3A_232#5, %while3A_329 = %while3A_232#6, %while3A_330 = %while3A_232#7) : (i32, i32, i32, vector<32xbf16>, vector<32xbf16>, vector<32xbf16>, vector<32xbf16>, vector<32xbf16>, vector<32xbf16>, vector<32xbf16>, vector<32xbf16>) -> (i32, i32, i32, vector<32xbf16>, vector<32xbf16>, vector<32xbf16>, vector<32xbf16>, vector<32xbf16>, vector<32xbf16>, vector<32xbf16>, vector<32xbf16>) {
        %lt3A = arith.cmpi slt, %while3A_322, %add3A_264 : i32
        scf.condition(%lt3A) %while3A_320, %while3A_321, %while3A_322, %while3A_323, %while3A_324, %while3A_325, %while3A_326, %while3A_327, %while3A_328, %while3A_329, %while3A_330 : i32, i32, i32, vector<32xbf16>, vector<32xbf16>, vector<32xbf16>, vector<32xbf16>, vector<32xbf16>, vector<32xbf16>, vector<32xbf16>, vector<32xbf16>
      } do {
      ^bb0(%while3A_320: i32, %while3A_321: i32, %while3A_322: i32, %while3A_323: vector<32xbf16>, %while3A_324: vector<32xbf16>, %while3A_325: vector<32xbf16>, %while3A_326: vector<32xbf16>, %while3A_327: vector<32xbf16>, %while3A_328: vector<32xbf16>, %while3A_329: vector<32xbf16>, %while3A_330: vector<32xbf16>):
        %sub3A_331 = arith.subi %while3A_320, %add3A_257 : i32
        %sub3A_332 = arith.subi %while3A_322, %add3A_257 : i32
        %sub3A_333 = arith.subi %sub3A_332, %sub3A_331 : i32
        %max3A_334 = arith.constant 0 : i32
        %max3A_335 = arith.maxsi %sub3A_333, %max3A_334 : i32
        %jit3A_336 = arith.constant 4 : i32
        %div3A_337 = arith.divsi %max3A_335, %jit3A_336 : i32
        %sign3A_338 = arith.constant 0 : i32
        %sign3A_339 = arith.cmpi sgt, %max3A_335, %sign3A_338 : i32
        %sign3A_340 = arith.extui %sign3A_339 : i1 to i32
        %sign3A_341 = arith.constant 0 : i32
        %sign3A_342 = arith.cmpi slt, %max3A_335, %sign3A_341 : i32
        %sign3A_343 = arith.extui %sign3A_342 : i1 to i32
        %sign3A_344 = arith.subi %sign3A_340, %sign3A_343 : i32
        %sign3A_345 = arith.constant 0 : i32
        %sign3A_346 = arith.cmpi sgt, %jit3A_336, %sign3A_345 : i32
        %sign3A_347 = arith.extui %sign3A_346 : i1 to i32
        %sign3A_348 = arith.constant 0 : i32
        %sign3A_349 = arith.cmpi slt, %jit3A_336, %sign3A_348 : i32
        %sign3A_350 = arith.extui %sign3A_349 : i1 to i32
        %sign3A_351 = arith.subi %sign3A_347, %sign3A_350 : i32
        %ne3A_352 = arith.cmpi ne, %sign3A_344, %sign3A_351 : i32
        %rem3A_353 = arith.remsi %max3A_335, %jit3A_336 : i32
        %ne3A_354 = arith.constant 0 : i32
        %ne3A_355 = arith.cmpi ne, %rem3A_353, %ne3A_354 : i32
        %and3A_356 = arith.andi %ne3A_352, %ne3A_355 : i1
        %sub3A_357 = arith.constant 1 : i32
        %sub3A_358 = arith.subi %div3A_337, %sub3A_357 : i32
        %select_n3A_359 = arith.select %and3A_356, %sub3A_358, %div3A_337 : i32
        %while3A_360 = arith.constant 0 : i32
        %while3A_361 = arith.subi %select_n3A_359, %while3A_360 : i32
        %while3A_362 = arith.addi %while3A_360, %while3A_361 : i32
        %while3A_363 = arith.constant 1 : i32
        %while3A_364 = arith.divsi %while3A_361, %while3A_363 : i32
        %while3A_365 = arith.muli %while3A_364, %while3A_363 : i32
        %while3A_366 = arith.addi %while3A_360, %while3A_365 : i32
        %while3A_367 = arith.constant 1 : i32
        %while3A_368:8 = scf.for %while3A_408 = %while3A_360 to %while3A_366 step %while3A_367 iter_args(%while3A_409 = %while3A_323, %while3A_410 = %while3A_324, %while3A_411 = %while3A_325, %while3A_412 = %while3A_326, %while3A_413 = %while3A_327, %while3A_414 = %while3A_328, %while3A_415 = %while3A_329, %while3A_416 = %while3A_330) -> (vector<32xbf16>, vector<32xbf16>, vector<32xbf16>, vector<32xbf16>, vector<32xbf16>, vector<32xbf16>, vector<32xbf16>, vector<32xbf16>)  : i32 {
          %mul3A_417 = arith.constant 4 : i32
          %mul3A_418 = arith.muli %mul3A_417, %while3A_408 : i32
          %add3A_419 = arith.addi %sub3A_331, %mul3A_418 : i32
          %get3A_420 = arith.index_cast %add3A_419 : i32 to index
          %get3A_421 = arith.constant 0 : index
          %get3A_422 = tpu.vector_load %arg10[%get3A_420, %get3A_421] {strides = array<i32>} : memref<256x128xbf16, #tpu.memory_space<vmem>>, vector<32xbf16>,
          %max3A_423 = arith.maximumf %while3A_409, %get3A_422 : vector<32xbf16>
          %get3A_424 = arith.index_cast %add3A_419 : i32 to index
          %get3A_425 = arith.constant 32 : index
          %get3A_426 = tpu.vector_load %arg10[%get3A_424, %get3A_425] {strides = array<i32>} : memref<256x128xbf16, #tpu.memory_space<vmem>>, vector<32xbf16>,
          %max3A_427 = arith.maximumf %while3A_410, %get3A_426 : vector<32xbf16>
          %get3A_428 = arith.index_cast %add3A_419 : i32 to index
          %get3A_429 = arith.constant 64 : index
          %get3A_430 = tpu.vector_load %arg10[%get3A_428, %get3A_429] {strides = array<i32>} : memref<256x128xbf16, #tpu.memory_space<vmem>>, vector<32xbf16>,
          %max3A_431 = arith.maximumf %while3A_411, %get3A_430 : vector<32xbf16>
          %get3A_432 = arith.index_cast %add3A_419 : i32 to index
          %get3A_433 = arith.constant 96 : index
          %get3A_434 = tpu.vector_load %arg10[%get3A_432, %get3A_433] {strides = array<i32>} : memref<256x128xbf16, #tpu.memory_space<vmem>>, vector<32xbf16>,
          %max3A_435 = arith.maximumf %while3A_412, %get3A_434 : vector<32xbf16>
          %add3A_436 = arith.constant 1 : i32
          %add3A_437 = arith.addi %add3A_419, %add3A_436 : i32
          %get3A_438 = arith.index_cast %add3A_437 : i32 to index
          %get3A_439 = arith.constant 0 : index
          %get3A_440 = tpu.vector_load %arg10[%get3A_438, %get3A_439] {strides = array<i32>} : memref<256x128xbf16, #tpu.memory_space<vmem>>, vector<32xbf16>,
          %max3A_441 = arith.maximumf %while3A_413, %get3A_440 : vector<32xbf16>
          %get3A_442 = arith.index_cast %add3A_437 : i32 to index
          %get3A_443 = arith.constant 32 : index
          %get3A_444 = tpu.vector_load %arg10[%get3A_442, %get3A_443] {strides = array<i32>} : memref<256x128xbf16, #tpu.memory_space<vmem>>, vector<32xbf16>,
          %max3A_445 = arith.maximumf %while3A_414, %get3A_444 : vector<32xbf16>
          %get3A_446 = arith.index_cast %add3A_437 : i32 to index
          %get3A_447 = arith.constant 64 : index
          %get3A_448 = tpu.vector_load %arg10[%get3A_446, %get3A_447] {strides = array<i32>} : memref<256x128xbf16, #tpu.memory_space<vmem>>, vector<32xbf16>,
          %max3A_449 = arith.maximumf %while3A_415, %get3A_448 : vector<32xbf16>
          %get3A_450 = arith.index_cast %add3A_437 : i32 to index
          %get3A_451 = arith.constant 96 : index
          %get3A_452 = tpu.vector_load %arg10[%get3A_450, %get3A_451] {strides = array<i32>} : memref<256x128xbf16, #tpu.memory_space<vmem>>, vector<32xbf16>,
          %max3A_453 = arith.maximumf %while3A_416, %get3A_452 : vector<32xbf16>
          %add3A_454 = arith.constant 2 : i32
          %add3A_455 = arith.addi %add3A_419, %add3A_454 : i32
          %get3A_456 = arith.index_cast %add3A_455 : i32 to index
          %get3A_457 = arith.constant 0 : index
          %get3A_458 = tpu.vector_load %arg10[%get3A_456, %get3A_457] {strides = array<i32>} : memref<256x128xbf16, #tpu.memory_space<vmem>>, vector<32xbf16>,
          %max3A_459 = arith.maximumf %max3A_423, %get3A_458 : vector<32xbf16>
          %get3A_460 = arith.index_cast %add3A_455 : i32 to index
          %get3A_461 = arith.constant 32 : index
          %get3A_462 = tpu.vector_load %arg10[%get3A_460, %get3A_461] {strides = array<i32>} : memref<256x128xbf16, #tpu.memory_space<vmem>>, vector<32xbf16>,
          %max3A_463 = arith.maximumf %max3A_427, %get3A_462 : vector<32xbf16>
          %get3A_464 = arith.index_cast %add3A_455 : i32 to index
          %get3A_465 = arith.constant 64 : index
          %get3A_466 = tpu.vector_load %arg10[%get3A_464, %get3A_465] {strides = array<i32>} : memref<256x128xbf16, #tpu.memory_space<vmem>>, vector<32xbf16>,
          %max3A_467 = arith.maximumf %max3A_431, %get3A_466 : vector<32xbf16>
          %get3A_468 = arith.index_cast %add3A_455 : i32 to index
          %get3A_469 = arith.constant 96 : index
          %get3A_470 = tpu.vector_load %arg10[%get3A_468, %get3A_469] {strides = array<i32>} : memref<256x128xbf16, #tpu.memory_space<vmem>>, vector<32xbf16>,
          %max3A_471 = arith.maximumf %max3A_435, %get3A_470 : vector<32xbf16>
          %add3A_472 = arith.constant 3 : i32
          %add3A_473 = arith.addi %add3A_419, %add3A_472 : i32
          %get3A_474 = arith.index_cast %add3A_473 : i32 to index
          %get3A_475 = arith.constant 0 : index
          %get3A_476 = tpu.vector_load %arg10[%get3A_474, %get3A_475] {strides = array<i32>} : memref<256x128xbf16, #tpu.memory_space<vmem>>, vector<32xbf16>,
          %max3A_477 = arith.maximumf %max3A_441, %get3A_476 : vector<32xbf16>
          %get3A_478 = arith.index_cast %add3A_473 : i32 to index
          %get3A_479 = arith.constant 32 : index
          %get3A_480 = tpu.vector_load %arg10[%get3A_478, %get3A_479] {strides = array<i32>} : memref<256x128xbf16, #tpu.memory_space<vmem>>, vector<32xbf16>,
          %max3A_481 = arith.maximumf %max3A_445, %get3A_480 : vector<32xbf16>
          %get3A_482 = arith.index_cast %add3A_473 : i32 to index
          %get3A_483 = arith.constant 64 : index
          %get3A_484 = tpu.vector_load %arg10[%get3A_482, %get3A_483] {strides = array<i32>} : memref<256x128xbf16, #tpu.memory_space<vmem>>, vector<32xbf16>,
          %max3A_485 = arith.maximumf %max3A_449, %get3A_484 : vector<32xbf16>
          %get3A_486 = arith.index_cast %add3A_473 : i32 to index
          %get3A_487 = arith.constant 96 : index
          %get3A_488 = tpu.vector_load %arg10[%get3A_486, %get3A_487] {strides = array<i32>} : memref<256x128xbf16, #tpu.memory_space<vmem>>, vector<32xbf16>,
          %max3A_489 = arith.maximumf %max3A_453, %get3A_488 : vector<32xbf16>
          scf.yield %max3A_459, %max3A_463, %max3A_467, %max3A_471, %max3A_477, %max3A_481, %max3A_485, %max3A_489 : vector<32xbf16>, vector<32xbf16>, vector<32xbf16>, vector<32xbf16>, vector<32xbf16>, vector<32xbf16>, vector<32xbf16>, vector<32xbf16>
        }
        %while3A_369 = arith.constant 1 : i32
        %while3A_370:8 = scf.for %while3A_408 = %while3A_366 to %while3A_362 step %while3A_369 iter_args(%while3A_409 = %while3A_368#0, %while3A_410 = %while3A_368#1, %while3A_411 = %while3A_368#2, %while3A_412 = %while3A_368#3, %while3A_413 = %while3A_368#4, %while3A_414 = %while3A_368#5, %while3A_415 = %while3A_368#6, %while3A_416 = %while3A_368#7) -> (vector<32xbf16>, vector<32xbf16>, vector<32xbf16>, vector<32xbf16>, vector<32xbf16>, vector<32xbf16>, vector<32xbf16>, vector<32xbf16>)  : i32 {
          %mul3A_417 = arith.constant 4 : i32
          %mul3A_418 = arith.muli %mul3A_417, %while3A_408 : i32
          %add3A_419 = arith.addi %sub3A_331, %mul3A_418 : i32
          %get3A_420 = arith.index_cast %add3A_419 : i32 to index
          %get3A_421 = arith.constant 0 : index
          %get3A_422 = tpu.vector_load %arg10[%get3A_420, %get3A_421] {strides = array<i32>} : memref<256x128xbf16, #tpu.memory_space<vmem>>, vector<32xbf16>,
          %max3A_423 = arith.maximumf %while3A_409, %get3A_422 : vector<32xbf16>
          %get3A_424 = arith.index_cast %add3A_419 : i32 to index
          %get3A_425 = arith.constant 32 : index
          %get3A_426 = tpu.vector_load %arg10[%get3A_424, %get3A_425] {strides = array<i32>} : memref<256x128xbf16, #tpu.memory_space<vmem>>, vector<32xbf16>,
          %max3A_427 = arith.maximumf %while3A_410, %get3A_426 : vector<32xbf16>
          %get3A_428 = arith.index_cast %add3A_419 : i32 to index
          %get3A_429 = arith.constant 64 : index
          %get3A_430 = tpu.vector_load %arg10[%get3A_428, %get3A_429] {strides = array<i32>} : memref<256x128xbf16, #tpu.memory_space<vmem>>, vector<32xbf16>,
          %max3A_431 = arith.maximumf %while3A_411, %get3A_430 : vector<32xbf16>
          %get3A_432 = arith.index_cast %add3A_419 : i32 to index
          %get3A_433 = arith.constant 96 : index
          %get3A_434 = tpu.vector_load %arg10[%get3A_432, %get3A_433] {strides = array<i32>} : memref<256x128xbf16, #tpu.memory_space<vmem>>, vector<32xbf16>,
          %max3A_435 = arith.maximumf %while3A_412, %get3A_434 : vector<32xbf16>
          %add3A_436 = arith.constant 1 : i32
          %add3A_437 = arith.addi %add3A_419, %add3A_436 : i32
          %get3A_438 = arith.index_cast %add3A_437 : i32 to index
          %get3A_439 = arith.constant 0 : index
          %get3A_440 = tpu.vector_load %arg10[%get3A_438, %get3A_439] {strides = array<i32>} : memref<256x128xbf16, #tpu.memory_space<vmem>>, vector<32xbf16>,
          %max3A_441 = arith.maximumf %while3A_413, %get3A_440 : vector<32xbf16>
          %get3A_442 = arith.index_cast %add3A_437 : i32 to index
          %get3A_443 = arith.constant 32 : index
          %get3A_444 = tpu.vector_load %arg10[%get3A_442, %get3A_443] {strides = array<i32>} : memref<256x128xbf16, #tpu.memory_space<vmem>>, vector<32xbf16>,
          %max3A_445 = arith.maximumf %while3A_414, %get3A_444 : vector<32xbf16>
          %get3A_446 = arith.index_cast %add3A_437 : i32 to index
          %get3A_447 = arith.constant 64 : index
          %get3A_448 = tpu.vector_load %arg10[%get3A_446, %get3A_447] {strides = array<i32>} : memref<256x128xbf16, #tpu.memory_space<vmem>>, vector<32xbf16>,
          %max3A_449 = arith.maximumf %while3A_415, %get3A_448 : vector<32xbf16>
          %get3A_450 = arith.index_cast %add3A_437 : i32 to index
          %get3A_451 = arith.constant 96 : index
          %get3A_452 = tpu.vector_load %arg10[%get3A_450, %get3A_451] {strides = array<i32>} : memref<256x128xbf16, #tpu.memory_space<vmem>>, vector<32xbf16>,
          %max3A_453 = arith.maximumf %while3A_416, %get3A_452 : vector<32xbf16>
          %add3A_454 = arith.constant 2 : i32
          %add3A_455 = arith.addi %add3A_419, %add3A_454 : i32
          %get3A_456 = arith.index_cast %add3A_455 : i32 to index
          %get3A_457 = arith.constant 0 : index
          %get3A_458 = tpu.vector_load %arg10[%get3A_456, %get3A_457] {strides = array<i32>} : memref<256x128xbf16, #tpu.memory_space<vmem>>, vector<32xbf16>,
          %max3A_459 = arith.maximumf %max3A_423, %get3A_458 : vector<32xbf16>
          %get3A_460 = arith.index_cast %add3A_455 : i32 to index
          %get3A_461 = arith.constant 32 : index
          %get3A_462 = tpu.vector_load %arg10[%get3A_460, %get3A_461] {strides = array<i32>} : memref<256x128xbf16, #tpu.memory_space<vmem>>, vector<32xbf16>,
          %max3A_463 = arith.maximumf %max3A_427, %get3A_462 : vector<32xbf16>
          %get3A_464 = arith.index_cast %add3A_455 : i32 to index
          %get3A_465 = arith.constant 64 : index
          %get3A_466 = tpu.vector_load %arg10[%get3A_464, %get3A_465] {strides = array<i32>} : memref<256x128xbf16, #tpu.memory_space<vmem>>, vector<32xbf16>,
          %max3A_467 = arith.maximumf %max3A_431, %get3A_466 : vector<32xbf16>
          %get3A_468 = arith.index_cast %add3A_455 : i32 to index
          %get3A_469 = arith.constant 96 : index
          %get3A_470 = tpu.vector_load %arg10[%get3A_468, %get3A_469] {strides = array<i32>} : memref<256x128xbf16, #tpu.memory_space<vmem>>, vector<32xbf16>,
          %max3A_471 = arith.maximumf %max3A_435, %get3A_470 : vector<32xbf16>
          %add3A_472 = arith.constant 3 : i32
          %add3A_473 = arith.addi %add3A_419, %add3A_472 : i32
          %get3A_474 = arith.index_cast %add3A_473 : i32 to index
          %get3A_475 = arith.constant 0 : index
          %get3A_476 = tpu.vector_load %arg10[%get3A_474, %get3A_475] {strides = array<i32>} : memref<256x128xbf16, #tpu.memory_space<vmem>>, vector<32xbf16>,
          %max3A_477 = arith.maximumf %max3A_441, %get3A_476 : vector<32xbf16>
          %get3A_478 = arith.index_cast %add3A_473 : i32 to index
          %get3A_479 = arith.constant 32 : index
          %get3A_480 = tpu.vector_load %arg10[%get3A_478, %get3A_479] {strides = array<i32>} : memref<256x128xbf16, #tpu.memory_space<vmem>>, vector<32xbf16>,
          %max3A_481 = arith.maximumf %max3A_445, %get3A_480 : vector<32xbf16>
          %get3A_482 = arith.index_cast %add3A_473 : i32 to index
          %get3A_483 = arith.constant 64 : index
          %get3A_484 = tpu.vector_load %arg10[%get3A_482, %get3A_483] {strides = array<i32>} : memref<256x128xbf16, #tpu.memory_space<vmem>>, vector<32xbf16>,
          %max3A_485 = arith.maximumf %max3A_449, %get3A_484 : vector<32xbf16>
          %get3A_486 = arith.index_cast %add3A_473 : i32 to index
          %get3A_487 = arith.constant 96 : index
          %get3A_488 = tpu.vector_load %arg10[%get3A_486, %get3A_487] {strides = array<i32>} : memref<256x128xbf16, #tpu.memory_space<vmem>>, vector<32xbf16>,
          %max3A_489 = arith.maximumf %max3A_453, %get3A_488 : vector<32xbf16>
          scf.yield %max3A_459, %max3A_463, %max3A_467, %max3A_471, %max3A_477, %max3A_481, %max3A_485, %max3A_489 : vector<32xbf16>, vector<32xbf16>, vector<32xbf16>, vector<32xbf16>, vector<32xbf16>, vector<32xbf16>, vector<32xbf16>, vector<32xbf16>
        }
        %mul3A_371 = arith.constant 4 : i32
        %mul3A_372 = arith.muli %mul3A_371, %select_n3A_359 : i32
        %add3A_373 = arith.addi %sub3A_331, %mul3A_372 : i32
        %while3A_374 = arith.subi %sub3A_332, %add3A_373 : i32
        %while3A_375 = arith.addi %add3A_373, %while3A_374 : i32
        %while3A_376 = arith.constant 1 : i32
        %while3A_377 = arith.divsi %while3A_374, %while3A_376 : i32
        %while3A_378 = arith.muli %while3A_377, %while3A_376 : i32
        %while3A_379 = arith.addi %add3A_373, %while3A_378 : i32
        %while3A_380 = arith.constant 1 : i32
        %while3A_381:8 = scf.for %while3A_408 = %add3A_373 to %while3A_379 step %while3A_380 iter_args(%while3A_409 = %while3A_370#0, %while3A_410 = %while3A_370#1, %while3A_411 = %while3A_370#2, %while3A_412 = %while3A_370#3, %while3A_413 = %while3A_370#4, %while3A_414 = %while3A_370#5, %while3A_415 = %while3A_370#6, %while3A_416 = %while3A_370#7) -> (vector<32xbf16>, vector<32xbf16>, vector<32xbf16>, vector<32xbf16>, vector<32xbf16>, vector<32xbf16>, vector<32xbf16>, vector<32xbf16>)  : i32 {
          %get3A_417 = arith.index_cast %while3A_408 : i32 to index
          %get3A_418 = arith.constant 0 : index
          %get3A_419 = tpu.vector_load %arg10[%get3A_417, %get3A_418] {strides = array<i32>} : memref<256x128xbf16, #tpu.memory_space<vmem>>, vector<32xbf16>,
          %max3A_420 = arith.maximumf %while3A_409, %get3A_419 : vector<32xbf16>
          %get3A_421 = arith.index_cast %while3A_408 : i32 to index
          %get3A_422 = arith.constant 32 : index
          %get3A_423 = tpu.vector_load %arg10[%get3A_421, %get3A_422] {strides = array<i32>} : memref<256x128xbf16, #tpu.memory_space<vmem>>, vector<32xbf16>,
          %max3A_424 = arith.maximumf %while3A_410, %get3A_423 : vector<32xbf16>
          %get3A_425 = arith.index_cast %while3A_408 : i32 to index
          %get3A_426 = arith.constant 64 : index
          %get3A_427 = tpu.vector_load %arg10[%get3A_425, %get3A_426] {strides = array<i32>} : memref<256x128xbf16, #tpu.memory_space<vmem>>, vector<32xbf16>,
          %max3A_428 = arith.maximumf %while3A_411, %get3A_427 : vector<32xbf16>
          %get3A_429 = arith.index_cast %while3A_408 : i32 to index
          %get3A_430 = arith.constant 96 : index
          %get3A_431 = tpu.vector_load %arg10[%get3A_429, %get3A_430] {strides = array<i32>} : memref<256x128xbf16, #tpu.memory_space<vmem>>, vector<32xbf16>,
          %max3A_432 = arith.maximumf %while3A_412, %get3A_431 : vector<32xbf16>
          scf.yield %while3A_413, %while3A_414, %while3A_415, %while3A_416, %max3A_420, %max3A_424, %max3A_428, %max3A_432 : vector<32xbf16>, vector<32xbf16>, vector<32xbf16>, vector<32xbf16>, vector<32xbf16>, vector<32xbf16>, vector<32xbf16>, vector<32xbf16>
        }
        %while3A_382 = arith.constant 1 : i32
        %while3A_383:8 = scf.for %while3A_408 = %while3A_379 to %while3A_375 step %while3A_382 iter_args(%while3A_409 = %while3A_381#0, %while3A_410 = %while3A_381#1, %while3A_411 = %while3A_381#2, %while3A_412 = %while3A_381#3, %while3A_413 = %while3A_381#4, %while3A_414 = %while3A_381#5, %while3A_415 = %while3A_381#6, %while3A_416 = %while3A_381#7) -> (vector<32xbf16>, vector<32xbf16>, vector<32xbf16>, vector<32xbf16>, vector<32xbf16>, vector<32xbf16>, vector<32xbf16>, vector<32xbf16>)  : i32 {
          %get3A_417 = arith.index_cast %while3A_408 : i32 to index
          %get3A_418 = arith.constant 0 : index
          %get3A_419 = tpu.vector_load %arg10[%get3A_417, %get3A_418] {strides = array<i32>} : memref<256x128xbf16, #tpu.memory_space<vmem>>, vector<32xbf16>,
          %max3A_420 = arith.maximumf %while3A_409, %get3A_419 : vector<32xbf16>
          %get3A_421 = arith.index_cast %while3A_408 : i32 to index
          %get3A_422 = arith.constant 32 : index
          %get3A_423 = tpu.vector_load %arg10[%get3A_421, %get3A_422] {strides = array<i32>} : memref<256x128xbf16, #tpu.memory_space<vmem>>, vector<32xbf16>,
          %max3A_424 = arith.maximumf %while3A_410, %get3A_423 : vector<32xbf16>
          %get3A_425 = arith.index_cast %while3A_408 : i32 to index
          %get3A_426 = arith.constant 64 : index
          %get3A_427 = tpu.vector_load %arg10[%get3A_425, %get3A_426] {strides = array<i32>} : memref<256x128xbf16, #tpu.memory_space<vmem>>, vector<32xbf16>,
          %max3A_428 = arith.maximumf %while3A_411, %get3A_427 : vector<32xbf16>
          %get3A_429 = arith.index_cast %while3A_408 : i32 to index
          %get3A_430 = arith.constant 96 : index
          %get3A_431 = tpu.vector_load %arg10[%get3A_429, %get3A_430] {strides = array<i32>} : memref<256x128xbf16, #tpu.memory_space<vmem>>, vector<32xbf16>,
          %max3A_432 = arith.maximumf %while3A_412, %get3A_431 : vector<32xbf16>
          scf.yield %while3A_413, %while3A_414, %while3A_415, %while3A_416, %max3A_420, %max3A_424, %max3A_428, %max3A_432 : vector<32xbf16>, vector<32xbf16>, vector<32xbf16>, vector<32xbf16>, vector<32xbf16>, vector<32xbf16>, vector<32xbf16>, vector<32xbf16>
        }
        %max3A_384 = arith.maximumf %while3A_383#0, %while3A_383#4 : vector<32xbf16>
        %swap3A = arith.index_cast %while3A_321 : i32 to index
        %swap3A_385 = arith.constant 0 : index
        %swap3A_386 = tpu.vector_load %arg11[%swap3A, %swap3A_385] {strides = array<i32>} : memref<321x128xbf16, #tpu.memory_space<vmem>>, vector<32xbf16>,
        tpu.vector_store %arg11[%swap3A, %swap3A_385], %max3A_384 {strides = array<i32>} : memref<321x128xbf16, #tpu.memory_space<vmem>>, vector<32xbf16>,
        %max3A_387 = arith.maximumf %while3A_383#1, %while3A_383#5 : vector<32xbf16>
        %swap3A_388 = arith.index_cast %while3A_321 : i32 to index
        %swap3A_389 = arith.constant 32 : index
        %swap3A_390 = tpu.vector_load %arg11[%swap3A_388, %swap3A_389] {strides = array<i32>} : memref<321x128xbf16, #tpu.memory_space<vmem>>, vector<32xbf16>,
        tpu.vector_store %arg11[%swap3A_388, %swap3A_389], %max3A_387 {strides = array<i32>} : memref<321x128xbf16, #tpu.memory_space<vmem>>, vector<32xbf16>,
        %max3A_391 = arith.maximumf %while3A_383#2, %while3A_383#6 : vector<32xbf16>
        %swap3A_392 = arith.index_cast %while3A_321 : i32 to index
        %swap3A_393 = arith.constant 64 : index
        %swap3A_394 = tpu.vector_load %arg11[%swap3A_392, %swap3A_393] {strides = array<i32>} : memref<321x128xbf16, #tpu.memory_space<vmem>>, vector<32xbf16>,
        tpu.vector_store %arg11[%swap3A_392, %swap3A_393], %max3A_391 {strides = array<i32>} : memref<321x128xbf16, #tpu.memory_space<vmem>>, vector<32xbf16>,
        %max3A_395 = arith.maximumf %while3A_383#3, %while3A_383#7 : vector<32xbf16>
        %swap3A_396 = arith.index_cast %while3A_321 : i32 to index
        %swap3A_397 = arith.constant 96 : index
        %swap3A_398 = tpu.vector_load %arg11[%swap3A_396, %swap3A_397] {strides = array<i32>} : memref<321x128xbf16, #tpu.memory_space<vmem>>, vector<32xbf16>,
        tpu.vector_store %arg11[%swap3A_396, %swap3A_397], %max3A_395 {strides = array<i32>} : memref<321x128xbf16, #tpu.memory_space<vmem>>, vector<32xbf16>,
        %add3A_399 = arith.constant 1 : i32
        %add3A_400 = arith.addi %while3A_321, %add3A_399 : i32
        %while3A_401 = scf.while (%while3A_408 = %add3A_400) : (i32) -> i32 {
          %lt3A = arith.constant 320 : i32
          %lt3A_409 = arith.cmpi slt, %while3A_408, %lt3A : i32
          %add3A_410 = arith.constant 1 : i32
          %add3A_411 = arith.addi %while3A_408, %add3A_410 : i32
          %get3A_412 = arith.index_cast %add3A_411 : i32 to index
          %get3A_413 = tpu.vector_load %arg6[%get3A_412] {strides = array<i32>} : memref<344xi32, #tpu.memory_space<vmem>>, vector<16xi32>,
          %slice3A_414 = vector.extract_strided_slice %get3A_413 {offsets = [0], sizes = [1], strides = [1]} : vector<16xi32> to vector<1xi32>
          %squeeze3A_415 = vector.extract %slice3A_414[0] : i32 from vector<1xi32>
          %le3A = arith.cmpi sle, %squeeze3A_415, %while3A_322 : i32
          %and3A_416 = arith.andi %lt3A_409, %le3A : i1
          scf.condition(%and3A_416) %while3A_408 : i32
        } do {
        ^bb0(%while3A_408: i32):
          %add3A_409 = arith.constant 1 : i32
          %add3A_410 = arith.addi %while3A_408, %add3A_409 : i32
          scf.yield %add3A_410 : i32
        }
        %add3A_402 = arith.constant 1 : i32
        %add3A_403 = arith.addi %while3A_401, %add3A_402 : i32
        %get3A_404 = arith.index_cast %add3A_403 : i32 to index
        %get3A_405 = tpu.vector_load %arg6[%get3A_404] {strides = array<i32>} : memref<344xi32, #tpu.memory_space<vmem>>, vector<16xi32>,
        %slice3A_406 = vector.extract_strided_slice %get3A_405 {offsets = [0], sizes = [1], strides = [1]} : vector<16xi32> to vector<1xi32>
        %squeeze3A_407 = vector.extract %slice3A_406[0] : i32 from vector<1xi32>
        scf.yield %while3A_322, %while3A_401, %squeeze3A_407, %broadcast_in_dim3A_3, %broadcast_in_dim3A_3, %broadcast_in_dim3A_3, %broadcast_in_dim3A_3, %broadcast_in_dim3A_3, %broadcast_in_dim3A_3, %broadcast_in_dim3A_3, %broadcast_in_dim3A_3 : i32, i32, i32, vector<32xbf16>, vector<32xbf16>, vector<32xbf16>, vector<32xbf16>, vector<32xbf16>, vector<32xbf16>, vector<32xbf16>, vector<32xbf16>
      }
      %sub3A_267 = arith.subi %while3A_266#0, %add3A_257 : i32
      %sub3A_268 = arith.subi %add3A_264, %add3A_257 : i32
      %sub3A_269 = arith.subi %sub3A_268, %sub3A_267 : i32
      %max3A_270 = arith.constant 0 : i32
      %max3A_271 = arith.maxsi %sub3A_269, %max3A_270 : i32
      %jit3A_272 = arith.constant 4 : i32
      %div3A_273 = arith.divsi %max3A_271, %jit3A_272 : i32
      %sign3A_274 = arith.constant 0 : i32
      %sign3A_275 = arith.cmpi sgt, %max3A_271, %sign3A_274 : i32
      %sign3A_276 = arith.extui %sign3A_275 : i1 to i32
      %sign3A_277 = arith.constant 0 : i32
      %sign3A_278 = arith.cmpi slt, %max3A_271, %sign3A_277 : i32
      %sign3A_279 = arith.extui %sign3A_278 : i1 to i32
      %sign3A_280 = arith.subi %sign3A_276, %sign3A_279 : i32
      %sign3A_281 = arith.constant 0 : i32
      %sign3A_282 = arith.cmpi sgt, %jit3A_272, %sign3A_281 : i32
      %sign3A_283 = arith.extui %sign3A_282 : i1 to i32
      %sign3A_284 = arith.constant 0 : i32
      %sign3A_285 = arith.cmpi slt, %jit3A_272, %sign3A_284 : i32
      %sign3A_286 = arith.extui %sign3A_285 : i1 to i32
      %sign3A_287 = arith.subi %sign3A_283, %sign3A_286 : i32
      %ne3A_288 = arith.cmpi ne, %sign3A_280, %sign3A_287 : i32
      %rem3A_289 = arith.remsi %max3A_271, %jit3A_272 : i32
      %ne3A_290 = arith.constant 0 : i32
      %ne3A_291 = arith.cmpi ne, %rem3A_289, %ne3A_290 : i32
      %and3A_292 = arith.andi %ne3A_288, %ne3A_291 : i1
      %sub3A_293 = arith.constant 1 : i32
      %sub3A_294 = arith.subi %div3A_273, %sub3A_293 : i32
      %select_n3A_295 = arith.select %and3A_292, %sub3A_294, %div3A_273 : i32
      %while3A_296 = arith.constant 0 : i32
      %while3A_297 = arith.subi %select_n3A_295, %while3A_296 : i32
      %while3A_298 = arith.addi %while3A_296, %while3A_297 : i32
      %while3A_299 = arith.constant 1 : i32
      %while3A_300 = arith.divsi %while3A_297, %while3A_299 : i32
      %while3A_301 = arith.muli %while3A_300, %while3A_299 : i32
      %while3A_302 = arith.addi %while3A_296, %while3A_301 : i32
      %while3A_303 = arith.constant 1 : i32
      %while3A_304:8 = scf.for %while3A_320 = %while3A_296 to %while3A_302 step %while3A_303 iter_args(%while3A_321 = %while3A_266#3, %while3A_322 = %while3A_266#4, %while3A_323 = %while3A_266#5, %while3A_324 = %while3A_266#6, %while3A_325 = %while3A_266#7, %while3A_326 = %while3A_266#8, %while3A_327 = %while3A_266#9, %while3A_328 = %while3A_266#10) -> (vector<32xbf16>, vector<32xbf16>, vector<32xbf16>, vector<32xbf16>, vector<32xbf16>, vector<32xbf16>, vector<32xbf16>, vector<32xbf16>)  : i32 {
        %mul3A_329 = arith.constant 4 : i32
        %mul3A_330 = arith.muli %mul3A_329, %while3A_320 : i32
        %add3A_331 = arith.addi %sub3A_267, %mul3A_330 : i32
        %get3A_332 = arith.index_cast %add3A_331 : i32 to index
        %get3A_333 = arith.constant 0 : index
        %get3A_334 = tpu.vector_load %arg10[%get3A_332, %get3A_333] {strides = array<i32>} : memref<256x128xbf16, #tpu.memory_space<vmem>>, vector<32xbf16>,
        %max3A_335 = arith.maximumf %while3A_321, %get3A_334 : vector<32xbf16>
        %get3A_336 = arith.index_cast %add3A_331 : i32 to index
        %get3A_337 = arith.constant 32 : index
        %get3A_338 = tpu.vector_load %arg10[%get3A_336, %get3A_337] {strides = array<i32>} : memref<256x128xbf16, #tpu.memory_space<vmem>>, vector<32xbf16>,
        %max3A_339 = arith.maximumf %while3A_322, %get3A_338 : vector<32xbf16>
        %get3A_340 = arith.index_cast %add3A_331 : i32 to index
        %get3A_341 = arith.constant 64 : index
        %get3A_342 = tpu.vector_load %arg10[%get3A_340, %get3A_341] {strides = array<i32>} : memref<256x128xbf16, #tpu.memory_space<vmem>>, vector<32xbf16>,
        %max3A_343 = arith.maximumf %while3A_323, %get3A_342 : vector<32xbf16>
        %get3A_344 = arith.index_cast %add3A_331 : i32 to index
        %get3A_345 = arith.constant 96 : index
        %get3A_346 = tpu.vector_load %arg10[%get3A_344, %get3A_345] {strides = array<i32>} : memref<256x128xbf16, #tpu.memory_space<vmem>>, vector<32xbf16>,
        %max3A_347 = arith.maximumf %while3A_324, %get3A_346 : vector<32xbf16>
        %add3A_348 = arith.constant 1 : i32
        %add3A_349 = arith.addi %add3A_331, %add3A_348 : i32
        %get3A_350 = arith.index_cast %add3A_349 : i32 to index
        %get3A_351 = arith.constant 0 : index
        %get3A_352 = tpu.vector_load %arg10[%get3A_350, %get3A_351] {strides = array<i32>} : memref<256x128xbf16, #tpu.memory_space<vmem>>, vector<32xbf16>,
        %max3A_353 = arith.maximumf %while3A_325, %get3A_352 : vector<32xbf16>
        %get3A_354 = arith.index_cast %add3A_349 : i32 to index
        %get3A_355 = arith.constant 32 : index
        %get3A_356 = tpu.vector_load %arg10[%get3A_354, %get3A_355] {strides = array<i32>} : memref<256x128xbf16, #tpu.memory_space<vmem>>, vector<32xbf16>,
        %max3A_357 = arith.maximumf %while3A_326, %get3A_356 : vector<32xbf16>
        %get3A_358 = arith.index_cast %add3A_349 : i32 to index
        %get3A_359 = arith.constant 64 : index
        %get3A_360 = tpu.vector_load %arg10[%get3A_358, %get3A_359] {strides = array<i32>} : memref<256x128xbf16, #tpu.memory_space<vmem>>, vector<32xbf16>,
        %max3A_361 = arith.maximumf %while3A_327, %get3A_360 : vector<32xbf16>
        %get3A_362 = arith.index_cast %add3A_349 : i32 to index
        %get3A_363 = arith.constant 96 : index
        %get3A_364 = tpu.vector_load %arg10[%get3A_362, %get3A_363] {strides = array<i32>} : memref<256x128xbf16, #tpu.memory_space<vmem>>, vector<32xbf16>,
        %max3A_365 = arith.maximumf %while3A_328, %get3A_364 : vector<32xbf16>
        %add3A_366 = arith.constant 2 : i32
        %add3A_367 = arith.addi %add3A_331, %add3A_366 : i32
        %get3A_368 = arith.index_cast %add3A_367 : i32 to index
        %get3A_369 = arith.constant 0 : index
        %get3A_370 = tpu.vector_load %arg10[%get3A_368, %get3A_369] {strides = array<i32>} : memref<256x128xbf16, #tpu.memory_space<vmem>>, vector<32xbf16>,
        %max3A_371 = arith.maximumf %max3A_335, %get3A_370 : vector<32xbf16>
        %get3A_372 = arith.index_cast %add3A_367 : i32 to index
        %get3A_373 = arith.constant 32 : index
        %get3A_374 = tpu.vector_load %arg10[%get3A_372, %get3A_373] {strides = array<i32>} : memref<256x128xbf16, #tpu.memory_space<vmem>>, vector<32xbf16>,
        %max3A_375 = arith.maximumf %max3A_339, %get3A_374 : vector<32xbf16>
        %get3A_376 = arith.index_cast %add3A_367 : i32 to index
        %get3A_377 = arith.constant 64 : index
        %get3A_378 = tpu.vector_load %arg10[%get3A_376, %get3A_377] {strides = array<i32>} : memref<256x128xbf16, #tpu.memory_space<vmem>>, vector<32xbf16>,
        %max3A_379 = arith.maximumf %max3A_343, %get3A_378 : vector<32xbf16>
        %get3A_380 = arith.index_cast %add3A_367 : i32 to index
        %get3A_381 = arith.constant 96 : index
        %get3A_382 = tpu.vector_load %arg10[%get3A_380, %get3A_381] {strides = array<i32>} : memref<256x128xbf16, #tpu.memory_space<vmem>>, vector<32xbf16>,
        %max3A_383 = arith.maximumf %max3A_347, %get3A_382 : vector<32xbf16>
        %add3A_384 = arith.constant 3 : i32
        %add3A_385 = arith.addi %add3A_331, %add3A_384 : i32
        %get3A_386 = arith.index_cast %add3A_385 : i32 to index
        %get3A_387 = arith.constant 0 : index
        %get3A_388 = tpu.vector_load %arg10[%get3A_386, %get3A_387] {strides = array<i32>} : memref<256x128xbf16, #tpu.memory_space<vmem>>, vector<32xbf16>,
        %max3A_389 = arith.maximumf %max3A_353, %get3A_388 : vector<32xbf16>
        %get3A_390 = arith.index_cast %add3A_385 : i32 to index
        %get3A_391 = arith.constant 32 : index
        %get3A_392 = tpu.vector_load %arg10[%get3A_390, %get3A_391] {strides = array<i32>} : memref<256x128xbf16, #tpu.memory_space<vmem>>, vector<32xbf16>,
        %max3A_393 = arith.maximumf %max3A_357, %get3A_392 : vector<32xbf16>
        %get3A_394 = arith.index_cast %add3A_385 : i32 to index
        %get3A_395 = arith.constant 64 : index
        %get3A_396 = tpu.vector_load %arg10[%get3A_394, %get3A_395] {strides = array<i32>} : memref<256x128xbf16, #tpu.memory_space<vmem>>, vector<32xbf16>,
        %max3A_397 = arith.maximumf %max3A_361, %get3A_396 : vector<32xbf16>
        %get3A_398 = arith.index_cast %add3A_385 : i32 to index
        %get3A_399 = arith.constant 96 : index
        %get3A_400 = tpu.vector_load %arg10[%get3A_398, %get3A_399] {strides = array<i32>} : memref<256x128xbf16, #tpu.memory_space<vmem>>, vector<32xbf16>,
        %max3A_401 = arith.maximumf %max3A_365, %get3A_400 : vector<32xbf16>
        scf.yield %max3A_371, %max3A_375, %max3A_379, %max3A_383, %max3A_389, %max3A_393, %max3A_397, %max3A_401 : vector<32xbf16>, vector<32xbf16>, vector<32xbf16>, vector<32xbf16>, vector<32xbf16>, vector<32xbf16>, vector<32xbf16>, vector<32xbf16>
      }
      %while3A_305 = arith.constant 1 : i32
      %while3A_306:8 = scf.for %while3A_320 = %while3A_302 to %while3A_298 step %while3A_305 iter_args(%while3A_321 = %while3A_304#0, %while3A_322 = %while3A_304#1, %while3A_323 = %while3A_304#2, %while3A_324 = %while3A_304#3, %while3A_325 = %while3A_304#4, %while3A_326 = %while3A_304#5, %while3A_327 = %while3A_304#6, %while3A_328 = %while3A_304#7) -> (vector<32xbf16>, vector<32xbf16>, vector<32xbf16>, vector<32xbf16>, vector<32xbf16>, vector<32xbf16>, vector<32xbf16>, vector<32xbf16>)  : i32 {
        %mul3A_329 = arith.constant 4 : i32
        %mul3A_330 = arith.muli %mul3A_329, %while3A_320 : i32
        %add3A_331 = arith.addi %sub3A_267, %mul3A_330 : i32
        %get3A_332 = arith.index_cast %add3A_331 : i32 to index
        %get3A_333 = arith.constant 0 : index
        %get3A_334 = tpu.vector_load %arg10[%get3A_332, %get3A_333] {strides = array<i32>} : memref<256x128xbf16, #tpu.memory_space<vmem>>, vector<32xbf16>,
        %max3A_335 = arith.maximumf %while3A_321, %get3A_334 : vector<32xbf16>
        %get3A_336 = arith.index_cast %add3A_331 : i32 to index
        %get3A_337 = arith.constant 32 : index
        %get3A_338 = tpu.vector_load %arg10[%get3A_336, %get3A_337] {strides = array<i32>} : memref<256x128xbf16, #tpu.memory_space<vmem>>, vector<32xbf16>,
        %max3A_339 = arith.maximumf %while3A_322, %get3A_338 : vector<32xbf16>
        %get3A_340 = arith.index_cast %add3A_331 : i32 to index
        %get3A_341 = arith.constant 64 : index
        %get3A_342 = tpu.vector_load %arg10[%get3A_340, %get3A_341] {strides = array<i32>} : memref<256x128xbf16, #tpu.memory_space<vmem>>, vector<32xbf16>,
        %max3A_343 = arith.maximumf %while3A_323, %get3A_342 : vector<32xbf16>
        %get3A_344 = arith.index_cast %add3A_331 : i32 to index
        %get3A_345 = arith.constant 96 : index
        %get3A_346 = tpu.vector_load %arg10[%get3A_344, %get3A_345] {strides = array<i32>} : memref<256x128xbf16, #tpu.memory_space<vmem>>, vector<32xbf16>,
        %max3A_347 = arith.maximumf %while3A_324, %get3A_346 : vector<32xbf16>
        %add3A_348 = arith.constant 1 : i32
        %add3A_349 = arith.addi %add3A_331, %add3A_348 : i32
        %get3A_350 = arith.index_cast %add3A_349 : i32 to index
        %get3A_351 = arith.constant 0 : index
        %get3A_352 = tpu.vector_load %arg10[%get3A_350, %get3A_351] {strides = array<i32>} : memref<256x128xbf16, #tpu.memory_space<vmem>>, vector<32xbf16>,
        %max3A_353 = arith.maximumf %while3A_325, %get3A_352 : vector<32xbf16>
        %get3A_354 = arith.index_cast %add3A_349 : i32 to index
        %get3A_355 = arith.constant 32 : index
        %get3A_356 = tpu.vector_load %arg10[%get3A_354, %get3A_355] {strides = array<i32>} : memref<256x128xbf16, #tpu.memory_space<vmem>>, vector<32xbf16>,
        %max3A_357 = arith.maximumf %while3A_326, %get3A_356 : vector<32xbf16>
        %get3A_358 = arith.index_cast %add3A_349 : i32 to index
        %get3A_359 = arith.constant 64 : index
        %get3A_360 = tpu.vector_load %arg10[%get3A_358, %get3A_359] {strides = array<i32>} : memref<256x128xbf16, #tpu.memory_space<vmem>>, vector<32xbf16>,
        %max3A_361 = arith.maximumf %while3A_327, %get3A_360 : vector<32xbf16>
        %get3A_362 = arith.index_cast %add3A_349 : i32 to index
        %get3A_363 = arith.constant 96 : index
        %get3A_364 = tpu.vector_load %arg10[%get3A_362, %get3A_363] {strides = array<i32>} : memref<256x128xbf16, #tpu.memory_space<vmem>>, vector<32xbf16>,
        %max3A_365 = arith.maximumf %while3A_328, %get3A_364 : vector<32xbf16>
        %add3A_366 = arith.constant 2 : i32
        %add3A_367 = arith.addi %add3A_331, %add3A_366 : i32
        %get3A_368 = arith.index_cast %add3A_367 : i32 to index
        %get3A_369 = arith.constant 0 : index
        %get3A_370 = tpu.vector_load %arg10[%get3A_368, %get3A_369] {strides = array<i32>} : memref<256x128xbf16, #tpu.memory_space<vmem>>, vector<32xbf16>,
        %max3A_371 = arith.maximumf %max3A_335, %get3A_370 : vector<32xbf16>
        %get3A_372 = arith.index_cast %add3A_367 : i32 to index
        %get3A_373 = arith.constant 32 : index
        %get3A_374 = tpu.vector_load %arg10[%get3A_372, %get3A_373] {strides = array<i32>} : memref<256x128xbf16, #tpu.memory_space<vmem>>, vector<32xbf16>,
        %max3A_375 = arith.maximumf %max3A_339, %get3A_374 : vector<32xbf16>
        %get3A_376 = arith.index_cast %add3A_367 : i32 to index
        %get3A_377 = arith.constant 64 : index
        %get3A_378 = tpu.vector_load %arg10[%get3A_376, %get3A_377] {strides = array<i32>} : memref<256x128xbf16, #tpu.memory_space<vmem>>, vector<32xbf16>,
        %max3A_379 = arith.maximumf %max3A_343, %get3A_378 : vector<32xbf16>
        %get3A_380 = arith.index_cast %add3A_367 : i32 to index
        %get3A_381 = arith.constant 96 : index
        %get3A_382 = tpu.vector_load %arg10[%get3A_380, %get3A_381] {strides = array<i32>} : memref<256x128xbf16, #tpu.memory_space<vmem>>, vector<32xbf16>,
        %max3A_383 = arith.maximumf %max3A_347, %get3A_382 : vector<32xbf16>
        %add3A_384 = arith.constant 3 : i32
        %add3A_385 = arith.addi %add3A_331, %add3A_384 : i32
        %get3A_386 = arith.index_cast %add3A_385 : i32 to index
        %get3A_387 = arith.constant 0 : index
        %get3A_388 = tpu.vector_load %arg10[%get3A_386, %get3A_387] {strides = array<i32>} : memref<256x128xbf16, #tpu.memory_space<vmem>>, vector<32xbf16>,
        %max3A_389 = arith.maximumf %max3A_353, %get3A_388 : vector<32xbf16>
        %get3A_390 = arith.index_cast %add3A_385 : i32 to index
        %get3A_391 = arith.constant 32 : index
        %get3A_392 = tpu.vector_load %arg10[%get3A_390, %get3A_391] {strides = array<i32>} : memref<256x128xbf16, #tpu.memory_space<vmem>>, vector<32xbf16>,
        %max3A_393 = arith.maximumf %max3A_357, %get3A_392 : vector<32xbf16>
        %get3A_394 = arith.index_cast %add3A_385 : i32 to index
        %get3A_395 = arith.constant 64 : index
        %get3A_396 = tpu.vector_load %arg10[%get3A_394, %get3A_395] {strides = array<i32>} : memref<256x128xbf16, #tpu.memory_space<vmem>>, vector<32xbf16>,
        %max3A_397 = arith.maximumf %max3A_361, %get3A_396 : vector<32xbf16>
        %get3A_398 = arith.index_cast %add3A_385 : i32 to index
        %get3A_399 = arith.constant 96 : index
        %get3A_400 = tpu.vector_load %arg10[%get3A_398, %get3A_399] {strides = array<i32>} : memref<256x128xbf16, #tpu.memory_space<vmem>>, vector<32xbf16>,
        %max3A_401 = arith.maximumf %max3A_365, %get3A_400 : vector<32xbf16>
        scf.yield %max3A_371, %max3A_375, %max3A_379, %max3A_383, %max3A_389, %max3A_393, %max3A_397, %max3A_401 : vector<32xbf16>, vector<32xbf16>, vector<32xbf16>, vector<32xbf16>, vector<32xbf16>, vector<32xbf16>, vector<32xbf16>, vector<32xbf16>
      }
      %mul3A_307 = arith.constant 4 : i32
      %mul3A_308 = arith.muli %mul3A_307, %select_n3A_295 : i32
      %add3A_309 = arith.addi %sub3A_267, %mul3A_308 : i32
      %while3A_310 = arith.subi %sub3A_268, %add3A_309 : i32
      %while3A_311 = arith.addi %add3A_309, %while3A_310 : i32
      %while3A_312 = arith.constant 1 : i32
      %while3A_313 = arith.divsi %while3A_310, %while3A_312 : i32
      %while3A_314 = arith.muli %while3A_313, %while3A_312 : i32
      %while3A_315 = arith.addi %add3A_309, %while3A_314 : i32
      %while3A_316 = arith.constant 1 : i32
      %while3A_317:8 = scf.for %while3A_320 = %add3A_309 to %while3A_315 step %while3A_316 iter_args(%while3A_321 = %while3A_306#0, %while3A_322 = %while3A_306#1, %while3A_323 = %while3A_306#2, %while3A_324 = %while3A_306#3, %while3A_325 = %while3A_306#4, %while3A_326 = %while3A_306#5, %while3A_327 = %while3A_306#6, %while3A_328 = %while3A_306#7) -> (vector<32xbf16>, vector<32xbf16>, vector<32xbf16>, vector<32xbf16>, vector<32xbf16>, vector<32xbf16>, vector<32xbf16>, vector<32xbf16>)  : i32 {
        %get3A_329 = arith.index_cast %while3A_320 : i32 to index
        %get3A_330 = arith.constant 0 : index
        %get3A_331 = tpu.vector_load %arg10[%get3A_329, %get3A_330] {strides = array<i32>} : memref<256x128xbf16, #tpu.memory_space<vmem>>, vector<32xbf16>,
        %max3A_332 = arith.maximumf %while3A_321, %get3A_331 : vector<32xbf16>
        %get3A_333 = arith.index_cast %while3A_320 : i32 to index
        %get3A_334 = arith.constant 32 : index
        %get3A_335 = tpu.vector_load %arg10[%get3A_333, %get3A_334] {strides = array<i32>} : memref<256x128xbf16, #tpu.memory_space<vmem>>, vector<32xbf16>,
        %max3A_336 = arith.maximumf %while3A_322, %get3A_335 : vector<32xbf16>
        %get3A_337 = arith.index_cast %while3A_320 : i32 to index
        %get3A_338 = arith.constant 64 : index
        %get3A_339 = tpu.vector_load %arg10[%get3A_337, %get3A_338] {strides = array<i32>} : memref<256x128xbf16, #tpu.memory_space<vmem>>, vector<32xbf16>,
        %max3A_340 = arith.maximumf %while3A_323, %get3A_339 : vector<32xbf16>
        %get3A_341 = arith.index_cast %while3A_320 : i32 to index
        %get3A_342 = arith.constant 96 : index
        %get3A_343 = tpu.vector_load %arg10[%get3A_341, %get3A_342] {strides = array<i32>} : memref<256x128xbf16, #tpu.memory_space<vmem>>, vector<32xbf16>,
        %max3A_344 = arith.maximumf %while3A_324, %get3A_343 : vector<32xbf16>
        scf.yield %while3A_325, %while3A_326, %while3A_327, %while3A_328, %max3A_332, %max3A_336, %max3A_340, %max3A_344 : vector<32xbf16>, vector<32xbf16>, vector<32xbf16>, vector<32xbf16>, vector<32xbf16>, vector<32xbf16>, vector<32xbf16>, vector<32xbf16>
      }
      %while3A_318 = arith.constant 1 : i32
      %while3A_319:8 = scf.for %while3A_320 = %while3A_315 to %while3A_311 step %while3A_318 iter_args(%while3A_321 = %while3A_317#0, %while3A_322 = %while3A_317#1, %while3A_323 = %while3A_317#2, %while3A_324 = %while3A_317#3, %while3A_325 = %while3A_317#4, %while3A_326 = %while3A_317#5, %while3A_327 = %while3A_317#6, %while3A_328 = %while3A_317#7) -> (vector<32xbf16>, vector<32xbf16>, vector<32xbf16>, vector<32xbf16>, vector<32xbf16>, vector<32xbf16>, vector<32xbf16>, vector<32xbf16>)  : i32 {
        %get3A_329 = arith.index_cast %while3A_320 : i32 to index
        %get3A_330 = arith.constant 0 : index
        %get3A_331 = tpu.vector_load %arg10[%get3A_329, %get3A_330] {strides = array<i32>} : memref<256x128xbf16, #tpu.memory_space<vmem>>, vector<32xbf16>,
        %max3A_332 = arith.maximumf %while3A_321, %get3A_331 : vector<32xbf16>
        %get3A_333 = arith.index_cast %while3A_320 : i32 to index
        %get3A_334 = arith.constant 32 : index
        %get3A_335 = tpu.vector_load %arg10[%get3A_333, %get3A_334] {strides = array<i32>} : memref<256x128xbf16, #tpu.memory_space<vmem>>, vector<32xbf16>,
        %max3A_336 = arith.maximumf %while3A_322, %get3A_335 : vector<32xbf16>
        %get3A_337 = arith.index_cast %while3A_320 : i32 to index
        %get3A_338 = arith.constant 64 : index
        %get3A_339 = tpu.vector_load %arg10[%get3A_337, %get3A_338] {strides = array<i32>} : memref<256x128xbf16, #tpu.memory_space<vmem>>, vector<32xbf16>,
        %max3A_340 = arith.maximumf %while3A_323, %get3A_339 : vector<32xbf16>
        %get3A_341 = arith.index_cast %while3A_320 : i32 to index
        %get3A_342 = arith.constant 96 : index
        %get3A_343 = tpu.vector_load %arg10[%get3A_341, %get3A_342] {strides = array<i32>} : memref<256x128xbf16, #tpu.memory_space<vmem>>, vector<32xbf16>,
        %max3A_344 = arith.maximumf %while3A_324, %get3A_343 : vector<32xbf16>
        scf.yield %while3A_325, %while3A_326, %while3A_327, %while3A_328, %max3A_332, %max3A_336, %max3A_340, %max3A_344 : vector<32xbf16>, vector<32xbf16>, vector<32xbf16>, vector<32xbf16>, vector<32xbf16>, vector<32xbf16>, vector<32xbf16>, vector<32xbf16>
      }
      scf.yield %while3A_266#1, %while3A_266#2, %while3A_319#0, %while3A_319#1, %while3A_319#2, %while3A_319#3, %while3A_319#4, %while3A_319#5, %while3A_319#6, %while3A_319#7 : i32, i32, vector<32xbf16>, vector<32xbf16>, vector<32xbf16>, vector<32xbf16>, vector<32xbf16>, vector<32xbf16>, vector<32xbf16>, vector<32xbf16>
    }
    %while3A_127 = arith.constant 1 : i32
    %while3A_128:10 = scf.for %while3A_137 = %while3A_124 to %while3A_120 step %while3A_127 iter_args(%while3A_138 = %while3A_126#0, %while3A_139 = %while3A_126#1, %while3A_140 = %while3A_126#2, %while3A_141 = %while3A_126#3, %while3A_142 = %while3A_126#4, %while3A_143 = %while3A_126#5, %while3A_144 = %while3A_126#6, %while3A_145 = %while3A_126#7, %while3A_146 = %while3A_126#8, %while3A_147 = %while3A_126#9) -> (i32, i32, vector<32xbf16>, vector<32xbf16>, vector<32xbf16>, vector<32xbf16>, vector<32xbf16>, vector<32xbf16>, vector<32xbf16>, vector<32xbf16>)  : i32 {
      %mul3A_148 = arith.constant 2 : i32
      %mul3A_149 = arith.muli %mul3A_148, %while3A_137 : i32
      %add3A_150 = arith.constant 0 : i32
      %add3A_151 = arith.addi %mul3A_149, %add3A_150 : i32
      %dma_wait3A_152 = arith.constant 0 : i32
      %dma_wait3A_153 = tpu.memref_slice %arg3[%dma_wait3A_152] : memref<321024xi32, #tpu.memory_space<hbm>> -> memref<256xi32, #tpu.memory_space<hbm>>
      %dma_wait3A_154 = arith.constant 0 : i32
      %dma_wait3A_155 = tpu.memref_slice %arg3[%dma_wait3A_154] : memref<321024xi32, #tpu.memory_space<hbm>> -> memref<256xi32, #tpu.memory_space<hbm>>
      tpu.wait_dma2 semaphore(%arg14 : memref<!tpu.dma_semaphore, #tpu.memory_space<semaphore_mem>>) src(%dma_wait3A_155 : memref<256xi32, #tpu.memory_space<hbm>>) dst(%arg8 : memref<256xi32, #tpu.memory_space<vmem>>)
      %dma_start3A_156 = arith.constant 0 : i32
      %dma_start3A_157 = arith.constant 0 : i32
      %dma_start3A_158 = tpu.memref_slice %arg12[%dma_start3A_156, %dma_start3A_157] : memref<10112x128xbf16, #tpu.memory_space<vmem_shared>> -> memref<10112x128xbf16, #tpu.memory_space<vmem_shared>>
      tpu.enqueue_indirect_dma source(%dma_start3A_158 : memref<10112x128xbf16, #tpu.memory_space<vmem_shared>>) target(%arg10 : memref<256x128xbf16, #tpu.memory_space<vmem>>) offsets(%arg8 : memref<256xi32, #tpu.memory_space<vmem>>) semaphore(%arg16 : memref<!tpu.dma_semaphore, #tpu.memory_space<semaphore_mem>>)
      %dma_wait3A_159 = arith.constant 0 : i32
      %dma_wait3A_160 = arith.constant 0 : i32
      %dma_wait3A_161 = tpu.memref_slice %arg12[%dma_wait3A_159, %dma_wait3A_160] : memref<10112x128xbf16, #tpu.memory_space<vmem_shared>> -> memref<10112x128xbf16, #tpu.memory_space<vmem_shared>>
      tpu.wait_indirect_dma semaphore(%arg15 : memref<!tpu.dma_semaphore, #tpu.memory_space<semaphore_mem>>) src(%dma_wait3A_161 : memref<10112x128xbf16, #tpu.memory_space<vmem_shared>>) dst(%arg9 : memref<256x128xbf16, #tpu.memory_space<vmem>>)
      %add3A_162 = arith.constant 2 : i32
      %add3A_163 = arith.addi %add3A_151, %add3A_162 : i32
      %mul3A_164 = arith.constant 256 : i32
      %mul3A_165 = arith.muli %add3A_163, %mul3A_164 : i32
      %add3A_166 = arith.addi %and3A_14, %mul3A_165 : i32
      %multiple_of3A_167 = tpu.assume_multiple %add3A_166, 8 : i32
      %dma_start3A_168 = tpu.memref_slice %arg3[%multiple_of3A_167] : memref<321024xi32, #tpu.memory_space<hbm>> -> memref<256xi32, #tpu.memory_space<hbm>>
      %dma_start3A_169 = tpu.memref_slice %arg3[%multiple_of3A_167] : memref<321024xi32, #tpu.memory_space<hbm>> -> memref<256xi32, #tpu.memory_space<hbm>>
      tpu.enqueue_dma source(%dma_start3A_169 : memref<256xi32, #tpu.memory_space<hbm>>) target(%arg7 : memref<256xi32, #tpu.memory_space<vmem>>) target_semaphore(%arg13 : memref<!tpu.dma_semaphore, #tpu.memory_space<semaphore_mem>>)
      %mul3A_170 = arith.constant 256 : i32
      %mul3A_171 = arith.muli %add3A_151, %mul3A_170 : i32
      %add3A_172 = arith.addi %and3A_14, %mul3A_171 : i32
      %sub3A_173 = arith.subi %squeeze3A, %add3A_172 : i32
      %max3A = arith.constant 0 : i32
      %max3A_174 = arith.maxsi %max3A, %sub3A_173 : i32
      %sub3A_175 = arith.subi %squeeze3A_13, %add3A_172 : i32
      %min3A = arith.constant 256 : i32
      %min3A_176 = arith.minsi %min3A, %sub3A_175 : i32
      %add3A_177 = arith.addi %add3A_172, %min3A_176 : i32
      %add3A_178 = arith.addi %add3A_172, %max3A_174 : i32
      %while3A_179:11 = scf.while (%while3A_320 = %add3A_178, %while3A_321 = %while3A_138, %while3A_322 = %while3A_139, %while3A_323 = %while3A_140, %while3A_324 = %while3A_141, %while3A_325 = %while3A_142, %while3A_326 = %while3A_143, %while3A_327 = %while3A_144, %while3A_328 = %while3A_145, %while3A_329 = %while3A_146, %while3A_330 = %while3A_147) : (i32, i32, i32, vector<32xbf16>, vector<32xbf16>, vector<32xbf16>, vector<32xbf16>, vector<32xbf16>, vector<32xbf16>, vector<32xbf16>, vector<32xbf16>) -> (i32, i32, i32, vector<32xbf16>, vector<32xbf16>, vector<32xbf16>, vector<32xbf16>, vector<32xbf16>, vector<32xbf16>, vector<32xbf16>, vector<32xbf16>) {
        %lt3A = arith.cmpi slt, %while3A_322, %add3A_177 : i32
        scf.condition(%lt3A) %while3A_320, %while3A_321, %while3A_322, %while3A_323, %while3A_324, %while3A_325, %while3A_326, %while3A_327, %while3A_328, %while3A_329, %while3A_330 : i32, i32, i32, vector<32xbf16>, vector<32xbf16>, vector<32xbf16>, vector<32xbf16>, vector<32xbf16>, vector<32xbf16>, vector<32xbf16>, vector<32xbf16>
      } do {
      ^bb0(%while3A_320: i32, %while3A_321: i32, %while3A_322: i32, %while3A_323: vector<32xbf16>, %while3A_324: vector<32xbf16>, %while3A_325: vector<32xbf16>, %while3A_326: vector<32xbf16>, %while3A_327: vector<32xbf16>, %while3A_328: vector<32xbf16>, %while3A_329: vector<32xbf16>, %while3A_330: vector<32xbf16>):
        %sub3A_331 = arith.subi %while3A_320, %add3A_172 : i32
        %sub3A_332 = arith.subi %while3A_322, %add3A_172 : i32
        %sub3A_333 = arith.subi %sub3A_332, %sub3A_331 : i32
        %max3A_334 = arith.constant 0 : i32
        %max3A_335 = arith.maxsi %sub3A_333, %max3A_334 : i32
        %jit3A_336 = arith.constant 4 : i32
        %div3A_337 = arith.divsi %max3A_335, %jit3A_336 : i32
        %sign3A_338 = arith.constant 0 : i32
        %sign3A_339 = arith.cmpi sgt, %max3A_335, %sign3A_338 : i32
        %sign3A_340 = arith.extui %sign3A_339 : i1 to i32
        %sign3A_341 = arith.constant 0 : i32
        %sign3A_342 = arith.cmpi slt, %max3A_335, %sign3A_341 : i32
        %sign3A_343 = arith.extui %sign3A_342 : i1 to i32
        %sign3A_344 = arith.subi %sign3A_340, %sign3A_343 : i32
        %sign3A_345 = arith.constant 0 : i32
        %sign3A_346 = arith.cmpi sgt, %jit3A_336, %sign3A_345 : i32
        %sign3A_347 = arith.extui %sign3A_346 : i1 to i32
        %sign3A_348 = arith.constant 0 : i32
        %sign3A_349 = arith.cmpi slt, %jit3A_336, %sign3A_348 : i32
        %sign3A_350 = arith.extui %sign3A_349 : i1 to i32
        %sign3A_351 = arith.subi %sign3A_347, %sign3A_350 : i32
        %ne3A_352 = arith.cmpi ne, %sign3A_344, %sign3A_351 : i32
        %rem3A_353 = arith.remsi %max3A_335, %jit3A_336 : i32
        %ne3A_354 = arith.constant 0 : i32
        %ne3A_355 = arith.cmpi ne, %rem3A_353, %ne3A_354 : i32
        %and3A_356 = arith.andi %ne3A_352, %ne3A_355 : i1
        %sub3A_357 = arith.constant 1 : i32
        %sub3A_358 = arith.subi %div3A_337, %sub3A_357 : i32
        %select_n3A_359 = arith.select %and3A_356, %sub3A_358, %div3A_337 : i32
        %while3A_360 = arith.constant 0 : i32
        %while3A_361 = arith.subi %select_n3A_359, %while3A_360 : i32
        %while3A_362 = arith.addi %while3A_360, %while3A_361 : i32
        %while3A_363 = arith.constant 1 : i32
        %while3A_364 = arith.divsi %while3A_361, %while3A_363 : i32
        %while3A_365 = arith.muli %while3A_364, %while3A_363 : i32
        %while3A_366 = arith.addi %while3A_360, %while3A_365 : i32
        %while3A_367 = arith.constant 1 : i32
        %while3A_368:8 = scf.for %while3A_408 = %while3A_360 to %while3A_366 step %while3A_367 iter_args(%while3A_409 = %while3A_323, %while3A_410 = %while3A_324, %while3A_411 = %while3A_325, %while3A_412 = %while3A_326, %while3A_413 = %while3A_327, %while3A_414 = %while3A_328, %while3A_415 = %while3A_329, %while3A_416 = %while3A_330) -> (vector<32xbf16>, vector<32xbf16>, vector<32xbf16>, vector<32xbf16>, vector<32xbf16>, vector<32xbf16>, vector<32xbf16>, vector<32xbf16>)  : i32 {
          %mul3A_417 = arith.constant 4 : i32
          %mul3A_418 = arith.muli %mul3A_417, %while3A_408 : i32
          %add3A_419 = arith.addi %sub3A_331, %mul3A_418 : i32
          %get3A_420 = arith.index_cast %add3A_419 : i32 to index
          %get3A_421 = arith.constant 0 : index
          %get3A_422 = tpu.vector_load %arg9[%get3A_420, %get3A_421] {strides = array<i32>} : memref<256x128xbf16, #tpu.memory_space<vmem>>, vector<32xbf16>,
          %max3A_423 = arith.maximumf %while3A_409, %get3A_422 : vector<32xbf16>
          %get3A_424 = arith.index_cast %add3A_419 : i32 to index
          %get3A_425 = arith.constant 32 : index
          %get3A_426 = tpu.vector_load %arg9[%get3A_424, %get3A_425] {strides = array<i32>} : memref<256x128xbf16, #tpu.memory_space<vmem>>, vector<32xbf16>,
          %max3A_427 = arith.maximumf %while3A_410, %get3A_426 : vector<32xbf16>
          %get3A_428 = arith.index_cast %add3A_419 : i32 to index
          %get3A_429 = arith.constant 64 : index
          %get3A_430 = tpu.vector_load %arg9[%get3A_428, %get3A_429] {strides = array<i32>} : memref<256x128xbf16, #tpu.memory_space<vmem>>, vector<32xbf16>,
          %max3A_431 = arith.maximumf %while3A_411, %get3A_430 : vector<32xbf16>
          %get3A_432 = arith.index_cast %add3A_419 : i32 to index
          %get3A_433 = arith.constant 96 : index
          %get3A_434 = tpu.vector_load %arg9[%get3A_432, %get3A_433] {strides = array<i32>} : memref<256x128xbf16, #tpu.memory_space<vmem>>, vector<32xbf16>,
          %max3A_435 = arith.maximumf %while3A_412, %get3A_434 : vector<32xbf16>
          %add3A_436 = arith.constant 1 : i32
          %add3A_437 = arith.addi %add3A_419, %add3A_436 : i32
          %get3A_438 = arith.index_cast %add3A_437 : i32 to index
          %get3A_439 = arith.constant 0 : index
          %get3A_440 = tpu.vector_load %arg9[%get3A_438, %get3A_439] {strides = array<i32>} : memref<256x128xbf16, #tpu.memory_space<vmem>>, vector<32xbf16>,
          %max3A_441 = arith.maximumf %while3A_413, %get3A_440 : vector<32xbf16>
          %get3A_442 = arith.index_cast %add3A_437 : i32 to index
          %get3A_443 = arith.constant 32 : index
          %get3A_444 = tpu.vector_load %arg9[%get3A_442, %get3A_443] {strides = array<i32>} : memref<256x128xbf16, #tpu.memory_space<vmem>>, vector<32xbf16>,
          %max3A_445 = arith.maximumf %while3A_414, %get3A_444 : vector<32xbf16>
          %get3A_446 = arith.index_cast %add3A_437 : i32 to index
          %get3A_447 = arith.constant 64 : index
          %get3A_448 = tpu.vector_load %arg9[%get3A_446, %get3A_447] {strides = array<i32>} : memref<256x128xbf16, #tpu.memory_space<vmem>>, vector<32xbf16>,
          %max3A_449 = arith.maximumf %while3A_415, %get3A_448 : vector<32xbf16>
          %get3A_450 = arith.index_cast %add3A_437 : i32 to index
          %get3A_451 = arith.constant 96 : index
          %get3A_452 = tpu.vector_load %arg9[%get3A_450, %get3A_451] {strides = array<i32>} : memref<256x128xbf16, #tpu.memory_space<vmem>>, vector<32xbf16>,
          %max3A_453 = arith.maximumf %while3A_416, %get3A_452 : vector<32xbf16>
          %add3A_454 = arith.constant 2 : i32
          %add3A_455 = arith.addi %add3A_419, %add3A_454 : i32
          %get3A_456 = arith.index_cast %add3A_455 : i32 to index
          %get3A_457 = arith.constant 0 : index
          %get3A_458 = tpu.vector_load %arg9[%get3A_456, %get3A_457] {strides = array<i32>} : memref<256x128xbf16, #tpu.memory_space<vmem>>, vector<32xbf16>,
          %max3A_459 = arith.maximumf %max3A_423, %get3A_458 : vector<32xbf16>
          %get3A_460 = arith.index_cast %add3A_455 : i32 to index
          %get3A_461 = arith.constant 32 : index
          %get3A_462 = tpu.vector_load %arg9[%get3A_460, %get3A_461] {strides = array<i32>} : memref<256x128xbf16, #tpu.memory_space<vmem>>, vector<32xbf16>,
          %max3A_463 = arith.maximumf %max3A_427, %get3A_462 : vector<32xbf16>
          %get3A_464 = arith.index_cast %add3A_455 : i32 to index
          %get3A_465 = arith.constant 64 : index
          %get3A_466 = tpu.vector_load %arg9[%get3A_464, %get3A_465] {strides = array<i32>} : memref<256x128xbf16, #tpu.memory_space<vmem>>, vector<32xbf16>,
          %max3A_467 = arith.maximumf %max3A_431, %get3A_466 : vector<32xbf16>
          %get3A_468 = arith.index_cast %add3A_455 : i32 to index
          %get3A_469 = arith.constant 96 : index
          %get3A_470 = tpu.vector_load %arg9[%get3A_468, %get3A_469] {strides = array<i32>} : memref<256x128xbf16, #tpu.memory_space<vmem>>, vector<32xbf16>,
          %max3A_471 = arith.maximumf %max3A_435, %get3A_470 : vector<32xbf16>
          %add3A_472 = arith.constant 3 : i32
          %add3A_473 = arith.addi %add3A_419, %add3A_472 : i32
          %get3A_474 = arith.index_cast %add3A_473 : i32 to index
          %get3A_475 = arith.constant 0 : index
          %get3A_476 = tpu.vector_load %arg9[%get3A_474, %get3A_475] {strides = array<i32>} : memref<256x128xbf16, #tpu.memory_space<vmem>>, vector<32xbf16>,
          %max3A_477 = arith.maximumf %max3A_441, %get3A_476 : vector<32xbf16>
          %get3A_478 = arith.index_cast %add3A_473 : i32 to index
          %get3A_479 = arith.constant 32 : index
          %get3A_480 = tpu.vector_load %arg9[%get3A_478, %get3A_479] {strides = array<i32>} : memref<256x128xbf16, #tpu.memory_space<vmem>>, vector<32xbf16>,
          %max3A_481 = arith.maximumf %max3A_445, %get3A_480 : vector<32xbf16>
          %get3A_482 = arith.index_cast %add3A_473 : i32 to index
          %get3A_483 = arith.constant 64 : index
          %get3A_484 = tpu.vector_load %arg9[%get3A_482, %get3A_483] {strides = array<i32>} : memref<256x128xbf16, #tpu.memory_space<vmem>>, vector<32xbf16>,
          %max3A_485 = arith.maximumf %max3A_449, %get3A_484 : vector<32xbf16>
          %get3A_486 = arith.index_cast %add3A_473 : i32 to index
          %get3A_487 = arith.constant 96 : index
          %get3A_488 = tpu.vector_load %arg9[%get3A_486, %get3A_487] {strides = array<i32>} : memref<256x128xbf16, #tpu.memory_space<vmem>>, vector<32xbf16>,
          %max3A_489 = arith.maximumf %max3A_453, %get3A_488 : vector<32xbf16>
          scf.yield %max3A_459, %max3A_463, %max3A_467, %max3A_471, %max3A_477, %max3A_481, %max3A_485, %max3A_489 : vector<32xbf16>, vector<32xbf16>, vector<32xbf16>, vector<32xbf16>, vector<32xbf16>, vector<32xbf16>, vector<32xbf16>, vector<32xbf16>
        }
        %while3A_369 = arith.constant 1 : i32
        %while3A_370:8 = scf.for %while3A_408 = %while3A_366 to %while3A_362 step %while3A_369 iter_args(%while3A_409 = %while3A_368#0, %while3A_410 = %while3A_368#1, %while3A_411 = %while3A_368#2, %while3A_412 = %while3A_368#3, %while3A_413 = %while3A_368#4, %while3A_414 = %while3A_368#5, %while3A_415 = %while3A_368#6, %while3A_416 = %while3A_368#7) -> (vector<32xbf16>, vector<32xbf16>, vector<32xbf16>, vector<32xbf16>, vector<32xbf16>, vector<32xbf16>, vector<32xbf16>, vector<32xbf16>)  : i32 {
          %mul3A_417 = arith.constant 4 : i32
          %mul3A_418 = arith.muli %mul3A_417, %while3A_408 : i32
          %add3A_419 = arith.addi %sub3A_331, %mul3A_418 : i32
          %get3A_420 = arith.index_cast %add3A_419 : i32 to index
          %get3A_421 = arith.constant 0 : index
          %get3A_422 = tpu.vector_load %arg9[%get3A_420, %get3A_421] {strides = array<i32>} : memref<256x128xbf16, #tpu.memory_space<vmem>>, vector<32xbf16>,
          %max3A_423 = arith.maximumf %while3A_409, %get3A_422 : vector<32xbf16>
          %get3A_424 = arith.index_cast %add3A_419 : i32 to index
          %get3A_425 = arith.constant 32 : index
          %get3A_426 = tpu.vector_load %arg9[%get3A_424, %get3A_425] {strides = array<i32>} : memref<256x128xbf16, #tpu.memory_space<vmem>>, vector<32xbf16>,
          %max3A_427 = arith.maximumf %while3A_410, %get3A_426 : vector<32xbf16>
          %get3A_428 = arith.index_cast %add3A_419 : i32 to index
          %get3A_429 = arith.constant 64 : index
          %get3A_430 = tpu.vector_load %arg9[%get3A_428, %get3A_429] {strides = array<i32>} : memref<256x128xbf16, #tpu.memory_space<vmem>>, vector<32xbf16>,
          %max3A_431 = arith.maximumf %while3A_411, %get3A_430 : vector<32xbf16>
          %get3A_432 = arith.index_cast %add3A_419 : i32 to index
          %get3A_433 = arith.constant 96 : index
          %get3A_434 = tpu.vector_load %arg9[%get3A_432, %get3A_433] {strides = array<i32>} : memref<256x128xbf16, #tpu.memory_space<vmem>>, vector<32xbf16>,
          %max3A_435 = arith.maximumf %while3A_412, %get3A_434 : vector<32xbf16>
          %add3A_436 = arith.constant 1 : i32
          %add3A_437 = arith.addi %add3A_419, %add3A_436 : i32
          %get3A_438 = arith.index_cast %add3A_437 : i32 to index
          %get3A_439 = arith.constant 0 : index
          %get3A_440 = tpu.vector_load %arg9[%get3A_438, %get3A_439] {strides = array<i32>} : memref<256x128xbf16, #tpu.memory_space<vmem>>, vector<32xbf16>,
          %max3A_441 = arith.maximumf %while3A_413, %get3A_440 : vector<32xbf16>
          %get3A_442 = arith.index_cast %add3A_437 : i32 to index
          %get3A_443 = arith.constant 32 : index
          %get3A_444 = tpu.vector_load %arg9[%get3A_442, %get3A_443] {strides = array<i32>} : memref<256x128xbf16, #tpu.memory_space<vmem>>, vector<32xbf16>,
          %max3A_445 = arith.maximumf %while3A_414, %get3A_444 : vector<32xbf16>
          %get3A_446 = arith.index_cast %add3A_437 : i32 to index
          %get3A_447 = arith.constant 64 : index
          %get3A_448 = tpu.vector_load %arg9[%get3A_446, %get3A_447] {strides = array<i32>} : memref<256x128xbf16, #tpu.memory_space<vmem>>, vector<32xbf16>,
          %max3A_449 = arith.maximumf %while3A_415, %get3A_448 : vector<32xbf16>
          %get3A_450 = arith.index_cast %add3A_437 : i32 to index
          %get3A_451 = arith.constant 96 : index
          %get3A_452 = tpu.vector_load %arg9[%get3A_450, %get3A_451] {strides = array<i32>} : memref<256x128xbf16, #tpu.memory_space<vmem>>, vector<32xbf16>,
          %max3A_453 = arith.maximumf %while3A_416, %get3A_452 : vector<32xbf16>
          %add3A_454 = arith.constant 2 : i32
          %add3A_455 = arith.addi %add3A_419, %add3A_454 : i32
          %get3A_456 = arith.index_cast %add3A_455 : i32 to index
          %get3A_457 = arith.constant 0 : index
          %get3A_458 = tpu.vector_load %arg9[%get3A_456, %get3A_457] {strides = array<i32>} : memref<256x128xbf16, #tpu.memory_space<vmem>>, vector<32xbf16>,
          %max3A_459 = arith.maximumf %max3A_423, %get3A_458 : vector<32xbf16>
          %get3A_460 = arith.index_cast %add3A_455 : i32 to index
          %get3A_461 = arith.constant 32 : index
          %get3A_462 = tpu.vector_load %arg9[%get3A_460, %get3A_461] {strides = array<i32>} : memref<256x128xbf16, #tpu.memory_space<vmem>>, vector<32xbf16>,
          %max3A_463 = arith.maximumf %max3A_427, %get3A_462 : vector<32xbf16>
          %get3A_464 = arith.index_cast %add3A_455 : i32 to index
          %get3A_465 = arith.constant 64 : index
          %get3A_466 = tpu.vector_load %arg9[%get3A_464, %get3A_465] {strides = array<i32>} : memref<256x128xbf16, #tpu.memory_space<vmem>>, vector<32xbf16>,
          %max3A_467 = arith.maximumf %max3A_431, %get3A_466 : vector<32xbf16>
          %get3A_468 = arith.index_cast %add3A_455 : i32 to index
          %get3A_469 = arith.constant 96 : index
          %get3A_470 = tpu.vector_load %arg9[%get3A_468, %get3A_469] {strides = array<i32>} : memref<256x128xbf16, #tpu.memory_space<vmem>>, vector<32xbf16>,
          %max3A_471 = arith.maximumf %max3A_435, %get3A_470 : vector<32xbf16>
          %add3A_472 = arith.constant 3 : i32
          %add3A_473 = arith.addi %add3A_419, %add3A_472 : i32
          %get3A_474 = arith.index_cast %add3A_473 : i32 to index
          %get3A_475 = arith.constant 0 : index
          %get3A_476 = tpu.vector_load %arg9[%get3A_474, %get3A_475] {strides = array<i32>} : memref<256x128xbf16, #tpu.memory_space<vmem>>, vector<32xbf16>,
          %max3A_477 = arith.maximumf %max3A_441, %get3A_476 : vector<32xbf16>
          %get3A_478 = arith.index_cast %add3A_473 : i32 to index
          %get3A_479 = arith.constant 32 : index
          %get3A_480 = tpu.vector_load %arg9[%get3A_478, %get3A_479] {strides = array<i32>} : memref<256x128xbf16, #tpu.memory_space<vmem>>, vector<32xbf16>,
          %max3A_481 = arith.maximumf %max3A_445, %get3A_480 : vector<32xbf16>
          %get3A_482 = arith.index_cast %add3A_473 : i32 to index
          %get3A_483 = arith.constant 64 : index
          %get3A_484 = tpu.vector_load %arg9[%get3A_482, %get3A_483] {strides = array<i32>} : memref<256x128xbf16, #tpu.memory_space<vmem>>, vector<32xbf16>,
          %max3A_485 = arith.maximumf %max3A_449, %get3A_484 : vector<32xbf16>
          %get3A_486 = arith.index_cast %add3A_473 : i32 to index
          %get3A_487 = arith.constant 96 : index
          %get3A_488 = tpu.vector_load %arg9[%get3A_486, %get3A_487] {strides = array<i32>} : memref<256x128xbf16, #tpu.memory_space<vmem>>, vector<32xbf16>,
          %max3A_489 = arith.maximumf %max3A_453, %get3A_488 : vector<32xbf16>
          scf.yield %max3A_459, %max3A_463, %max3A_467, %max3A_471, %max3A_477, %max3A_481, %max3A_485, %max3A_489 : vector<32xbf16>, vector<32xbf16>, vector<32xbf16>, vector<32xbf16>, vector<32xbf16>, vector<32xbf16>, vector<32xbf16>, vector<32xbf16>
        }
        %mul3A_371 = arith.constant 4 : i32
        %mul3A_372 = arith.muli %mul3A_371, %select_n3A_359 : i32
        %add3A_373 = arith.addi %sub3A_331, %mul3A_372 : i32
        %while3A_374 = arith.subi %sub3A_332, %add3A_373 : i32
        %while3A_375 = arith.addi %add3A_373, %while3A_374 : i32
        %while3A_376 = arith.constant 1 : i32
        %while3A_377 = arith.divsi %while3A_374, %while3A_376 : i32
        %while3A_378 = arith.muli %while3A_377, %while3A_376 : i32
        %while3A_379 = arith.addi %add3A_373, %while3A_378 : i32
        %while3A_380 = arith.constant 1 : i32
        %while3A_381:8 = scf.for %while3A_408 = %add3A_373 to %while3A_379 step %while3A_380 iter_args(%while3A_409 = %while3A_370#0, %while3A_410 = %while3A_370#1, %while3A_411 = %while3A_370#2, %while3A_412 = %while3A_370#3, %while3A_413 = %while3A_370#4, %while3A_414 = %while3A_370#5, %while3A_415 = %while3A_370#6, %while3A_416 = %while3A_370#7) -> (vector<32xbf16>, vector<32xbf16>, vector<32xbf16>, vector<32xbf16>, vector<32xbf16>, vector<32xbf16>, vector<32xbf16>, vector<32xbf16>)  : i32 {
          %get3A_417 = arith.index_cast %while3A_408 : i32 to index
          %get3A_418 = arith.constant 0 : index
          %get3A_419 = tpu.vector_load %arg9[%get3A_417, %get3A_418] {strides = array<i32>} : memref<256x128xbf16, #tpu.memory_space<vmem>>, vector<32xbf16>,
          %max3A_420 = arith.maximumf %while3A_409, %get3A_419 : vector<32xbf16>
          %get3A_421 = arith.index_cast %while3A_408 : i32 to index
          %get3A_422 = arith.constant 32 : index
          %get3A_423 = tpu.vector_load %arg9[%get3A_421, %get3A_422] {strides = array<i32>} : memref<256x128xbf16, #tpu.memory_space<vmem>>, vector<32xbf16>,
          %max3A_424 = arith.maximumf %while3A_410, %get3A_423 : vector<32xbf16>
          %get3A_425 = arith.index_cast %while3A_408 : i32 to index
          %get3A_426 = arith.constant 64 : index
          %get3A_427 = tpu.vector_load %arg9[%get3A_425, %get3A_426] {strides = array<i32>} : memref<256x128xbf16, #tpu.memory_space<vmem>>, vector<32xbf16>,
          %max3A_428 = arith.maximumf %while3A_411, %get3A_427 : vector<32xbf16>
          %get3A_429 = arith.index_cast %while3A_408 : i32 to index
          %get3A_430 = arith.constant 96 : index
          %get3A_431 = tpu.vector_load %arg9[%get3A_429, %get3A_430] {strides = array<i32>} : memref<256x128xbf16, #tpu.memory_space<vmem>>, vector<32xbf16>,
          %max3A_432 = arith.maximumf %while3A_412, %get3A_431 : vector<32xbf16>
          scf.yield %while3A_413, %while3A_414, %while3A_415, %while3A_416, %max3A_420, %max3A_424, %max3A_428, %max3A_432 : vector<32xbf16>, vector<32xbf16>, vector<32xbf16>, vector<32xbf16>, vector<32xbf16>, vector<32xbf16>, vector<32xbf16>, vector<32xbf16>
        }
        %while3A_382 = arith.constant 1 : i32
        %while3A_383:8 = scf.for %while3A_408 = %while3A_379 to %while3A_375 step %while3A_382 iter_args(%while3A_409 = %while3A_381#0, %while3A_410 = %while3A_381#1, %while3A_411 = %while3A_381#2, %while3A_412 = %while3A_381#3, %while3A_413 = %while3A_381#4, %while3A_414 = %while3A_381#5, %while3A_415 = %while3A_381#6, %while3A_416 = %while3A_381#7) -> (vector<32xbf16>, vector<32xbf16>, vector<32xbf16>, vector<32xbf16>, vector<32xbf16>, vector<32xbf16>, vector<32xbf16>, vector<32xbf16>)  : i32 {
          %get3A_417 = arith.index_cast %while3A_408 : i32 to index
          %get3A_418 = arith.constant 0 : index
          %get3A_419 = tpu.vector_load %arg9[%get3A_417, %get3A_418] {strides = array<i32>} : memref<256x128xbf16, #tpu.memory_space<vmem>>, vector<32xbf16>,
          %max3A_420 = arith.maximumf %while3A_409, %get3A_419 : vector<32xbf16>
          %get3A_421 = arith.index_cast %while3A_408 : i32 to index
          %get3A_422 = arith.constant 32 : index
          %get3A_423 = tpu.vector_load %arg9[%get3A_421, %get3A_422] {strides = array<i32>} : memref<256x128xbf16, #tpu.memory_space<vmem>>, vector<32xbf16>,
          %max3A_424 = arith.maximumf %while3A_410, %get3A_423 : vector<32xbf16>
          %get3A_425 = arith.index_cast %while3A_408 : i32 to index
          %get3A_426 = arith.constant 64 : index
          %get3A_427 = tpu.vector_load %arg9[%get3A_425, %get3A_426] {strides = array<i32>} : memref<256x128xbf16, #tpu.memory_space<vmem>>, vector<32xbf16>,
          %max3A_428 = arith.maximumf %while3A_411, %get3A_427 : vector<32xbf16>
          %get3A_429 = arith.index_cast %while3A_408 : i32 to index
          %get3A_430 = arith.constant 96 : index
          %get3A_431 = tpu.vector_load %arg9[%get3A_429, %get3A_430] {strides = array<i32>} : memref<256x128xbf16, #tpu.memory_space<vmem>>, vector<32xbf16>,
          %max3A_432 = arith.maximumf %while3A_412, %get3A_431 : vector<32xbf16>
          scf.yield %while3A_413, %while3A_414, %while3A_415, %while3A_416, %max3A_420, %max3A_424, %max3A_428, %max3A_432 : vector<32xbf16>, vector<32xbf16>, vector<32xbf16>, vector<32xbf16>, vector<32xbf16>, vector<32xbf16>, vector<32xbf16>, vector<32xbf16>
        }
        %max3A_384 = arith.maximumf %while3A_383#0, %while3A_383#4 : vector<32xbf16>
        %swap3A = arith.index_cast %while3A_321 : i32 to index
        %swap3A_385 = arith.constant 0 : index
        %swap3A_386 = tpu.vector_load %arg11[%swap3A, %swap3A_385] {strides = array<i32>} : memref<321x128xbf16, #tpu.memory_space<vmem>>, vector<32xbf16>,
        tpu.vector_store %arg11[%swap3A, %swap3A_385], %max3A_384 {strides = array<i32>} : memref<321x128xbf16, #tpu.memory_space<vmem>>, vector<32xbf16>,
        %max3A_387 = arith.maximumf %while3A_383#1, %while3A_383#5 : vector<32xbf16>
        %swap3A_388 = arith.index_cast %while3A_321 : i32 to index
        %swap3A_389 = arith.constant 32 : index
        %swap3A_390 = tpu.vector_load %arg11[%swap3A_388, %swap3A_389] {strides = array<i32>} : memref<321x128xbf16, #tpu.memory_space<vmem>>, vector<32xbf16>,
        tpu.vector_store %arg11[%swap3A_388, %swap3A_389], %max3A_387 {strides = array<i32>} : memref<321x128xbf16, #tpu.memory_space<vmem>>, vector<32xbf16>,
        %max3A_391 = arith.maximumf %while3A_383#2, %while3A_383#6 : vector<32xbf16>
        %swap3A_392 = arith.index_cast %while3A_321 : i32 to index
        %swap3A_393 = arith.constant 64 : index
        %swap3A_394 = tpu.vector_load %arg11[%swap3A_392, %swap3A_393] {strides = array<i32>} : memref<321x128xbf16, #tpu.memory_space<vmem>>, vector<32xbf16>,
        tpu.vector_store %arg11[%swap3A_392, %swap3A_393], %max3A_391 {strides = array<i32>} : memref<321x128xbf16, #tpu.memory_space<vmem>>, vector<32xbf16>,
        %max3A_395 = arith.maximumf %while3A_383#3, %while3A_383#7 : vector<32xbf16>
        %swap3A_396 = arith.index_cast %while3A_321 : i32 to index
        %swap3A_397 = arith.constant 96 : index
        %swap3A_398 = tpu.vector_load %arg11[%swap3A_396, %swap3A_397] {strides = array<i32>} : memref<321x128xbf16, #tpu.memory_space<vmem>>, vector<32xbf16>,
        tpu.vector_store %arg11[%swap3A_396, %swap3A_397], %max3A_395 {strides = array<i32>} : memref<321x128xbf16, #tpu.memory_space<vmem>>, vector<32xbf16>,
        %add3A_399 = arith.constant 1 : i32
        %add3A_400 = arith.addi %while3A_321, %add3A_399 : i32
        %while3A_401 = scf.while (%while3A_408 = %add3A_400) : (i32) -> i32 {
          %lt3A = arith.constant 320 : i32
          %lt3A_409 = arith.cmpi slt, %while3A_408, %lt3A : i32
          %add3A_410 = arith.constant 1 : i32
          %add3A_411 = arith.addi %while3A_408, %add3A_410 : i32
          %get3A_412 = arith.index_cast %add3A_411 : i32 to index
          %get3A_413 = tpu.vector_load %arg6[%get3A_412] {strides = array<i32>} : memref<344xi32, #tpu.memory_space<vmem>>, vector<16xi32>,
          %slice3A_414 = vector.extract_strided_slice %get3A_413 {offsets = [0], sizes = [1], strides = [1]} : vector<16xi32> to vector<1xi32>
          %squeeze3A_415 = vector.extract %slice3A_414[0] : i32 from vector<1xi32>
          %le3A = arith.cmpi sle, %squeeze3A_415, %while3A_322 : i32
          %and3A_416 = arith.andi %lt3A_409, %le3A : i1
          scf.condition(%and3A_416) %while3A_408 : i32
        } do {
        ^bb0(%while3A_408: i32):
          %add3A_409 = arith.constant 1 : i32
          %add3A_410 = arith.addi %while3A_408, %add3A_409 : i32
          scf.yield %add3A_410 : i32
        }
        %add3A_402 = arith.constant 1 : i32
        %add3A_403 = arith.addi %while3A_401, %add3A_402 : i32
        %get3A_404 = arith.index_cast %add3A_403 : i32 to index
        %get3A_405 = tpu.vector_load %arg6[%get3A_404] {strides = array<i32>} : memref<344xi32, #tpu.memory_space<vmem>>, vector<16xi32>,
        %slice3A_406 = vector.extract_strided_slice %get3A_405 {offsets = [0], sizes = [1], strides = [1]} : vector<16xi32> to vector<1xi32>
        %squeeze3A_407 = vector.extract %slice3A_406[0] : i32 from vector<1xi32>
        scf.yield %while3A_322, %while3A_401, %squeeze3A_407, %broadcast_in_dim3A_3, %broadcast_in_dim3A_3, %broadcast_in_dim3A_3, %broadcast_in_dim3A_3, %broadcast_in_dim3A_3, %broadcast_in_dim3A_3, %broadcast_in_dim3A_3, %broadcast_in_dim3A_3 : i32, i32, i32, vector<32xbf16>, vector<32xbf16>, vector<32xbf16>, vector<32xbf16>, vector<32xbf16>, vector<32xbf16>, vector<32xbf16>, vector<32xbf16>
      }
      %sub3A_180 = arith.subi %while3A_179#0, %add3A_172 : i32
      %sub3A_181 = arith.subi %add3A_177, %add3A_172 : i32
      %sub3A_182 = arith.subi %sub3A_181, %sub3A_180 : i32
      %max3A_183 = arith.constant 0 : i32
      %max3A_184 = arith.maxsi %sub3A_182, %max3A_183 : i32
      %jit3A_185 = arith.constant 4 : i32
      %div3A_186 = arith.divsi %max3A_184, %jit3A_185 : i32
      %sign3A_187 = arith.constant 0 : i32
      %sign3A_188 = arith.cmpi sgt, %max3A_184, %sign3A_187 : i32
      %sign3A_189 = arith.extui %sign3A_188 : i1 to i32
      %sign3A_190 = arith.constant 0 : i32
      %sign3A_191 = arith.cmpi slt, %max3A_184, %sign3A_190 : i32
      %sign3A_192 = arith.extui %sign3A_191 : i1 to i32
      %sign3A_193 = arith.subi %sign3A_189, %sign3A_192 : i32
      %sign3A_194 = arith.constant 0 : i32
      %sign3A_195 = arith.cmpi sgt, %jit3A_185, %sign3A_194 : i32
      %sign3A_196 = arith.extui %sign3A_195 : i1 to i32
      %sign3A_197 = arith.constant 0 : i32
      %sign3A_198 = arith.cmpi slt, %jit3A_185, %sign3A_197 : i32
      %sign3A_199 = arith.extui %sign3A_198 : i1 to i32
      %sign3A_200 = arith.subi %sign3A_196, %sign3A_199 : i32
      %ne3A_201 = arith.cmpi ne, %sign3A_193, %sign3A_200 : i32
      %rem3A_202 = arith.remsi %max3A_184, %jit3A_185 : i32
      %ne3A_203 = arith.constant 0 : i32
      %ne3A_204 = arith.cmpi ne, %rem3A_202, %ne3A_203 : i32
      %and3A_205 = arith.andi %ne3A_201, %ne3A_204 : i1
      %sub3A_206 = arith.constant 1 : i32
      %sub3A_207 = arith.subi %div3A_186, %sub3A_206 : i32
      %select_n3A_208 = arith.select %and3A_205, %sub3A_207, %div3A_186 : i32
      %while3A_209 = arith.constant 0 : i32
      %while3A_210 = arith.subi %select_n3A_208, %while3A_209 : i32
      %while3A_211 = arith.addi %while3A_209, %while3A_210 : i32
      %while3A_212 = arith.constant 1 : i32
      %while3A_213 = arith.divsi %while3A_210, %while3A_212 : i32
      %while3A_214 = arith.muli %while3A_213, %while3A_212 : i32
      %while3A_215 = arith.addi %while3A_209, %while3A_214 : i32
      %while3A_216 = arith.constant 1 : i32
      %while3A_217:8 = scf.for %while3A_320 = %while3A_209 to %while3A_215 step %while3A_216 iter_args(%while3A_321 = %while3A_179#3, %while3A_322 = %while3A_179#4, %while3A_323 = %while3A_179#5, %while3A_324 = %while3A_179#6, %while3A_325 = %while3A_179#7, %while3A_326 = %while3A_179#8, %while3A_327 = %while3A_179#9, %while3A_328 = %while3A_179#10) -> (vector<32xbf16>, vector<32xbf16>, vector<32xbf16>, vector<32xbf16>, vector<32xbf16>, vector<32xbf16>, vector<32xbf16>, vector<32xbf16>)  : i32 {
        %mul3A_329 = arith.constant 4 : i32
        %mul3A_330 = arith.muli %mul3A_329, %while3A_320 : i32
        %add3A_331 = arith.addi %sub3A_180, %mul3A_330 : i32
        %get3A_332 = arith.index_cast %add3A_331 : i32 to index
        %get3A_333 = arith.constant 0 : index
        %get3A_334 = tpu.vector_load %arg9[%get3A_332, %get3A_333] {strides = array<i32>} : memref<256x128xbf16, #tpu.memory_space<vmem>>, vector<32xbf16>,
        %max3A_335 = arith.maximumf %while3A_321, %get3A_334 : vector<32xbf16>
        %get3A_336 = arith.index_cast %add3A_331 : i32 to index
        %get3A_337 = arith.constant 32 : index
        %get3A_338 = tpu.vector_load %arg9[%get3A_336, %get3A_337] {strides = array<i32>} : memref<256x128xbf16, #tpu.memory_space<vmem>>, vector<32xbf16>,
        %max3A_339 = arith.maximumf %while3A_322, %get3A_338 : vector<32xbf16>
        %get3A_340 = arith.index_cast %add3A_331 : i32 to index
        %get3A_341 = arith.constant 64 : index
        %get3A_342 = tpu.vector_load %arg9[%get3A_340, %get3A_341] {strides = array<i32>} : memref<256x128xbf16, #tpu.memory_space<vmem>>, vector<32xbf16>,
        %max3A_343 = arith.maximumf %while3A_323, %get3A_342 : vector<32xbf16>
        %get3A_344 = arith.index_cast %add3A_331 : i32 to index
        %get3A_345 = arith.constant 96 : index
        %get3A_346 = tpu.vector_load %arg9[%get3A_344, %get3A_345] {strides = array<i32>} : memref<256x128xbf16, #tpu.memory_space<vmem>>, vector<32xbf16>,
        %max3A_347 = arith.maximumf %while3A_324, %get3A_346 : vector<32xbf16>
        %add3A_348 = arith.constant 1 : i32
        %add3A_349 = arith.addi %add3A_331, %add3A_348 : i32
        %get3A_350 = arith.index_cast %add3A_349 : i32 to index
        %get3A_351 = arith.constant 0 : index
        %get3A_352 = tpu.vector_load %arg9[%get3A_350, %get3A_351] {strides = array<i32>} : memref<256x128xbf16, #tpu.memory_space<vmem>>, vector<32xbf16>,
        %max3A_353 = arith.maximumf %while3A_325, %get3A_352 : vector<32xbf16>
        %get3A_354 = arith.index_cast %add3A_349 : i32 to index
        %get3A_355 = arith.constant 32 : index
        %get3A_356 = tpu.vector_load %arg9[%get3A_354, %get3A_355] {strides = array<i32>} : memref<256x128xbf16, #tpu.memory_space<vmem>>, vector<32xbf16>,
        %max3A_357 = arith.maximumf %while3A_326, %get3A_356 : vector<32xbf16>
        %get3A_358 = arith.index_cast %add3A_349 : i32 to index
        %get3A_359 = arith.constant 64 : index
        %get3A_360 = tpu.vector_load %arg9[%get3A_358, %get3A_359] {strides = array<i32>} : memref<256x128xbf16, #tpu.memory_space<vmem>>, vector<32xbf16>,
        %max3A_361 = arith.maximumf %while3A_327, %get3A_360 : vector<32xbf16>
        %get3A_362 = arith.index_cast %add3A_349 : i32 to index
        %get3A_363 = arith.constant 96 : index
        %get3A_364 = tpu.vector_load %arg9[%get3A_362, %get3A_363] {strides = array<i32>} : memref<256x128xbf16, #tpu.memory_space<vmem>>, vector<32xbf16>,
        %max3A_365 = arith.maximumf %while3A_328, %get3A_364 : vector<32xbf16>
        %add3A_366 = arith.constant 2 : i32
        %add3A_367 = arith.addi %add3A_331, %add3A_366 : i32
        %get3A_368 = arith.index_cast %add3A_367 : i32 to index
        %get3A_369 = arith.constant 0 : index
        %get3A_370 = tpu.vector_load %arg9[%get3A_368, %get3A_369] {strides = array<i32>} : memref<256x128xbf16, #tpu.memory_space<vmem>>, vector<32xbf16>,
        %max3A_371 = arith.maximumf %max3A_335, %get3A_370 : vector<32xbf16>
        %get3A_372 = arith.index_cast %add3A_367 : i32 to index
        %get3A_373 = arith.constant 32 : index
        %get3A_374 = tpu.vector_load %arg9[%get3A_372, %get3A_373] {strides = array<i32>} : memref<256x128xbf16, #tpu.memory_space<vmem>>, vector<32xbf16>,
        %max3A_375 = arith.maximumf %max3A_339, %get3A_374 : vector<32xbf16>
        %get3A_376 = arith.index_cast %add3A_367 : i32 to index
        %get3A_377 = arith.constant 64 : index
        %get3A_378 = tpu.vector_load %arg9[%get3A_376, %get3A_377] {strides = array<i32>} : memref<256x128xbf16, #tpu.memory_space<vmem>>, vector<32xbf16>,
        %max3A_379 = arith.maximumf %max3A_343, %get3A_378 : vector<32xbf16>
        %get3A_380 = arith.index_cast %add3A_367 : i32 to index
        %get3A_381 = arith.constant 96 : index
        %get3A_382 = tpu.vector_load %arg9[%get3A_380, %get3A_381] {strides = array<i32>} : memref<256x128xbf16, #tpu.memory_space<vmem>>, vector<32xbf16>,
        %max3A_383 = arith.maximumf %max3A_347, %get3A_382 : vector<32xbf16>
        %add3A_384 = arith.constant 3 : i32
        %add3A_385 = arith.addi %add3A_331, %add3A_384 : i32
        %get3A_386 = arith.index_cast %add3A_385 : i32 to index
        %get3A_387 = arith.constant 0 : index
        %get3A_388 = tpu.vector_load %arg9[%get3A_386, %get3A_387] {strides = array<i32>} : memref<256x128xbf16, #tpu.memory_space<vmem>>, vector<32xbf16>,
        %max3A_389 = arith.maximumf %max3A_353, %get3A_388 : vector<32xbf16>
        %get3A_390 = arith.index_cast %add3A_385 : i32 to index
        %get3A_391 = arith.constant 32 : index
        %get3A_392 = tpu.vector_load %arg9[%get3A_390, %get3A_391] {strides = array<i32>} : memref<256x128xbf16, #tpu.memory_space<vmem>>, vector<32xbf16>,
        %max3A_393 = arith.maximumf %max3A_357, %get3A_392 : vector<32xbf16>
        %get3A_394 = arith.index_cast %add3A_385 : i32 to index
        %get3A_395 = arith.constant 64 : index
        %get3A_396 = tpu.vector_load %arg9[%get3A_394, %get3A_395] {strides = array<i32>} : memref<256x128xbf16, #tpu.memory_space<vmem>>, vector<32xbf16>,
        %max3A_397 = arith.maximumf %max3A_361, %get3A_396 : vector<32xbf16>
        %get3A_398 = arith.index_cast %add3A_385 : i32 to index
        %get3A_399 = arith.constant 96 : index
        %get3A_400 = tpu.vector_load %arg9[%get3A_398, %get3A_399] {strides = array<i32>} : memref<256x128xbf16, #tpu.memory_space<vmem>>, vector<32xbf16>,
        %max3A_401 = arith.maximumf %max3A_365, %get3A_400 : vector<32xbf16>
        scf.yield %max3A_371, %max3A_375, %max3A_379, %max3A_383, %max3A_389, %max3A_393, %max3A_397, %max3A_401 : vector<32xbf16>, vector<32xbf16>, vector<32xbf16>, vector<32xbf16>, vector<32xbf16>, vector<32xbf16>, vector<32xbf16>, vector<32xbf16>
      }
      %while3A_218 = arith.constant 1 : i32
      %while3A_219:8 = scf.for %while3A_320 = %while3A_215 to %while3A_211 step %while3A_218 iter_args(%while3A_321 = %while3A_217#0, %while3A_322 = %while3A_217#1, %while3A_323 = %while3A_217#2, %while3A_324 = %while3A_217#3, %while3A_325 = %while3A_217#4, %while3A_326 = %while3A_217#5, %while3A_327 = %while3A_217#6, %while3A_328 = %while3A_217#7) -> (vector<32xbf16>, vector<32xbf16>, vector<32xbf16>, vector<32xbf16>, vector<32xbf16>, vector<32xbf16>, vector<32xbf16>, vector<32xbf16>)  : i32 {
        %mul3A_329 = arith.constant 4 : i32
        %mul3A_330 = arith.muli %mul3A_329, %while3A_320 : i32
        %add3A_331 = arith.addi %sub3A_180, %mul3A_330 : i32
        %get3A_332 = arith.index_cast %add3A_331 : i32 to index
        %get3A_333 = arith.constant 0 : index
        %get3A_334 = tpu.vector_load %arg9[%get3A_332, %get3A_333] {strides = array<i32>} : memref<256x128xbf16, #tpu.memory_space<vmem>>, vector<32xbf16>,
        %max3A_335 = arith.maximumf %while3A_321, %get3A_334 : vector<32xbf16>
        %get3A_336 = arith.index_cast %add3A_331 : i32 to index
        %get3A_337 = arith.constant 32 : index
        %get3A_338 = tpu.vector_load %arg9[%get3A_336, %get3A_337] {strides = array<i32>} : memref<256x128xbf16, #tpu.memory_space<vmem>>, vector<32xbf16>,
        %max3A_339 = arith.maximumf %while3A_322, %get3A_338 : vector<32xbf16>
        %get3A_340 = arith.index_cast %add3A_331 : i32 to index
        %get3A_341 = arith.constant 64 : index
        %get3A_342 = tpu.vector_load %arg9[%get3A_340, %get3A_341] {strides = array<i32>} : memref<256x128xbf16, #tpu.memory_space<vmem>>, vector<32xbf16>,
        %max3A_343 = arith.maximumf %while3A_323, %get3A_342 : vector<32xbf16>
        %get3A_344 = arith.index_cast %add3A_331 : i32 to index
        %get3A_345 = arith.constant 96 : index
        %get3A_346 = tpu.vector_load %arg9[%get3A_344, %get3A_345] {strides = array<i32>} : memref<256x128xbf16, #tpu.memory_space<vmem>>, vector<32xbf16>,
        %max3A_347 = arith.maximumf %while3A_324, %get3A_346 : vector<32xbf16>
        %add3A_348 = arith.constant 1 : i32
        %add3A_349 = arith.addi %add3A_331, %add3A_348 : i32
        %get3A_350 = arith.index_cast %add3A_349 : i32 to index
        %get3A_351 = arith.constant 0 : index
        %get3A_352 = tpu.vector_load %arg9[%get3A_350, %get3A_351] {strides = array<i32>} : memref<256x128xbf16, #tpu.memory_space<vmem>>, vector<32xbf16>,
        %max3A_353 = arith.maximumf %while3A_325, %get3A_352 : vector<32xbf16>
        %get3A_354 = arith.index_cast %add3A_349 : i32 to index
        %get3A_355 = arith.constant 32 : index
        %get3A_356 = tpu.vector_load %arg9[%get3A_354, %get3A_355] {strides = array<i32>} : memref<256x128xbf16, #tpu.memory_space<vmem>>, vector<32xbf16>,
        %max3A_357 = arith.maximumf %while3A_326, %get3A_356 : vector<32xbf16>
        %get3A_358 = arith.index_cast %add3A_349 : i32 to index
        %get3A_359 = arith.constant 64 : index
        %get3A_360 = tpu.vector_load %arg9[%get3A_358, %get3A_359] {strides = array<i32>} : memref<256x128xbf16, #tpu.memory_space<vmem>>, vector<32xbf16>,
        %max3A_361 = arith.maximumf %while3A_327, %get3A_360 : vector<32xbf16>
        %get3A_362 = arith.index_cast %add3A_349 : i32 to index
        %get3A_363 = arith.constant 96 : index
        %get3A_364 = tpu.vector_load %arg9[%get3A_362, %get3A_363] {strides = array<i32>} : memref<256x128xbf16, #tpu.memory_space<vmem>>, vector<32xbf16>,
        %max3A_365 = arith.maximumf %while3A_328, %get3A_364 : vector<32xbf16>
        %add3A_366 = arith.constant 2 : i32
        %add3A_367 = arith.addi %add3A_331, %add3A_366 : i32
        %get3A_368 = arith.index_cast %add3A_367 : i32 to index
        %get3A_369 = arith.constant 0 : index
        %get3A_370 = tpu.vector_load %arg9[%get3A_368, %get3A_369] {strides = array<i32>} : memref<256x128xbf16, #tpu.memory_space<vmem>>, vector<32xbf16>,
        %max3A_371 = arith.maximumf %max3A_335, %get3A_370 : vector<32xbf16>
        %get3A_372 = arith.index_cast %add3A_367 : i32 to index
        %get3A_373 = arith.constant 32 : index
        %get3A_374 = tpu.vector_load %arg9[%get3A_372, %get3A_373] {strides = array<i32>} : memref<256x128xbf16, #tpu.memory_space<vmem>>, vector<32xbf16>,
        %max3A_375 = arith.maximumf %max3A_339, %get3A_374 : vector<32xbf16>
        %get3A_376 = arith.index_cast %add3A_367 : i32 to index
        %get3A_377 = arith.constant 64 : index
        %get3A_378 = tpu.vector_load %arg9[%get3A_376, %get3A_377] {strides = array<i32>} : memref<256x128xbf16, #tpu.memory_space<vmem>>, vector<32xbf16>,
        %max3A_379 = arith.maximumf %max3A_343, %get3A_378 : vector<32xbf16>
        %get3A_380 = arith.index_cast %add3A_367 : i32 to index
        %get3A_381 = arith.constant 96 : index
        %get3A_382 = tpu.vector_load %arg9[%get3A_380, %get3A_381] {strides = array<i32>} : memref<256x128xbf16, #tpu.memory_space<vmem>>, vector<32xbf16>,
        %max3A_383 = arith.maximumf %max3A_347, %get3A_382 : vector<32xbf16>
        %add3A_384 = arith.constant 3 : i32
        %add3A_385 = arith.addi %add3A_331, %add3A_384 : i32
        %get3A_386 = arith.index_cast %add3A_385 : i32 to index
        %get3A_387 = arith.constant 0 : index
        %get3A_388 = tpu.vector_load %arg9[%get3A_386, %get3A_387] {strides = array<i32>} : memref<256x128xbf16, #tpu.memory_space<vmem>>, vector<32xbf16>,
        %max3A_389 = arith.maximumf %max3A_353, %get3A_388 : vector<32xbf16>
        %get3A_390 = arith.index_cast %add3A_385 : i32 to index
        %get3A_391 = arith.constant 32 : index
        %get3A_392 = tpu.vector_load %arg9[%get3A_390, %get3A_391] {strides = array<i32>} : memref<256x128xbf16, #tpu.memory_space<vmem>>, vector<32xbf16>,
        %max3A_393 = arith.maximumf %max3A_357, %get3A_392 : vector<32xbf16>
        %get3A_394 = arith.index_cast %add3A_385 : i32 to index
        %get3A_395 = arith.constant 64 : index
        %get3A_396 = tpu.vector_load %arg9[%get3A_394, %get3A_395] {strides = array<i32>} : memref<256x128xbf16, #tpu.memory_space<vmem>>, vector<32xbf16>,
        %max3A_397 = arith.maximumf %max3A_361, %get3A_396 : vector<32xbf16>
        %get3A_398 = arith.index_cast %add3A_385 : i32 to index
        %get3A_399 = arith.constant 96 : index
        %get3A_400 = tpu.vector_load %arg9[%get3A_398, %get3A_399] {strides = array<i32>} : memref<256x128xbf16, #tpu.memory_space<vmem>>, vector<32xbf16>,
        %max3A_401 = arith.maximumf %max3A_365, %get3A_400 : vector<32xbf16>
        scf.yield %max3A_371, %max3A_375, %max3A_379, %max3A_383, %max3A_389, %max3A_393, %max3A_397, %max3A_401 : vector<32xbf16>, vector<32xbf16>, vector<32xbf16>, vector<32xbf16>, vector<32xbf16>, vector<32xbf16>, vector<32xbf16>, vector<32xbf16>
      }
      %mul3A_220 = arith.constant 4 : i32
      %mul3A_221 = arith.muli %mul3A_220, %select_n3A_208 : i32
      %add3A_222 = arith.addi %sub3A_180, %mul3A_221 : i32
      %while3A_223 = arith.subi %sub3A_181, %add3A_222 : i32
      %while3A_224 = arith.addi %add3A_222, %while3A_223 : i32
      %while3A_225 = arith.constant 1 : i32
      %while3A_226 = arith.divsi %while3A_223, %while3A_225 : i32
      %while3A_227 = arith.muli %while3A_226, %while3A_225 : i32
      %while3A_228 = arith.addi %add3A_222, %while3A_227 : i32
      %while3A_229 = arith.constant 1 : i32
      %while3A_230:8 = scf.for %while3A_320 = %add3A_222 to %while3A_228 step %while3A_229 iter_args(%while3A_321 = %while3A_219#0, %while3A_322 = %while3A_219#1, %while3A_323 = %while3A_219#2, %while3A_324 = %while3A_219#3, %while3A_325 = %while3A_219#4, %while3A_326 = %while3A_219#5, %while3A_327 = %while3A_219#6, %while3A_328 = %while3A_219#7) -> (vector<32xbf16>, vector<32xbf16>, vector<32xbf16>, vector<32xbf16>, vector<32xbf16>, vector<32xbf16>, vector<32xbf16>, vector<32xbf16>)  : i32 {
        %get3A_329 = arith.index_cast %while3A_320 : i32 to index
        %get3A_330 = arith.constant 0 : index
        %get3A_331 = tpu.vector_load %arg9[%get3A_329, %get3A_330] {strides = array<i32>} : memref<256x128xbf16, #tpu.memory_space<vmem>>, vector<32xbf16>,
        %max3A_332 = arith.maximumf %while3A_321, %get3A_331 : vector<32xbf16>
        %get3A_333 = arith.index_cast %while3A_320 : i32 to index
        %get3A_334 = arith.constant 32 : index
        %get3A_335 = tpu.vector_load %arg9[%get3A_333, %get3A_334] {strides = array<i32>} : memref<256x128xbf16, #tpu.memory_space<vmem>>, vector<32xbf16>,
        %max3A_336 = arith.maximumf %while3A_322, %get3A_335 : vector<32xbf16>
        %get3A_337 = arith.index_cast %while3A_320 : i32 to index
        %get3A_338 = arith.constant 64 : index
        %get3A_339 = tpu.vector_load %arg9[%get3A_337, %get3A_338] {strides = array<i32>} : memref<256x128xbf16, #tpu.memory_space<vmem>>, vector<32xbf16>,
        %max3A_340 = arith.maximumf %while3A_323, %get3A_339 : vector<32xbf16>
        %get3A_341 = arith.index_cast %while3A_320 : i32 to index
        %get3A_342 = arith.constant 96 : index
        %get3A_343 = tpu.vector_load %arg9[%get3A_341, %get3A_342] {strides = array<i32>} : memref<256x128xbf16, #tpu.memory_space<vmem>>, vector<32xbf16>,
        %max3A_344 = arith.maximumf %while3A_324, %get3A_343 : vector<32xbf16>
        scf.yield %while3A_325, %while3A_326, %while3A_327, %while3A_328, %max3A_332, %max3A_336, %max3A_340, %max3A_344 : vector<32xbf16>, vector<32xbf16>, vector<32xbf16>, vector<32xbf16>, vector<32xbf16>, vector<32xbf16>, vector<32xbf16>, vector<32xbf16>
      }
      %while3A_231 = arith.constant 1 : i32
      %while3A_232:8 = scf.for %while3A_320 = %while3A_228 to %while3A_224 step %while3A_231 iter_args(%while3A_321 = %while3A_230#0, %while3A_322 = %while3A_230#1, %while3A_323 = %while3A_230#2, %while3A_324 = %while3A_230#3, %while3A_325 = %while3A_230#4, %while3A_326 = %while3A_230#5, %while3A_327 = %while3A_230#6, %while3A_328 = %while3A_230#7) -> (vector<32xbf16>, vector<32xbf16>, vector<32xbf16>, vector<32xbf16>, vector<32xbf16>, vector<32xbf16>, vector<32xbf16>, vector<32xbf16>)  : i32 {
        %get3A_329 = arith.index_cast %while3A_320 : i32 to index
        %get3A_330 = arith.constant 0 : index
        %get3A_331 = tpu.vector_load %arg9[%get3A_329, %get3A_330] {strides = array<i32>} : memref<256x128xbf16, #tpu.memory_space<vmem>>, vector<32xbf16>,
        %max3A_332 = arith.maximumf %while3A_321, %get3A_331 : vector<32xbf16>
        %get3A_333 = arith.index_cast %while3A_320 : i32 to index
        %get3A_334 = arith.constant 32 : index
        %get3A_335 = tpu.vector_load %arg9[%get3A_333, %get3A_334] {strides = array<i32>} : memref<256x128xbf16, #tpu.memory_space<vmem>>, vector<32xbf16>,
        %max3A_336 = arith.maximumf %while3A_322, %get3A_335 : vector<32xbf16>
        %get3A_337 = arith.index_cast %while3A_320 : i32 to index
        %get3A_338 = arith.constant 64 : index
        %get3A_339 = tpu.vector_load %arg9[%get3A_337, %get3A_338] {strides = array<i32>} : memref<256x128xbf16, #tpu.memory_space<vmem>>, vector<32xbf16>,
        %max3A_340 = arith.maximumf %while3A_323, %get3A_339 : vector<32xbf16>
        %get3A_341 = arith.index_cast %while3A_320 : i32 to index
        %get3A_342 = arith.constant 96 : index
        %get3A_343 = tpu.vector_load %arg9[%get3A_341, %get3A_342] {strides = array<i32>} : memref<256x128xbf16, #tpu.memory_space<vmem>>, vector<32xbf16>,
        %max3A_344 = arith.maximumf %while3A_324, %get3A_343 : vector<32xbf16>
        scf.yield %while3A_325, %while3A_326, %while3A_327, %while3A_328, %max3A_332, %max3A_336, %max3A_340, %max3A_344 : vector<32xbf16>, vector<32xbf16>, vector<32xbf16>, vector<32xbf16>, vector<32xbf16>, vector<32xbf16>, vector<32xbf16>, vector<32xbf16>
      }
      %mul3A_233 = arith.constant 2 : i32
      %mul3A_234 = arith.muli %mul3A_233, %while3A_137 : i32
      %add3A_235 = arith.constant 1 : i32
      %add3A_236 = arith.addi %mul3A_234, %add3A_235 : i32
      %dma_wait3A_237 = arith.constant 0 : i32
      %dma_wait3A_238 = tpu.memref_slice %arg3[%dma_wait3A_237] : memref<321024xi32, #tpu.memory_space<hbm>> -> memref<256xi32, #tpu.memory_space<hbm>>
      %dma_wait3A_239 = arith.constant 0 : i32
      %dma_wait3A_240 = tpu.memref_slice %arg3[%dma_wait3A_239] : memref<321024xi32, #tpu.memory_space<hbm>> -> memref<256xi32, #tpu.memory_space<hbm>>
      tpu.wait_dma2 semaphore(%arg13 : memref<!tpu.dma_semaphore, #tpu.memory_space<semaphore_mem>>) src(%dma_wait3A_240 : memref<256xi32, #tpu.memory_space<hbm>>) dst(%arg7 : memref<256xi32, #tpu.memory_space<vmem>>)
      %dma_start3A_241 = arith.constant 0 : i32
      %dma_start3A_242 = arith.constant 0 : i32
      %dma_start3A_243 = tpu.memref_slice %arg12[%dma_start3A_241, %dma_start3A_242] : memref<10112x128xbf16, #tpu.memory_space<vmem_shared>> -> memref<10112x128xbf16, #tpu.memory_space<vmem_shared>>
      tpu.enqueue_indirect_dma source(%dma_start3A_243 : memref<10112x128xbf16, #tpu.memory_space<vmem_shared>>) target(%arg9 : memref<256x128xbf16, #tpu.memory_space<vmem>>) offsets(%arg7 : memref<256xi32, #tpu.memory_space<vmem>>) semaphore(%arg15 : memref<!tpu.dma_semaphore, #tpu.memory_space<semaphore_mem>>)
      %dma_wait3A_244 = arith.constant 0 : i32
      %dma_wait3A_245 = arith.constant 0 : i32
      %dma_wait3A_246 = tpu.memref_slice %arg12[%dma_wait3A_244, %dma_wait3A_245] : memref<10112x128xbf16, #tpu.memory_space<vmem_shared>> -> memref<10112x128xbf16, #tpu.memory_space<vmem_shared>>
      tpu.wait_indirect_dma semaphore(%arg16 : memref<!tpu.dma_semaphore, #tpu.memory_space<semaphore_mem>>) src(%dma_wait3A_246 : memref<10112x128xbf16, #tpu.memory_space<vmem_shared>>) dst(%arg10 : memref<256x128xbf16, #tpu.memory_space<vmem>>)
      %add3A_247 = arith.constant 2 : i32
      %add3A_248 = arith.addi %add3A_236, %add3A_247 : i32
      %mul3A_249 = arith.constant 256 : i32
      %mul3A_250 = arith.muli %add3A_248, %mul3A_249 : i32
      %add3A_251 = arith.addi %and3A_14, %mul3A_250 : i32
      %multiple_of3A_252 = tpu.assume_multiple %add3A_251, 8 : i32
      %dma_start3A_253 = tpu.memref_slice %arg3[%multiple_of3A_252] : memref<321024xi32, #tpu.memory_space<hbm>> -> memref<256xi32, #tpu.memory_space<hbm>>
      %dma_start3A_254 = tpu.memref_slice %arg3[%multiple_of3A_252] : memref<321024xi32, #tpu.memory_space<hbm>> -> memref<256xi32, #tpu.memory_space<hbm>>
      tpu.enqueue_dma source(%dma_start3A_254 : memref<256xi32, #tpu.memory_space<hbm>>) target(%arg8 : memref<256xi32, #tpu.memory_space<vmem>>) target_semaphore(%arg14 : memref<!tpu.dma_semaphore, #tpu.memory_space<semaphore_mem>>)
      %mul3A_255 = arith.constant 256 : i32
      %mul3A_256 = arith.muli %add3A_236, %mul3A_255 : i32
      %add3A_257 = arith.addi %and3A_14, %mul3A_256 : i32
      %sub3A_258 = arith.subi %squeeze3A, %add3A_257 : i32
      %max3A_259 = arith.constant 0 : i32
      %max3A_260 = arith.maxsi %max3A_259, %sub3A_258 : i32
      %sub3A_261 = arith.subi %squeeze3A_13, %add3A_257 : i32
      %min3A_262 = arith.constant 256 : i32
      %min3A_263 = arith.minsi %min3A_262, %sub3A_261 : i32
      %add3A_264 = arith.addi %add3A_257, %min3A_263 : i32
      %add3A_265 = arith.addi %add3A_257, %max3A_260 : i32
      %while3A_266:11 = scf.while (%while3A_320 = %add3A_265, %while3A_321 = %while3A_179#1, %while3A_322 = %while3A_179#2, %while3A_323 = %while3A_232#0, %while3A_324 = %while3A_232#1, %while3A_325 = %while3A_232#2, %while3A_326 = %while3A_232#3, %while3A_327 = %while3A_232#4, %while3A_328 = %while3A_232#5, %while3A_329 = %while3A_232#6, %while3A_330 = %while3A_232#7) : (i32, i32, i32, vector<32xbf16>, vector<32xbf16>, vector<32xbf16>, vector<32xbf16>, vector<32xbf16>, vector<32xbf16>, vector<32xbf16>, vector<32xbf16>) -> (i32, i32, i32, vector<32xbf16>, vector<32xbf16>, vector<32xbf16>, vector<32xbf16>, vector<32xbf16>, vector<32xbf16>, vector<32xbf16>, vector<32xbf16>) {
        %lt3A = arith.cmpi slt, %while3A_322, %add3A_264 : i32
        scf.condition(%lt3A) %while3A_320, %while3A_321, %while3A_322, %while3A_323, %while3A_324, %while3A_325, %while3A_326, %while3A_327, %while3A_328, %while3A_329, %while3A_330 : i32, i32, i32, vector<32xbf16>, vector<32xbf16>, vector<32xbf16>, vector<32xbf16>, vector<32xbf16>, vector<32xbf16>, vector<32xbf16>, vector<32xbf16>
      } do {
      ^bb0(%while3A_320: i32, %while3A_321: i32, %while3A_322: i32, %while3A_323: vector<32xbf16>, %while3A_324: vector<32xbf16>, %while3A_325: vector<32xbf16>, %while3A_326: vector<32xbf16>, %while3A_327: vector<32xbf16>, %while3A_328: vector<32xbf16>, %while3A_329: vector<32xbf16>, %while3A_330: vector<32xbf16>):
        %sub3A_331 = arith.subi %while3A_320, %add3A_257 : i32
        %sub3A_332 = arith.subi %while3A_322, %add3A_257 : i32
        %sub3A_333 = arith.subi %sub3A_332, %sub3A_331 : i32
        %max3A_334 = arith.constant 0 : i32
        %max3A_335 = arith.maxsi %sub3A_333, %max3A_334 : i32
        %jit3A_336 = arith.constant 4 : i32
        %div3A_337 = arith.divsi %max3A_335, %jit3A_336 : i32
        %sign3A_338 = arith.constant 0 : i32
        %sign3A_339 = arith.cmpi sgt, %max3A_335, %sign3A_338 : i32
        %sign3A_340 = arith.extui %sign3A_339 : i1 to i32
        %sign3A_341 = arith.constant 0 : i32
        %sign3A_342 = arith.cmpi slt, %max3A_335, %sign3A_341 : i32
        %sign3A_343 = arith.extui %sign3A_342 : i1 to i32
        %sign3A_344 = arith.subi %sign3A_340, %sign3A_343 : i32
        %sign3A_345 = arith.constant 0 : i32
        %sign3A_346 = arith.cmpi sgt, %jit3A_336, %sign3A_345 : i32
        %sign3A_347 = arith.extui %sign3A_346 : i1 to i32
        %sign3A_348 = arith.constant 0 : i32
        %sign3A_349 = arith.cmpi slt, %jit3A_336, %sign3A_348 : i32
        %sign3A_350 = arith.extui %sign3A_349 : i1 to i32
        %sign3A_351 = arith.subi %sign3A_347, %sign3A_350 : i32
        %ne3A_352 = arith.cmpi ne, %sign3A_344, %sign3A_351 : i32
        %rem3A_353 = arith.remsi %max3A_335, %jit3A_336 : i32
        %ne3A_354 = arith.constant 0 : i32
        %ne3A_355 = arith.cmpi ne, %rem3A_353, %ne3A_354 : i32
        %and3A_356 = arith.andi %ne3A_352, %ne3A_355 : i1
        %sub3A_357 = arith.constant 1 : i32
        %sub3A_358 = arith.subi %div3A_337, %sub3A_357 : i32
        %select_n3A_359 = arith.select %and3A_356, %sub3A_358, %div3A_337 : i32
        %while3A_360 = arith.constant 0 : i32
        %while3A_361 = arith.subi %select_n3A_359, %while3A_360 : i32
        %while3A_362 = arith.addi %while3A_360, %while3A_361 : i32
        %while3A_363 = arith.constant 1 : i32
        %while3A_364 = arith.divsi %while3A_361, %while3A_363 : i32
        %while3A_365 = arith.muli %while3A_364, %while3A_363 : i32
        %while3A_366 = arith.addi %while3A_360, %while3A_365 : i32
        %while3A_367 = arith.constant 1 : i32
        %while3A_368:8 = scf.for %while3A_408 = %while3A_360 to %while3A_366 step %while3A_367 iter_args(%while3A_409 = %while3A_323, %while3A_410 = %while3A_324, %while3A_411 = %while3A_325, %while3A_412 = %while3A_326, %while3A_413 = %while3A_327, %while3A_414 = %while3A_328, %while3A_415 = %while3A_329, %while3A_416 = %while3A_330) -> (vector<32xbf16>, vector<32xbf16>, vector<32xbf16>, vector<32xbf16>, vector<32xbf16>, vector<32xbf16>, vector<32xbf16>, vector<32xbf16>)  : i32 {
          %mul3A_417 = arith.constant 4 : i32
          %mul3A_418 = arith.muli %mul3A_417, %while3A_408 : i32
          %add3A_419 = arith.addi %sub3A_331, %mul3A_418 : i32
          %get3A_420 = arith.index_cast %add3A_419 : i32 to index
          %get3A_421 = arith.constant 0 : index
          %get3A_422 = tpu.vector_load %arg10[%get3A_420, %get3A_421] {strides = array<i32>} : memref<256x128xbf16, #tpu.memory_space<vmem>>, vector<32xbf16>,
          %max3A_423 = arith.maximumf %while3A_409, %get3A_422 : vector<32xbf16>
          %get3A_424 = arith.index_cast %add3A_419 : i32 to index
          %get3A_425 = arith.constant 32 : index
          %get3A_426 = tpu.vector_load %arg10[%get3A_424, %get3A_425] {strides = array<i32>} : memref<256x128xbf16, #tpu.memory_space<vmem>>, vector<32xbf16>,
          %max3A_427 = arith.maximumf %while3A_410, %get3A_426 : vector<32xbf16>
          %get3A_428 = arith.index_cast %add3A_419 : i32 to index
          %get3A_429 = arith.constant 64 : index
          %get3A_430 = tpu.vector_load %arg10[%get3A_428, %get3A_429] {strides = array<i32>} : memref<256x128xbf16, #tpu.memory_space<vmem>>, vector<32xbf16>,
          %max3A_431 = arith.maximumf %while3A_411, %get3A_430 : vector<32xbf16>
          %get3A_432 = arith.index_cast %add3A_419 : i32 to index
          %get3A_433 = arith.constant 96 : index
          %get3A_434 = tpu.vector_load %arg10[%get3A_432, %get3A_433] {strides = array<i32>} : memref<256x128xbf16, #tpu.memory_space<vmem>>, vector<32xbf16>,
          %max3A_435 = arith.maximumf %while3A_412, %get3A_434 : vector<32xbf16>
          %add3A_436 = arith.constant 1 : i32
          %add3A_437 = arith.addi %add3A_419, %add3A_436 : i32
          %get3A_438 = arith.index_cast %add3A_437 : i32 to index
          %get3A_439 = arith.constant 0 : index
          %get3A_440 = tpu.vector_load %arg10[%get3A_438, %get3A_439] {strides = array<i32>} : memref<256x128xbf16, #tpu.memory_space<vmem>>, vector<32xbf16>,
          %max3A_441 = arith.maximumf %while3A_413, %get3A_440 : vector<32xbf16>
          %get3A_442 = arith.index_cast %add3A_437 : i32 to index
          %get3A_443 = arith.constant 32 : index
          %get3A_444 = tpu.vector_load %arg10[%get3A_442, %get3A_443] {strides = array<i32>} : memref<256x128xbf16, #tpu.memory_space<vmem>>, vector<32xbf16>,
          %max3A_445 = arith.maximumf %while3A_414, %get3A_444 : vector<32xbf16>
          %get3A_446 = arith.index_cast %add3A_437 : i32 to index
          %get3A_447 = arith.constant 64 : index
          %get3A_448 = tpu.vector_load %arg10[%get3A_446, %get3A_447] {strides = array<i32>} : memref<256x128xbf16, #tpu.memory_space<vmem>>, vector<32xbf16>,
          %max3A_449 = arith.maximumf %while3A_415, %get3A_448 : vector<32xbf16>
          %get3A_450 = arith.index_cast %add3A_437 : i32 to index
          %get3A_451 = arith.constant 96 : index
          %get3A_452 = tpu.vector_load %arg10[%get3A_450, %get3A_451] {strides = array<i32>} : memref<256x128xbf16, #tpu.memory_space<vmem>>, vector<32xbf16>,
          %max3A_453 = arith.maximumf %while3A_416, %get3A_452 : vector<32xbf16>
          %add3A_454 = arith.constant 2 : i32
          %add3A_455 = arith.addi %add3A_419, %add3A_454 : i32
          %get3A_456 = arith.index_cast %add3A_455 : i32 to index
          %get3A_457 = arith.constant 0 : index
          %get3A_458 = tpu.vector_load %arg10[%get3A_456, %get3A_457] {strides = array<i32>} : memref<256x128xbf16, #tpu.memory_space<vmem>>, vector<32xbf16>,
          %max3A_459 = arith.maximumf %max3A_423, %get3A_458 : vector<32xbf16>
          %get3A_460 = arith.index_cast %add3A_455 : i32 to index
          %get3A_461 = arith.constant 32 : index
          %get3A_462 = tpu.vector_load %arg10[%get3A_460, %get3A_461] {strides = array<i32>} : memref<256x128xbf16, #tpu.memory_space<vmem>>, vector<32xbf16>,
          %max3A_463 = arith.maximumf %max3A_427, %get3A_462 : vector<32xbf16>
          %get3A_464 = arith.index_cast %add3A_455 : i32 to index
          %get3A_465 = arith.constant 64 : index
          %get3A_466 = tpu.vector_load %arg10[%get3A_464, %get3A_465] {strides = array<i32>} : memref<256x128xbf16, #tpu.memory_space<vmem>>, vector<32xbf16>,
          %max3A_467 = arith.maximumf %max3A_431, %get3A_466 : vector<32xbf16>
          %get3A_468 = arith.index_cast %add3A_455 : i32 to index
          %get3A_469 = arith.constant 96 : index
          %get3A_470 = tpu.vector_load %arg10[%get3A_468, %get3A_469] {strides = array<i32>} : memref<256x128xbf16, #tpu.memory_space<vmem>>, vector<32xbf16>,
          %max3A_471 = arith.maximumf %max3A_435, %get3A_470 : vector<32xbf16>
          %add3A_472 = arith.constant 3 : i32
          %add3A_473 = arith.addi %add3A_419, %add3A_472 : i32
          %get3A_474 = arith.index_cast %add3A_473 : i32 to index
          %get3A_475 = arith.constant 0 : index
          %get3A_476 = tpu.vector_load %arg10[%get3A_474, %get3A_475] {strides = array<i32>} : memref<256x128xbf16, #tpu.memory_space<vmem>>, vector<32xbf16>,
          %max3A_477 = arith.maximumf %max3A_441, %get3A_476 : vector<32xbf16>
          %get3A_478 = arith.index_cast %add3A_473 : i32 to index
          %get3A_479 = arith.constant 32 : index
          %get3A_480 = tpu.vector_load %arg10[%get3A_478, %get3A_479] {strides = array<i32>} : memref<256x128xbf16, #tpu.memory_space<vmem>>, vector<32xbf16>,
          %max3A_481 = arith.maximumf %max3A_445, %get3A_480 : vector<32xbf16>
          %get3A_482 = arith.index_cast %add3A_473 : i32 to index
          %get3A_483 = arith.constant 64 : index
          %get3A_484 = tpu.vector_load %arg10[%get3A_482, %get3A_483] {strides = array<i32>} : memref<256x128xbf16, #tpu.memory_space<vmem>>, vector<32xbf16>,
          %max3A_485 = arith.maximumf %max3A_449, %get3A_484 : vector<32xbf16>
          %get3A_486 = arith.index_cast %add3A_473 : i32 to index
          %get3A_487 = arith.constant 96 : index
          %get3A_488 = tpu.vector_load %arg10[%get3A_486, %get3A_487] {strides = array<i32>} : memref<256x128xbf16, #tpu.memory_space<vmem>>, vector<32xbf16>,
          %max3A_489 = arith.maximumf %max3A_453, %get3A_488 : vector<32xbf16>
          scf.yield %max3A_459, %max3A_463, %max3A_467, %max3A_471, %max3A_477, %max3A_481, %max3A_485, %max3A_489 : vector<32xbf16>, vector<32xbf16>, vector<32xbf16>, vector<32xbf16>, vector<32xbf16>, vector<32xbf16>, vector<32xbf16>, vector<32xbf16>
        }
        %while3A_369 = arith.constant 1 : i32
        %while3A_370:8 = scf.for %while3A_408 = %while3A_366 to %while3A_362 step %while3A_369 iter_args(%while3A_409 = %while3A_368#0, %while3A_410 = %while3A_368#1, %while3A_411 = %while3A_368#2, %while3A_412 = %while3A_368#3, %while3A_413 = %while3A_368#4, %while3A_414 = %while3A_368#5, %while3A_415 = %while3A_368#6, %while3A_416 = %while3A_368#7) -> (vector<32xbf16>, vector<32xbf16>, vector<32xbf16>, vector<32xbf16>, vector<32xbf16>, vector<32xbf16>, vector<32xbf16>, vector<32xbf16>)  : i32 {
          %mul3A_417 = arith.constant 4 : i32
          %mul3A_418 = arith.muli %mul3A_417, %while3A_408 : i32
          %add3A_419 = arith.addi %sub3A_331, %mul3A_418 : i32
          %get3A_420 = arith.index_cast %add3A_419 : i32 to index
          %get3A_421 = arith.constant 0 : index
          %get3A_422 = tpu.vector_load %arg10[%get3A_420, %get3A_421] {strides = array<i32>} : memref<256x128xbf16, #tpu.memory_space<vmem>>, vector<32xbf16>,
          %max3A_423 = arith.maximumf %while3A_409, %get3A_422 : vector<32xbf16>
          %get3A_424 = arith.index_cast %add3A_419 : i32 to index
          %get3A_425 = arith.constant 32 : index
          %get3A_426 = tpu.vector_load %arg10[%get3A_424, %get3A_425] {strides = array<i32>} : memref<256x128xbf16, #tpu.memory_space<vmem>>, vector<32xbf16>,
          %max3A_427 = arith.maximumf %while3A_410, %get3A_426 : vector<32xbf16>
          %get3A_428 = arith.index_cast %add3A_419 : i32 to index
          %get3A_429 = arith.constant 64 : index
          %get3A_430 = tpu.vector_load %arg10[%get3A_428, %get3A_429] {strides = array<i32>} : memref<256x128xbf16, #tpu.memory_space<vmem>>, vector<32xbf16>,
          %max3A_431 = arith.maximumf %while3A_411, %get3A_430 : vector<32xbf16>
          %get3A_432 = arith.index_cast %add3A_419 : i32 to index
          %get3A_433 = arith.constant 96 : index
          %get3A_434 = tpu.vector_load %arg10[%get3A_432, %get3A_433] {strides = array<i32>} : memref<256x128xbf16, #tpu.memory_space<vmem>>, vector<32xbf16>,
          %max3A_435 = arith.maximumf %while3A_412, %get3A_434 : vector<32xbf16>
          %add3A_436 = arith.constant 1 : i32
          %add3A_437 = arith.addi %add3A_419, %add3A_436 : i32
          %get3A_438 = arith.index_cast %add3A_437 : i32 to index
          %get3A_439 = arith.constant 0 : index
          %get3A_440 = tpu.vector_load %arg10[%get3A_438, %get3A_439] {strides = array<i32>} : memref<256x128xbf16, #tpu.memory_space<vmem>>, vector<32xbf16>,
          %max3A_441 = arith.maximumf %while3A_413, %get3A_440 : vector<32xbf16>
          %get3A_442 = arith.index_cast %add3A_437 : i32 to index
          %get3A_443 = arith.constant 32 : index
          %get3A_444 = tpu.vector_load %arg10[%get3A_442, %get3A_443] {strides = array<i32>} : memref<256x128xbf16, #tpu.memory_space<vmem>>, vector<32xbf16>,
          %max3A_445 = arith.maximumf %while3A_414, %get3A_444 : vector<32xbf16>
          %get3A_446 = arith.index_cast %add3A_437 : i32 to index
          %get3A_447 = arith.constant 64 : index
          %get3A_448 = tpu.vector_load %arg10[%get3A_446, %get3A_447] {strides = array<i32>} : memref<256x128xbf16, #tpu.memory_space<vmem>>, vector<32xbf16>,
          %max3A_449 = arith.maximumf %while3A_415, %get3A_448 : vector<32xbf16>
          %get3A_450 = arith.index_cast %add3A_437 : i32 to index
          %get3A_451 = arith.constant 96 : index
          %get3A_452 = tpu.vector_load %arg10[%get3A_450, %get3A_451] {strides = array<i32>} : memref<256x128xbf16, #tpu.memory_space<vmem>>, vector<32xbf16>,
          %max3A_453 = arith.maximumf %while3A_416, %get3A_452 : vector<32xbf16>
          %add3A_454 = arith.constant 2 : i32
          %add3A_455 = arith.addi %add3A_419, %add3A_454 : i32
          %get3A_456 = arith.index_cast %add3A_455 : i32 to index
          %get3A_457 = arith.constant 0 : index
          %get3A_458 = tpu.vector_load %arg10[%get3A_456, %get3A_457] {strides = array<i32>} : memref<256x128xbf16, #tpu.memory_space<vmem>>, vector<32xbf16>,
          %max3A_459 = arith.maximumf %max3A_423, %get3A_458 : vector<32xbf16>
          %get3A_460 = arith.index_cast %add3A_455 : i32 to index
          %get3A_461 = arith.constant 32 : index
          %get3A_462 = tpu.vector_load %arg10[%get3A_460, %get3A_461] {strides = array<i32>} : memref<256x128xbf16, #tpu.memory_space<vmem>>, vector<32xbf16>,
          %max3A_463 = arith.maximumf %max3A_427, %get3A_462 : vector<32xbf16>
          %get3A_464 = arith.index_cast %add3A_455 : i32 to index
          %get3A_465 = arith.constant 64 : index
          %get3A_466 = tpu.vector_load %arg10[%get3A_464, %get3A_465] {strides = array<i32>} : memref<256x128xbf16, #tpu.memory_space<vmem>>, vector<32xbf16>,
          %max3A_467 = arith.maximumf %max3A_431, %get3A_466 : vector<32xbf16>
          %get3A_468 = arith.index_cast %add3A_455 : i32 to index
          %get3A_469 = arith.constant 96 : index
          %get3A_470 = tpu.vector_load %arg10[%get3A_468, %get3A_469] {strides = array<i32>} : memref<256x128xbf16, #tpu.memory_space<vmem>>, vector<32xbf16>,
          %max3A_471 = arith.maximumf %max3A_435, %get3A_470 : vector<32xbf16>
          %add3A_472 = arith.constant 3 : i32
          %add3A_473 = arith.addi %add3A_419, %add3A_472 : i32
          %get3A_474 = arith.index_cast %add3A_473 : i32 to index
          %get3A_475 = arith.constant 0 : index
          %get3A_476 = tpu.vector_load %arg10[%get3A_474, %get3A_475] {strides = array<i32>} : memref<256x128xbf16, #tpu.memory_space<vmem>>, vector<32xbf16>,
          %max3A_477 = arith.maximumf %max3A_441, %get3A_476 : vector<32xbf16>
          %get3A_478 = arith.index_cast %add3A_473 : i32 to index
          %get3A_479 = arith.constant 32 : index
          %get3A_480 = tpu.vector_load %arg10[%get3A_478, %get3A_479] {strides = array<i32>} : memref<256x128xbf16, #tpu.memory_space<vmem>>, vector<32xbf16>,
          %max3A_481 = arith.maximumf %max3A_445, %get3A_480 : vector<32xbf16>
          %get3A_482 = arith.index_cast %add3A_473 : i32 to index
          %get3A_483 = arith.constant 64 : index
          %get3A_484 = tpu.vector_load %arg10[%get3A_482, %get3A_483] {strides = array<i32>} : memref<256x128xbf16, #tpu.memory_space<vmem>>, vector<32xbf16>,
          %max3A_485 = arith.maximumf %max3A_449, %get3A_484 : vector<32xbf16>
          %get3A_486 = arith.index_cast %add3A_473 : i32 to index
          %get3A_487 = arith.constant 96 : index
          %get3A_488 = tpu.vector_load %arg10[%get3A_486, %get3A_487] {strides = array<i32>} : memref<256x128xbf16, #tpu.memory_space<vmem>>, vector<32xbf16>,
          %max3A_489 = arith.maximumf %max3A_453, %get3A_488 : vector<32xbf16>
          scf.yield %max3A_459, %max3A_463, %max3A_467, %max3A_471, %max3A_477, %max3A_481, %max3A_485, %max3A_489 : vector<32xbf16>, vector<32xbf16>, vector<32xbf16>, vector<32xbf16>, vector<32xbf16>, vector<32xbf16>, vector<32xbf16>, vector<32xbf16>
        }
        %mul3A_371 = arith.constant 4 : i32
        %mul3A_372 = arith.muli %mul3A_371, %select_n3A_359 : i32
        %add3A_373 = arith.addi %sub3A_331, %mul3A_372 : i32
        %while3A_374 = arith.subi %sub3A_332, %add3A_373 : i32
        %while3A_375 = arith.addi %add3A_373, %while3A_374 : i32
        %while3A_376 = arith.constant 1 : i32
        %while3A_377 = arith.divsi %while3A_374, %while3A_376 : i32
        %while3A_378 = arith.muli %while3A_377, %while3A_376 : i32
        %while3A_379 = arith.addi %add3A_373, %while3A_378 : i32
        %while3A_380 = arith.constant 1 : i32
        %while3A_381:8 = scf.for %while3A_408 = %add3A_373 to %while3A_379 step %while3A_380 iter_args(%while3A_409 = %while3A_370#0, %while3A_410 = %while3A_370#1, %while3A_411 = %while3A_370#2, %while3A_412 = %while3A_370#3, %while3A_413 = %while3A_370#4, %while3A_414 = %while3A_370#5, %while3A_415 = %while3A_370#6, %while3A_416 = %while3A_370#7) -> (vector<32xbf16>, vector<32xbf16>, vector<32xbf16>, vector<32xbf16>, vector<32xbf16>, vector<32xbf16>, vector<32xbf16>, vector<32xbf16>)  : i32 {
          %get3A_417 = arith.index_cast %while3A_408 : i32 to index
          %get3A_418 = arith.constant 0 : index
          %get3A_419 = tpu.vector_load %arg10[%get3A_417, %get3A_418] {strides = array<i32>} : memref<256x128xbf16, #tpu.memory_space<vmem>>, vector<32xbf16>,
          %max3A_420 = arith.maximumf %while3A_409, %get3A_419 : vector<32xbf16>
          %get3A_421 = arith.index_cast %while3A_408 : i32 to index
          %get3A_422 = arith.constant 32 : index
          %get3A_423 = tpu.vector_load %arg10[%get3A_421, %get3A_422] {strides = array<i32>} : memref<256x128xbf16, #tpu.memory_space<vmem>>, vector<32xbf16>,
          %max3A_424 = arith.maximumf %while3A_410, %get3A_423 : vector<32xbf16>
          %get3A_425 = arith.index_cast %while3A_408 : i32 to index
          %get3A_426 = arith.constant 64 : index
          %get3A_427 = tpu.vector_load %arg10[%get3A_425, %get3A_426] {strides = array<i32>} : memref<256x128xbf16, #tpu.memory_space<vmem>>, vector<32xbf16>,
          %max3A_428 = arith.maximumf %while3A_411, %get3A_427 : vector<32xbf16>
          %get3A_429 = arith.index_cast %while3A_408 : i32 to index
          %get3A_430 = arith.constant 96 : index
          %get3A_431 = tpu.vector_load %arg10[%get3A_429, %get3A_430] {strides = array<i32>} : memref<256x128xbf16, #tpu.memory_space<vmem>>, vector<32xbf16>,
          %max3A_432 = arith.maximumf %while3A_412, %get3A_431 : vector<32xbf16>
          scf.yield %while3A_413, %while3A_414, %while3A_415, %while3A_416, %max3A_420, %max3A_424, %max3A_428, %max3A_432 : vector<32xbf16>, vector<32xbf16>, vector<32xbf16>, vector<32xbf16>, vector<32xbf16>, vector<32xbf16>, vector<32xbf16>, vector<32xbf16>
        }
        %while3A_382 = arith.constant 1 : i32
        %while3A_383:8 = scf.for %while3A_408 = %while3A_379 to %while3A_375 step %while3A_382 iter_args(%while3A_409 = %while3A_381#0, %while3A_410 = %while3A_381#1, %while3A_411 = %while3A_381#2, %while3A_412 = %while3A_381#3, %while3A_413 = %while3A_381#4, %while3A_414 = %while3A_381#5, %while3A_415 = %while3A_381#6, %while3A_416 = %while3A_381#7) -> (vector<32xbf16>, vector<32xbf16>, vector<32xbf16>, vector<32xbf16>, vector<32xbf16>, vector<32xbf16>, vector<32xbf16>, vector<32xbf16>)  : i32 {
          %get3A_417 = arith.index_cast %while3A_408 : i32 to index
          %get3A_418 = arith.constant 0 : index
          %get3A_419 = tpu.vector_load %arg10[%get3A_417, %get3A_418] {strides = array<i32>} : memref<256x128xbf16, #tpu.memory_space<vmem>>, vector<32xbf16>,
          %max3A_420 = arith.maximumf %while3A_409, %get3A_419 : vector<32xbf16>
          %get3A_421 = arith.index_cast %while3A_408 : i32 to index
          %get3A_422 = arith.constant 32 : index
          %get3A_423 = tpu.vector_load %arg10[%get3A_421, %get3A_422] {strides = array<i32>} : memref<256x128xbf16, #tpu.memory_space<vmem>>, vector<32xbf16>,
          %max3A_424 = arith.maximumf %while3A_410, %get3A_423 : vector<32xbf16>
          %get3A_425 = arith.index_cast %while3A_408 : i32 to index
          %get3A_426 = arith.constant 64 : index
          %get3A_427 = tpu.vector_load %arg10[%get3A_425, %get3A_426] {strides = array<i32>} : memref<256x128xbf16, #tpu.memory_space<vmem>>, vector<32xbf16>,
          %max3A_428 = arith.maximumf %while3A_411, %get3A_427 : vector<32xbf16>
          %get3A_429 = arith.index_cast %while3A_408 : i32 to index
          %get3A_430 = arith.constant 96 : index
          %get3A_431 = tpu.vector_load %arg10[%get3A_429, %get3A_430] {strides = array<i32>} : memref<256x128xbf16, #tpu.memory_space<vmem>>, vector<32xbf16>,
          %max3A_432 = arith.maximumf %while3A_412, %get3A_431 : vector<32xbf16>
          scf.yield %while3A_413, %while3A_414, %while3A_415, %while3A_416, %max3A_420, %max3A_424, %max3A_428, %max3A_432 : vector<32xbf16>, vector<32xbf16>, vector<32xbf16>, vector<32xbf16>, vector<32xbf16>, vector<32xbf16>, vector<32xbf16>, vector<32xbf16>
        }
        %max3A_384 = arith.maximumf %while3A_383#0, %while3A_383#4 : vector<32xbf16>
        %swap3A = arith.index_cast %while3A_321 : i32 to index
        %swap3A_385 = arith.constant 0 : index
        %swap3A_386 = tpu.vector_load %arg11[%swap3A, %swap3A_385] {strides = array<i32>} : memref<321x128xbf16, #tpu.memory_space<vmem>>, vector<32xbf16>,
        tpu.vector_store %arg11[%swap3A, %swap3A_385], %max3A_384 {strides = array<i32>} : memref<321x128xbf16, #tpu.memory_space<vmem>>, vector<32xbf16>,
        %max3A_387 = arith.maximumf %while3A_383#1, %while3A_383#5 : vector<32xbf16>
        %swap3A_388 = arith.index_cast %while3A_321 : i32 to index
        %swap3A_389 = arith.constant 32 : index
        %swap3A_390 = tpu.vector_load %arg11[%swap3A_388, %swap3A_389] {strides = array<i32>} : memref<321x128xbf16, #tpu.memory_space<vmem>>, vector<32xbf16>,
        tpu.vector_store %arg11[%swap3A_388, %swap3A_389], %max3A_387 {strides = array<i32>} : memref<321x128xbf16, #tpu.memory_space<vmem>>, vector<32xbf16>,
        %max3A_391 = arith.maximumf %while3A_383#2, %while3A_383#6 : vector<32xbf16>
        %swap3A_392 = arith.index_cast %while3A_321 : i32 to index
        %swap3A_393 = arith.constant 64 : index
        %swap3A_394 = tpu.vector_load %arg11[%swap3A_392, %swap3A_393] {strides = array<i32>} : memref<321x128xbf16, #tpu.memory_space<vmem>>, vector<32xbf16>,
        tpu.vector_store %arg11[%swap3A_392, %swap3A_393], %max3A_391 {strides = array<i32>} : memref<321x128xbf16, #tpu.memory_space<vmem>>, vector<32xbf16>,
        %max3A_395 = arith.maximumf %while3A_383#3, %while3A_383#7 : vector<32xbf16>
        %swap3A_396 = arith.index_cast %while3A_321 : i32 to index
        %swap3A_397 = arith.constant 96 : index
        %swap3A_398 = tpu.vector_load %arg11[%swap3A_396, %swap3A_397] {strides = array<i32>} : memref<321x128xbf16, #tpu.memory_space<vmem>>, vector<32xbf16>,
        tpu.vector_store %arg11[%swap3A_396, %swap3A_397], %max3A_395 {strides = array<i32>} : memref<321x128xbf16, #tpu.memory_space<vmem>>, vector<32xbf16>,
        %add3A_399 = arith.constant 1 : i32
        %add3A_400 = arith.addi %while3A_321, %add3A_399 : i32
        %while3A_401 = scf.while (%while3A_408 = %add3A_400) : (i32) -> i32 {
          %lt3A = arith.constant 320 : i32
          %lt3A_409 = arith.cmpi slt, %while3A_408, %lt3A : i32
          %add3A_410 = arith.constant 1 : i32
          %add3A_411 = arith.addi %while3A_408, %add3A_410 : i32
          %get3A_412 = arith.index_cast %add3A_411 : i32 to index
          %get3A_413 = tpu.vector_load %arg6[%get3A_412] {strides = array<i32>} : memref<344xi32, #tpu.memory_space<vmem>>, vector<16xi32>,
          %slice3A_414 = vector.extract_strided_slice %get3A_413 {offsets = [0], sizes = [1], strides = [1]} : vector<16xi32> to vector<1xi32>
          %squeeze3A_415 = vector.extract %slice3A_414[0] : i32 from vector<1xi32>
          %le3A = arith.cmpi sle, %squeeze3A_415, %while3A_322 : i32
          %and3A_416 = arith.andi %lt3A_409, %le3A : i1
          scf.condition(%and3A_416) %while3A_408 : i32
        } do {
        ^bb0(%while3A_408: i32):
          %add3A_409 = arith.constant 1 : i32
          %add3A_410 = arith.addi %while3A_408, %add3A_409 : i32
          scf.yield %add3A_410 : i32
        }
        %add3A_402 = arith.constant 1 : i32
        %add3A_403 = arith.addi %while3A_401, %add3A_402 : i32
        %get3A_404 = arith.index_cast %add3A_403 : i32 to index
        %get3A_405 = tpu.vector_load %arg6[%get3A_404] {strides = array<i32>} : memref<344xi32, #tpu.memory_space<vmem>>, vector<16xi32>,
        %slice3A_406 = vector.extract_strided_slice %get3A_405 {offsets = [0], sizes = [1], strides = [1]} : vector<16xi32> to vector<1xi32>
        %squeeze3A_407 = vector.extract %slice3A_406[0] : i32 from vector<1xi32>
        scf.yield %while3A_322, %while3A_401, %squeeze3A_407, %broadcast_in_dim3A_3, %broadcast_in_dim3A_3, %broadcast_in_dim3A_3, %broadcast_in_dim3A_3, %broadcast_in_dim3A_3, %broadcast_in_dim3A_3, %broadcast_in_dim3A_3, %broadcast_in_dim3A_3 : i32, i32, i32, vector<32xbf16>, vector<32xbf16>, vector<32xbf16>, vector<32xbf16>, vector<32xbf16>, vector<32xbf16>, vector<32xbf16>, vector<32xbf16>
      }
      %sub3A_267 = arith.subi %while3A_266#0, %add3A_257 : i32
      %sub3A_268 = arith.subi %add3A_264, %add3A_257 : i32
      %sub3A_269 = arith.subi %sub3A_268, %sub3A_267 : i32
      %max3A_270 = arith.constant 0 : i32
      %max3A_271 = arith.maxsi %sub3A_269, %max3A_270 : i32
      %jit3A_272 = arith.constant 4 : i32
      %div3A_273 = arith.divsi %max3A_271, %jit3A_272 : i32
      %sign3A_274 = arith.constant 0 : i32
      %sign3A_275 = arith.cmpi sgt, %max3A_271, %sign3A_274 : i32
      %sign3A_276 = arith.extui %sign3A_275 : i1 to i32
      %sign3A_277 = arith.constant 0 : i32
      %sign3A_278 = arith.cmpi slt, %max3A_271, %sign3A_277 : i32
      %sign3A_279 = arith.extui %sign3A_278 : i1 to i32
      %sign3A_280 = arith.subi %sign3A_276, %sign3A_279 : i32
      %sign3A_281 = arith.constant 0 : i32
      %sign3A_282 = arith.cmpi sgt, %jit3A_272, %sign3A_281 : i32
      %sign3A_283 = arith.extui %sign3A_282 : i1 to i32
      %sign3A_284 = arith.constant 0 : i32
      %sign3A_285 = arith.cmpi slt, %jit3A_272, %sign3A_284 : i32
      %sign3A_286 = arith.extui %sign3A_285 : i1 to i32
      %sign3A_287 = arith.subi %sign3A_283, %sign3A_286 : i32
      %ne3A_288 = arith.cmpi ne, %sign3A_280, %sign3A_287 : i32
      %rem3A_289 = arith.remsi %max3A_271, %jit3A_272 : i32
      %ne3A_290 = arith.constant 0 : i32
      %ne3A_291 = arith.cmpi ne, %rem3A_289, %ne3A_290 : i32
      %and3A_292 = arith.andi %ne3A_288, %ne3A_291 : i1
      %sub3A_293 = arith.constant 1 : i32
      %sub3A_294 = arith.subi %div3A_273, %sub3A_293 : i32
      %select_n3A_295 = arith.select %and3A_292, %sub3A_294, %div3A_273 : i32
      %while3A_296 = arith.constant 0 : i32
      %while3A_297 = arith.subi %select_n3A_295, %while3A_296 : i32
      %while3A_298 = arith.addi %while3A_296, %while3A_297 : i32
      %while3A_299 = arith.constant 1 : i32
      %while3A_300 = arith.divsi %while3A_297, %while3A_299 : i32
      %while3A_301 = arith.muli %while3A_300, %while3A_299 : i32
      %while3A_302 = arith.addi %while3A_296, %while3A_301 : i32
      %while3A_303 = arith.constant 1 : i32
      %while3A_304:8 = scf.for %while3A_320 = %while3A_296 to %while3A_302 step %while3A_303 iter_args(%while3A_321 = %while3A_266#3, %while3A_322 = %while3A_266#4, %while3A_323 = %while3A_266#5, %while3A_324 = %while3A_266#6, %while3A_325 = %while3A_266#7, %while3A_326 = %while3A_266#8, %while3A_327 = %while3A_266#9, %while3A_328 = %while3A_266#10) -> (vector<32xbf16>, vector<32xbf16>, vector<32xbf16>, vector<32xbf16>, vector<32xbf16>, vector<32xbf16>, vector<32xbf16>, vector<32xbf16>)  : i32 {
        %mul3A_329 = arith.constant 4 : i32
        %mul3A_330 = arith.muli %mul3A_329, %while3A_320 : i32
        %add3A_331 = arith.addi %sub3A_267, %mul3A_330 : i32
        %get3A_332 = arith.index_cast %add3A_331 : i32 to index
        %get3A_333 = arith.constant 0 : index
        %get3A_334 = tpu.vector_load %arg10[%get3A_332, %get3A_333] {strides = array<i32>} : memref<256x128xbf16, #tpu.memory_space<vmem>>, vector<32xbf16>,
        %max3A_335 = arith.maximumf %while3A_321, %get3A_334 : vector<32xbf16>
        %get3A_336 = arith.index_cast %add3A_331 : i32 to index
        %get3A_337 = arith.constant 32 : index
        %get3A_338 = tpu.vector_load %arg10[%get3A_336, %get3A_337] {strides = array<i32>} : memref<256x128xbf16, #tpu.memory_space<vmem>>, vector<32xbf16>,
        %max3A_339 = arith.maximumf %while3A_322, %get3A_338 : vector<32xbf16>
        %get3A_340 = arith.index_cast %add3A_331 : i32 to index
        %get3A_341 = arith.constant 64 : index
        %get3A_342 = tpu.vector_load %arg10[%get3A_340, %get3A_341] {strides = array<i32>} : memref<256x128xbf16, #tpu.memory_space<vmem>>, vector<32xbf16>,
        %max3A_343 = arith.maximumf %while3A_323, %get3A_342 : vector<32xbf16>
        %get3A_344 = arith.index_cast %add3A_331 : i32 to index
        %get3A_345 = arith.constant 96 : index
        %get3A_346 = tpu.vector_load %arg10[%get3A_344, %get3A_345] {strides = array<i32>} : memref<256x128xbf16, #tpu.memory_space<vmem>>, vector<32xbf16>,
        %max3A_347 = arith.maximumf %while3A_324, %get3A_346 : vector<32xbf16>
        %add3A_348 = arith.constant 1 : i32
        %add3A_349 = arith.addi %add3A_331, %add3A_348 : i32
        %get3A_350 = arith.index_cast %add3A_349 : i32 to index
        %get3A_351 = arith.constant 0 : index
        %get3A_352 = tpu.vector_load %arg10[%get3A_350, %get3A_351] {strides = array<i32>} : memref<256x128xbf16, #tpu.memory_space<vmem>>, vector<32xbf16>,
        %max3A_353 = arith.maximumf %while3A_325, %get3A_352 : vector<32xbf16>
        %get3A_354 = arith.index_cast %add3A_349 : i32 to index
        %get3A_355 = arith.constant 32 : index
        %get3A_356 = tpu.vector_load %arg10[%get3A_354, %get3A_355] {strides = array<i32>} : memref<256x128xbf16, #tpu.memory_space<vmem>>, vector<32xbf16>,
        %max3A_357 = arith.maximumf %while3A_326, %get3A_356 : vector<32xbf16>
        %get3A_358 = arith.index_cast %add3A_349 : i32 to index
        %get3A_359 = arith.constant 64 : index
        %get3A_360 = tpu.vector_load %arg10[%get3A_358, %get3A_359] {strides = array<i32>} : memref<256x128xbf16, #tpu.memory_space<vmem>>, vector<32xbf16>,
        %max3A_361 = arith.maximumf %while3A_327, %get3A_360 : vector<32xbf16>
        %get3A_362 = arith.index_cast %add3A_349 : i32 to index
        %get3A_363 = arith.constant 96 : index
        %get3A_364 = tpu.vector_load %arg10[%get3A_362, %get3A_363] {strides = array<i32>} : memref<256x128xbf16, #tpu.memory_space<vmem>>, vector<32xbf16>,
        %max3A_365 = arith.maximumf %while3A_328, %get3A_364 : vector<32xbf16>
        %add3A_366 = arith.constant 2 : i32
        %add3A_367 = arith.addi %add3A_331, %add3A_366 : i32
        %get3A_368 = arith.index_cast %add3A_367 : i32 to index
        %get3A_369 = arith.constant 0 : index
        %get3A_370 = tpu.vector_load %arg10[%get3A_368, %get3A_369] {strides = array<i32>} : memref<256x128xbf16, #tpu.memory_space<vmem>>, vector<32xbf16>,
        %max3A_371 = arith.maximumf %max3A_335, %get3A_370 : vector<32xbf16>
        %get3A_372 = arith.index_cast %add3A_367 : i32 to index
        %get3A_373 = arith.constant 32 : index
        %get3A_374 = tpu.vector_load %arg10[%get3A_372, %get3A_373] {strides = array<i32>} : memref<256x128xbf16, #tpu.memory_space<vmem>>, vector<32xbf16>,
        %max3A_375 = arith.maximumf %max3A_339, %get3A_374 : vector<32xbf16>
        %get3A_376 = arith.index_cast %add3A_367 : i32 to index
        %get3A_377 = arith.constant 64 : index
        %get3A_378 = tpu.vector_load %arg10[%get3A_376, %get3A_377] {strides = array<i32>} : memref<256x128xbf16, #tpu.memory_space<vmem>>, vector<32xbf16>,
        %max3A_379 = arith.maximumf %max3A_343, %get3A_378 : vector<32xbf16>
        %get3A_380 = arith.index_cast %add3A_367 : i32 to index
        %get3A_381 = arith.constant 96 : index
        %get3A_382 = tpu.vector_load %arg10[%get3A_380, %get3A_381] {strides = array<i32>} : memref<256x128xbf16, #tpu.memory_space<vmem>>, vector<32xbf16>,
        %max3A_383 = arith.maximumf %max3A_347, %get3A_382 : vector<32xbf16>
        %add3A_384 = arith.constant 3 : i32
        %add3A_385 = arith.addi %add3A_331, %add3A_384 : i32
        %get3A_386 = arith.index_cast %add3A_385 : i32 to index
        %get3A_387 = arith.constant 0 : index
        %get3A_388 = tpu.vector_load %arg10[%get3A_386, %get3A_387] {strides = array<i32>} : memref<256x128xbf16, #tpu.memory_space<vmem>>, vector<32xbf16>,
        %max3A_389 = arith.maximumf %max3A_353, %get3A_388 : vector<32xbf16>
        %get3A_390 = arith.index_cast %add3A_385 : i32 to index
        %get3A_391 = arith.constant 32 : index
        %get3A_392 = tpu.vector_load %arg10[%get3A_390, %get3A_391] {strides = array<i32>} : memref<256x128xbf16, #tpu.memory_space<vmem>>, vector<32xbf16>,
        %max3A_393 = arith.maximumf %max3A_357, %get3A_392 : vector<32xbf16>
        %get3A_394 = arith.index_cast %add3A_385 : i32 to index
        %get3A_395 = arith.constant 64 : index
        %get3A_396 = tpu.vector_load %arg10[%get3A_394, %get3A_395] {strides = array<i32>} : memref<256x128xbf16, #tpu.memory_space<vmem>>, vector<32xbf16>,
        %max3A_397 = arith.maximumf %max3A_361, %get3A_396 : vector<32xbf16>
        %get3A_398 = arith.index_cast %add3A_385 : i32 to index
        %get3A_399 = arith.constant 96 : index
        %get3A_400 = tpu.vector_load %arg10[%get3A_398, %get3A_399] {strides = array<i32>} : memref<256x128xbf16, #tpu.memory_space<vmem>>, vector<32xbf16>,
        %max3A_401 = arith.maximumf %max3A_365, %get3A_400 : vector<32xbf16>
        scf.yield %max3A_371, %max3A_375, %max3A_379, %max3A_383, %max3A_389, %max3A_393, %max3A_397, %max3A_401 : vector<32xbf16>, vector<32xbf16>, vector<32xbf16>, vector<32xbf16>, vector<32xbf16>, vector<32xbf16>, vector<32xbf16>, vector<32xbf16>
      }
      %while3A_305 = arith.constant 1 : i32
      %while3A_306:8 = scf.for %while3A_320 = %while3A_302 to %while3A_298 step %while3A_305 iter_args(%while3A_321 = %while3A_304#0, %while3A_322 = %while3A_304#1, %while3A_323 = %while3A_304#2, %while3A_324 = %while3A_304#3, %while3A_325 = %while3A_304#4, %while3A_326 = %while3A_304#5, %while3A_327 = %while3A_304#6, %while3A_328 = %while3A_304#7) -> (vector<32xbf16>, vector<32xbf16>, vector<32xbf16>, vector<32xbf16>, vector<32xbf16>, vector<32xbf16>, vector<32xbf16>, vector<32xbf16>)  : i32 {
        %mul3A_329 = arith.constant 4 : i32
        %mul3A_330 = arith.muli %mul3A_329, %while3A_320 : i32
        %add3A_331 = arith.addi %sub3A_267, %mul3A_330 : i32
        %get3A_332 = arith.index_cast %add3A_331 : i32 to index
        %get3A_333 = arith.constant 0 : index
        %get3A_334 = tpu.vector_load %arg10[%get3A_332, %get3A_333] {strides = array<i32>} : memref<256x128xbf16, #tpu.memory_space<vmem>>, vector<32xbf16>,
        %max3A_335 = arith.maximumf %while3A_321, %get3A_334 : vector<32xbf16>
        %get3A_336 = arith.index_cast %add3A_331 : i32 to index
        %get3A_337 = arith.constant 32 : index
        %get3A_338 = tpu.vector_load %arg10[%get3A_336, %get3A_337] {strides = array<i32>} : memref<256x128xbf16, #tpu.memory_space<vmem>>, vector<32xbf16>,
        %max3A_339 = arith.maximumf %while3A_322, %get3A_338 : vector<32xbf16>
        %get3A_340 = arith.index_cast %add3A_331 : i32 to index
        %get3A_341 = arith.constant 64 : index
        %get3A_342 = tpu.vector_load %arg10[%get3A_340, %get3A_341] {strides = array<i32>} : memref<256x128xbf16, #tpu.memory_space<vmem>>, vector<32xbf16>,
        %max3A_343 = arith.maximumf %while3A_323, %get3A_342 : vector<32xbf16>
        %get3A_344 = arith.index_cast %add3A_331 : i32 to index
        %get3A_345 = arith.constant 96 : index
        %get3A_346 = tpu.vector_load %arg10[%get3A_344, %get3A_345] {strides = array<i32>} : memref<256x128xbf16, #tpu.memory_space<vmem>>, vector<32xbf16>,
        %max3A_347 = arith.maximumf %while3A_324, %get3A_346 : vector<32xbf16>
        %add3A_348 = arith.constant 1 : i32
        %add3A_349 = arith.addi %add3A_331, %add3A_348 : i32
        %get3A_350 = arith.index_cast %add3A_349 : i32 to index
        %get3A_351 = arith.constant 0 : index
        %get3A_352 = tpu.vector_load %arg10[%get3A_350, %get3A_351] {strides = array<i32>} : memref<256x128xbf16, #tpu.memory_space<vmem>>, vector<32xbf16>,
        %max3A_353 = arith.maximumf %while3A_325, %get3A_352 : vector<32xbf16>
        %get3A_354 = arith.index_cast %add3A_349 : i32 to index
        %get3A_355 = arith.constant 32 : index
        %get3A_356 = tpu.vector_load %arg10[%get3A_354, %get3A_355] {strides = array<i32>} : memref<256x128xbf16, #tpu.memory_space<vmem>>, vector<32xbf16>,
        %max3A_357 = arith.maximumf %while3A_326, %get3A_356 : vector<32xbf16>
        %get3A_358 = arith.index_cast %add3A_349 : i32 to index
        %get3A_359 = arith.constant 64 : index
        %get3A_360 = tpu.vector_load %arg10[%get3A_358, %get3A_359] {strides = array<i32>} : memref<256x128xbf16, #tpu.memory_space<vmem>>, vector<32xbf16>,
        %max3A_361 = arith.maximumf %while3A_327, %get3A_360 : vector<32xbf16>
        %get3A_362 = arith.index_cast %add3A_349 : i32 to index
        %get3A_363 = arith.constant 96 : index
        %get3A_364 = tpu.vector_load %arg10[%get3A_362, %get3A_363] {strides = array<i32>} : memref<256x128xbf16, #tpu.memory_space<vmem>>, vector<32xbf16>,
        %max3A_365 = arith.maximumf %while3A_328, %get3A_364 : vector<32xbf16>
        %add3A_366 = arith.constant 2 : i32
        %add3A_367 = arith.addi %add3A_331, %add3A_366 : i32
        %get3A_368 = arith.index_cast %add3A_367 : i32 to index
        %get3A_369 = arith.constant 0 : index
        %get3A_370 = tpu.vector_load %arg10[%get3A_368, %get3A_369] {strides = array<i32>} : memref<256x128xbf16, #tpu.memory_space<vmem>>, vector<32xbf16>,
        %max3A_371 = arith.maximumf %max3A_335, %get3A_370 : vector<32xbf16>
        %get3A_372 = arith.index_cast %add3A_367 : i32 to index
        %get3A_373 = arith.constant 32 : index
        %get3A_374 = tpu.vector_load %arg10[%get3A_372, %get3A_373] {strides = array<i32>} : memref<256x128xbf16, #tpu.memory_space<vmem>>, vector<32xbf16>,
        %max3A_375 = arith.maximumf %max3A_339, %get3A_374 : vector<32xbf16>
        %get3A_376 = arith.index_cast %add3A_367 : i32 to index
        %get3A_377 = arith.constant 64 : index
        %get3A_378 = tpu.vector_load %arg10[%get3A_376, %get3A_377] {strides = array<i32>} : memref<256x128xbf16, #tpu.memory_space<vmem>>, vector<32xbf16>,
        %max3A_379 = arith.maximumf %max3A_343, %get3A_378 : vector<32xbf16>
        %get3A_380 = arith.index_cast %add3A_367 : i32 to index
        %get3A_381 = arith.constant 96 : index
        %get3A_382 = tpu.vector_load %arg10[%get3A_380, %get3A_381] {strides = array<i32>} : memref<256x128xbf16, #tpu.memory_space<vmem>>, vector<32xbf16>,
        %max3A_383 = arith.maximumf %max3A_347, %get3A_382 : vector<32xbf16>
        %add3A_384 = arith.constant 3 : i32
        %add3A_385 = arith.addi %add3A_331, %add3A_384 : i32
        %get3A_386 = arith.index_cast %add3A_385 : i32 to index
        %get3A_387 = arith.constant 0 : index
        %get3A_388 = tpu.vector_load %arg10[%get3A_386, %get3A_387] {strides = array<i32>} : memref<256x128xbf16, #tpu.memory_space<vmem>>, vector<32xbf16>,
        %max3A_389 = arith.maximumf %max3A_353, %get3A_388 : vector<32xbf16>
        %get3A_390 = arith.index_cast %add3A_385 : i32 to index
        %get3A_391 = arith.constant 32 : index
        %get3A_392 = tpu.vector_load %arg10[%get3A_390, %get3A_391] {strides = array<i32>} : memref<256x128xbf16, #tpu.memory_space<vmem>>, vector<32xbf16>,
        %max3A_393 = arith.maximumf %max3A_357, %get3A_392 : vector<32xbf16>
        %get3A_394 = arith.index_cast %add3A_385 : i32 to index
        %get3A_395 = arith.constant 64 : index
        %get3A_396 = tpu.vector_load %arg10[%get3A_394, %get3A_395] {strides = array<i32>} : memref<256x128xbf16, #tpu.memory_space<vmem>>, vector<32xbf16>,
        %max3A_397 = arith.maximumf %max3A_361, %get3A_396 : vector<32xbf16>
        %get3A_398 = arith.index_cast %add3A_385 : i32 to index
        %get3A_399 = arith.constant 96 : index
        %get3A_400 = tpu.vector_load %arg10[%get3A_398, %get3A_399] {strides = array<i32>} : memref<256x128xbf16, #tpu.memory_space<vmem>>, vector<32xbf16>,
        %max3A_401 = arith.maximumf %max3A_365, %get3A_400 : vector<32xbf16>
        scf.yield %max3A_371, %max3A_375, %max3A_379, %max3A_383, %max3A_389, %max3A_393, %max3A_397, %max3A_401 : vector<32xbf16>, vector<32xbf16>, vector<32xbf16>, vector<32xbf16>, vector<32xbf16>, vector<32xbf16>, vector<32xbf16>, vector<32xbf16>
      }
      %mul3A_307 = arith.constant 4 : i32
      %mul3A_308 = arith.muli %mul3A_307, %select_n3A_295 : i32
      %add3A_309 = arith.addi %sub3A_267, %mul3A_308 : i32
      %while3A_310 = arith.subi %sub3A_268, %add3A_309 : i32
      %while3A_311 = arith.addi %add3A_309, %while3A_310 : i32
      %while3A_312 = arith.constant 1 : i32
      %while3A_313 = arith.divsi %while3A_310, %while3A_312 : i32
      %while3A_314 = arith.muli %while3A_313, %while3A_312 : i32
      %while3A_315 = arith.addi %add3A_309, %while3A_314 : i32
      %while3A_316 = arith.constant 1 : i32
      %while3A_317:8 = scf.for %while3A_320 = %add3A_309 to %while3A_315 step %while3A_316 iter_args(%while3A_321 = %while3A_306#0, %while3A_322 = %while3A_306#1, %while3A_323 = %while3A_306#2, %while3A_324 = %while3A_306#3, %while3A_325 = %while3A_306#4, %while3A_326 = %while3A_306#5, %while3A_327 = %while3A_306#6, %while3A_328 = %while3A_306#7) -> (vector<32xbf16>, vector<32xbf16>, vector<32xbf16>, vector<32xbf16>, vector<32xbf16>, vector<32xbf16>, vector<32xbf16>, vector<32xbf16>)  : i32 {
        %get3A_329 = arith.index_cast %while3A_320 : i32 to index
        %get3A_330 = arith.constant 0 : index
        %get3A_331 = tpu.vector_load %arg10[%get3A_329, %get3A_330] {strides = array<i32>} : memref<256x128xbf16, #tpu.memory_space<vmem>>, vector<32xbf16>,
        %max3A_332 = arith.maximumf %while3A_321, %get3A_331 : vector<32xbf16>
        %get3A_333 = arith.index_cast %while3A_320 : i32 to index
        %get3A_334 = arith.constant 32 : index
        %get3A_335 = tpu.vector_load %arg10[%get3A_333, %get3A_334] {strides = array<i32>} : memref<256x128xbf16, #tpu.memory_space<vmem>>, vector<32xbf16>,
        %max3A_336 = arith.maximumf %while3A_322, %get3A_335 : vector<32xbf16>
        %get3A_337 = arith.index_cast %while3A_320 : i32 to index
        %get3A_338 = arith.constant 64 : index
        %get3A_339 = tpu.vector_load %arg10[%get3A_337, %get3A_338] {strides = array<i32>} : memref<256x128xbf16, #tpu.memory_space<vmem>>, vector<32xbf16>,
        %max3A_340 = arith.maximumf %while3A_323, %get3A_339 : vector<32xbf16>
        %get3A_341 = arith.index_cast %while3A_320 : i32 to index
        %get3A_342 = arith.constant 96 : index
        %get3A_343 = tpu.vector_load %arg10[%get3A_341, %get3A_342] {strides = array<i32>} : memref<256x128xbf16, #tpu.memory_space<vmem>>, vector<32xbf16>,
        %max3A_344 = arith.maximumf %while3A_324, %get3A_343 : vector<32xbf16>
        scf.yield %while3A_325, %while3A_326, %while3A_327, %while3A_328, %max3A_332, %max3A_336, %max3A_340, %max3A_344 : vector<32xbf16>, vector<32xbf16>, vector<32xbf16>, vector<32xbf16>, vector<32xbf16>, vector<32xbf16>, vector<32xbf16>, vector<32xbf16>
      }
      %while3A_318 = arith.constant 1 : i32
      %while3A_319:8 = scf.for %while3A_320 = %while3A_315 to %while3A_311 step %while3A_318 iter_args(%while3A_321 = %while3A_317#0, %while3A_322 = %while3A_317#1, %while3A_323 = %while3A_317#2, %while3A_324 = %while3A_317#3, %while3A_325 = %while3A_317#4, %while3A_326 = %while3A_317#5, %while3A_327 = %while3A_317#6, %while3A_328 = %while3A_317#7) -> (vector<32xbf16>, vector<32xbf16>, vector<32xbf16>, vector<32xbf16>, vector<32xbf16>, vector<32xbf16>, vector<32xbf16>, vector<32xbf16>)  : i32 {
        %get3A_329 = arith.index_cast %while3A_320 : i32 to index
        %get3A_330 = arith.constant 0 : index
        %get3A_331 = tpu.vector_load %arg10[%get3A_329, %get3A_330] {strides = array<i32>} : memref<256x128xbf16, #tpu.memory_space<vmem>>, vector<32xbf16>,
        %max3A_332 = arith.maximumf %while3A_321, %get3A_331 : vector<32xbf16>
        %get3A_333 = arith.index_cast %while3A_320 : i32 to index
        %get3A_334 = arith.constant 32 : index
        %get3A_335 = tpu.vector_load %arg10[%get3A_333, %get3A_334] {strides = array<i32>} : memref<256x128xbf16, #tpu.memory_space<vmem>>, vector<32xbf16>,
        %max3A_336 = arith.maximumf %while3A_322, %get3A_335 : vector<32xbf16>
        %get3A_337 = arith.index_cast %while3A_320 : i32 to index
        %get3A_338 = arith.constant 64 : index
        %get3A_339 = tpu.vector_load %arg10[%get3A_337, %get3A_338] {strides = array<i32>} : memref<256x128xbf16, #tpu.memory_space<vmem>>, vector<32xbf16>,
        %max3A_340 = arith.maximumf %while3A_323, %get3A_339 : vector<32xbf16>
        %get3A_341 = arith.index_cast %while3A_320 : i32 to index
        %get3A_342 = arith.constant 96 : index
        %get3A_343 = tpu.vector_load %arg10[%get3A_341, %get3A_342] {strides = array<i32>} : memref<256x128xbf16, #tpu.memory_space<vmem>>, vector<32xbf16>,
        %max3A_344 = arith.maximumf %while3A_324, %get3A_343 : vector<32xbf16>
        scf.yield %while3A_325, %while3A_326, %while3A_327, %while3A_328, %max3A_332, %max3A_336, %max3A_340, %max3A_344 : vector<32xbf16>, vector<32xbf16>, vector<32xbf16>, vector<32xbf16>, vector<32xbf16>, vector<32xbf16>, vector<32xbf16>, vector<32xbf16>
      }
      scf.yield %while3A_266#1, %while3A_266#2, %while3A_319#0, %while3A_319#1, %while3A_319#2, %while3A_319#3, %while3A_319#4, %while3A_319#5, %while3A_319#6, %while3A_319#7 : i32, i32, vector<32xbf16>, vector<32xbf16>, vector<32xbf16>, vector<32xbf16>, vector<32xbf16>, vector<32xbf16>, vector<32xbf16>, vector<32xbf16>
    }
    %dma_wait3A_129 = arith.constant 0 : i32
    %dma_wait3A_130 = arith.constant 0 : i32
    %dma_wait3A_131 = tpu.memref_slice %arg12[%dma_wait3A_129, %dma_wait3A_130] : memref<10112x128xbf16, #tpu.memory_space<vmem_shared>> -> memref<10112x128xbf16, #tpu.memory_space<vmem_shared>>
    tpu.wait_indirect_dma semaphore(%arg15 : memref<!tpu.dma_semaphore, #tpu.memory_space<semaphore_mem>>) src(%dma_wait3A_131 : memref<10112x128xbf16, #tpu.memory_space<vmem_shared>>) dst(%arg9 : memref<256x128xbf16, #tpu.memory_space<vmem>>)
    %dma_wait3A_132 = arith.constant 0 : i32
    %dma_wait3A_133 = tpu.memref_slice %arg3[%dma_wait3A_132] : memref<321024xi32, #tpu.memory_space<hbm>> -> memref<256xi32, #tpu.memory_space<hbm>>
    %dma_wait3A_134 = arith.constant 0 : i32
    %dma_wait3A_135 = tpu.memref_slice %arg3[%dma_wait3A_134] : memref<321024xi32, #tpu.memory_space<hbm>> -> memref<256xi32, #tpu.memory_space<hbm>>
    tpu.wait_dma2 semaphore(%arg14 : memref<!tpu.dma_semaphore, #tpu.memory_space<semaphore_mem>>) src(%dma_wait3A_135 : memref<256xi32, #tpu.memory_space<hbm>>) dst(%arg8 : memref<256xi32, #tpu.memory_space<vmem>>)
    %gt3A = arith.cmpi sgt, %squeeze3A_13, %squeeze3A : i32
    %convert_element_type3A = arith.extui %gt3A : i1 to i32
    %cond3A = arith.constant 0 : i32
    %cond3A_136 = arith.cmpi ne, %convert_element_type3A, %cond3A : i32
    scf.if %cond3A_136 {
      %max3A = arith.maximumf %while3A_128#2, %while3A_128#6 : vector<32xbf16>
      %swap3A = arith.index_cast %while3A_128#0 : i32 to index
      %swap3A_137 = arith.constant 0 : index
      %swap3A_138 = tpu.vector_load %arg11[%swap3A, %swap3A_137] {strides = array<i32>} : memref<321x128xbf16, #tpu.memory_space<vmem>>, vector<32xbf16>,
      tpu.vector_store %arg11[%swap3A, %swap3A_137], %max3A {strides = array<i32>} : memref<321x128xbf16, #tpu.memory_space<vmem>>, vector<32xbf16>,
      %max3A_139 = arith.maximumf %while3A_128#3, %while3A_128#7 : vector<32xbf16>
      %swap3A_140 = arith.index_cast %while3A_128#0 : i32 to index
      %swap3A_141 = arith.constant 32 : index
      %swap3A_142 = tpu.vector_load %arg11[%swap3A_140, %swap3A_141] {strides = array<i32>} : memref<321x128xbf16, #tpu.memory_space<vmem>>, vector<32xbf16>,
      tpu.vector_store %arg11[%swap3A_140, %swap3A_141], %max3A_139 {strides = array<i32>} : memref<321x128xbf16, #tpu.memory_space<vmem>>, vector<32xbf16>,
      %max3A_143 = arith.maximumf %while3A_128#4, %while3A_128#8 : vector<32xbf16>
      %swap3A_144 = arith.index_cast %while3A_128#0 : i32 to index
      %swap3A_145 = arith.constant 64 : index
      %swap3A_146 = tpu.vector_load %arg11[%swap3A_144, %swap3A_145] {strides = array<i32>} : memref<321x128xbf16, #tpu.memory_space<vmem>>, vector<32xbf16>,
      tpu.vector_store %arg11[%swap3A_144, %swap3A_145], %max3A_143 {strides = array<i32>} : memref<321x128xbf16, #tpu.memory_space<vmem>>, vector<32xbf16>,
      %max3A_147 = arith.maximumf %while3A_128#5, %while3A_128#9 : vector<32xbf16>
      %swap3A_148 = arith.index_cast %while3A_128#0 : i32 to index
      %swap3A_149 = arith.constant 96 : index
      %swap3A_150 = tpu.vector_load %arg11[%swap3A_148, %swap3A_149] {strides = array<i32>} : memref<321x128xbf16, #tpu.memory_space<vmem>>, vector<32xbf16>,
      tpu.vector_store %arg11[%swap3A_148, %swap3A_149], %max3A_147 {strides = array<i32>} : memref<321x128xbf16, #tpu.memory_space<vmem>>, vector<32xbf16>,
    } else {
    }
    "tpu.region"() ({
      %run_scoped3A = tpu.sem_alloc : memref<!tpu.dma_semaphore, #tpu.memory_space<semaphore_mem>>
      %dma_start3A_137 = arith.constant 0 : i32
      %dma_start3A_138 = arith.constant 0 : i32
      %dma_start3A_139 = tpu.memref_slice %arg11[%dma_start3A_137, %dma_start3A_138] : memref<321x128xbf16, #tpu.memory_space<vmem>> -> memref<320x128xbf16, #tpu.memory_space<vmem>>
      %dma_start3A_140 = arith.constant 0 : i32
      %dma_start3A_141 = tpu.memref_slice %arg5[%mul3A_2, %dma_start3A_140] : memref<10240x128xbf16, #tpu.memory_space<hbm>> -> memref<320x128xbf16, #tpu.memory_space<hbm>>
      %dma_start3A_142 = arith.constant 0 : i32
      %dma_start3A_143 = tpu.memref_slice %arg5[%mul3A_2, %dma_start3A_142] : memref<10240x128xbf16, #tpu.memory_space<hbm>> -> memref<320x128xbf16, #tpu.memory_space<hbm>>
      %dma_start3A_144 = arith.constant 0 : i32
      %dma_start3A_145 = arith.constant 0 : i32
      %dma_start3A_146 = tpu.memref_slice %arg11[%dma_start3A_144, %dma_start3A_145] : memref<321x128xbf16, #tpu.memory_space<vmem>> -> memref<320x128xbf16, #tpu.memory_space<vmem>>
      tpu.enqueue_dma source(%dma_start3A_146 : memref<320x128xbf16, #tpu.memory_space<vmem>>) target(%dma_start3A_143 : memref<320x128xbf16, #tpu.memory_space<hbm>>) target_semaphore(%run_scoped3A : memref<!tpu.dma_semaphore, #tpu.memory_space<semaphore_mem>>)
      %dma_wait3A_147 = arith.constant 0 : i32
      %dma_wait3A_148 = arith.constant 0 : i32
      %dma_wait3A_149 = tpu.memref_slice %arg11[%dma_wait3A_147, %dma_wait3A_148] : memref<321x128xbf16, #tpu.memory_space<vmem>> -> memref<320x128xbf16, #tpu.memory_space<vmem>>
      %dma_wait3A_150 = arith.constant 0 : i32
      %dma_wait3A_151 = tpu.memref_slice %arg5[%mul3A_2, %dma_wait3A_150] : memref<10240x128xbf16, #tpu.memory_space<hbm>> -> memref<320x128xbf16, #tpu.memory_space<hbm>>
      %dma_wait3A_152 = arith.constant 0 : i32
      %dma_wait3A_153 = tpu.memref_slice %arg5[%mul3A_2, %dma_wait3A_152] : memref<10240x128xbf16, #tpu.memory_space<hbm>> -> memref<320x128xbf16, #tpu.memory_space<hbm>>
      %dma_wait3A_154 = arith.constant 0 : i32
      %dma_wait3A_155 = arith.constant 0 : i32
      %dma_wait3A_156 = tpu.memref_slice %arg11[%dma_wait3A_154, %dma_wait3A_155] : memref<321x128xbf16, #tpu.memory_space<vmem>> -> memref<320x128xbf16, #tpu.memory_space<vmem>>
      tpu.wait_dma2 semaphore(%run_scoped3A : memref<!tpu.dma_semaphore, #tpu.memory_space<semaphore_mem>>) src(%dma_wait3A_156 : memref<320x128xbf16, #tpu.memory_space<vmem>>) dst(%dma_wait3A_153 : memref<320x128xbf16, #tpu.memory_space<hbm>>)
      tpu.yield
    }) : () -> ()
    return
  }
}

</mosaic_0001>

<sc_bundles>
// kernel: kernel.3.cloned.1.call-start
scs
__scs_entry_jumppad:
0x0: {  	(pc) =	sbr.rel $0x88, $3  }
0x1: {  	(tag) =	ssettag $0x0;
	lr =	simm.s32 $0x1  }
0x2: {  	[smem:$0x3F9E] =	sst lr;
	_ =	strace $0xD0000000  }
0x3: {  	_ = 	snop  }
0x4: {  	_ = 	snop  }
0x5: {  	_ = 	snop  }
0x6: {  	_ = 	snop  }
0x7: {  	_ = 	snop  }
__scs_overlays_trampoline_lowered:
0x8: {  	[smem:$0x3FAD] =	sst s0  }
0x9: {  	[smem:$0x3FAE] =	sst s1  }
0xa: {  	[smem:$0x3FAF] =	sst s2  }
0xb: {  	[smem:$0x3FB0] =	sst s3  }
0xc: {  	[smem:$0x3FB1] =	sst s4  }
0xd: {  	[smem:$0x3FB2] =	sst s5  }
0xe: {  	[smem:$0x3FB3] =	sst s6  }
0xf: {  	[smem:$0x3FB4] =	sst s7  }
0x10: {  	[smem:$0x3FB5] =	sst s8  }
0x11: {  	[smem:$0x3FB6] =	sst s9;
	s0 =	simm.s32 @!p0 $0x0  }
0x12: {  	s1 =	sld [smem:$0x3F9C];
	s0 =	simm.s32 @p0 $0x1  }
0x13: {  	[smem:$0x3FB7] =	sst s0;
	s0 =	simm.s32 @!p1 $0x0  }
0x14: {  	s2 =	sld [smem:$0x3F9B];
	s0 =	simm.s32 @p1 $0x1  }
0x15: {  	[smem:$0x3FB8] =	sst s0;
	s0 =	simm.s32 @!p2 $0x0  }
0x16: {  	s3 =	sld [smem:$0x3FDB];
	s0 =	simm.s32 @p2 $0x1  }
0x17: {  	s4 =	simm.s32 $0x1BF5;
	[smem:$0x3FBA] =	sst s0  }
0x18: {  	s0 =	sld [smem:$0x3F9D];
	_ =	swait.ge [sflag:s4], $0x0  }
0x19: {  	s7 =	sld [smem:$0x3F9E]  }
0x1a: {  	s8 =	sadd.s32 $0xFFFFE003, lr  }
0x1b: {  	s9 =	sadd.s32 $0xFFFFFEF7, lr;
	s5 =	simm.s32 $0xFFFFFFFF;
	p2 =	slt.u32 s8, $0xFFFFF086  }
0x1c: {  	p1 =	slt.u32 s9, $0xF7A;
	s5 =	simm.s32 @!p2 $0x0  }
0x1d: {  	s5 =	simm.s32 @p1 $0x1;
	p0 =	seq.s32 s7, s2  }
0x1e: {  	s7 =	smul.u32 @!p0 $0xF7A, s2;
	p2 =	seq.s32 @!p0 s5, $0x0  }
0x1f: {  	s9 =	smul.u32 $0xF7A, s1;
	s8 =	simm.s32 @!p0 $0x1BF5;
	p2 =	por !p2, p0  }
0x20: {  	[sflag:s8] =	ssyncset.s32 @!p0 $0xFFFFF086;
	s6 =	sadd.s32 @!p0 s3, s7;
	s7 =	simm.s32 @!p0 $0x108  }
0x21: {  	s3 =	sadd.s32 s3, s9;
	s6 =	sadd.s32 @!p0 $0x88, s6;
	s7 =	simm.s32 @p2 $0x1082  }
0x22: {  	[simem:s7], [sflag:s8] =	dma.local @!p0 [hbm:s6], $0xF7A  }
0x23: {  	s9 =	sor.u32 $0xD0000000, s2;
	s6 =	simm.s32 $0x108;
	_ =	swait.ge @!p0 [sflag:s8], $0x0  }
0x24: {  	s3 =	sadd.s32 $0x88, s3;
	s6 =	simm.s32 @!p1 $0x1082;
	[sflag:s4] =	ssyncset.s32 $0xFFFFF086  }
0x25: {  	[simem:s6], [sflag:s4] =	dma.local [hbm:s3], $0xF7A  }
0x26: {  	[smem:$0x3F9E] =	sst s1;
	(tag) =	ssettag s2;
	_ =	strace s9  }
0x27: {  	s1 =	sld [smem:$0x3FAE]  }
0x28: {  	s2 =	sld [smem:$0x3FAF]  }
0x29: {  	s4 =	sld [smem:$0x3FB1]  }
0x2a: {  	p0 =	seq.s32 s5, $0x0;
	s5 =	sld [smem:$0x3FB2]  }
0x2b: {  	s6 =	sld [smem:$0x3FB3]  }
0x2c: {  	s7 =	sld [smem:$0x3FB4]  }
0x2d: {  	s3 =	simm.s32 $0x108;
	s8 =	sld [smem:$0x3FB5]  }
0x2e: {  	s3 =	simm.s32 @!p0 $0x1082;
	s9 =	sld [smem:$0x3FB6]  }
0x2f: {  	lr =	sadd.s32 s0, s3;
	s0 =	sld [smem:$0x3FAD]  }
0x30: {  	s3 =	sld [smem:$0x3FB0]  }
0x31: {  	[smem:$0x3FB9] =	sst s10  }
0x32: {  	s10 =	sld [smem:$0x3FB7];
	_ =	sdelay $0x3  }
0x33: {  	p0 =	seq.s32 s10, $0x1;
	s10 =	sld [smem:$0x3FB9];
	_ =	sdelay $0x3  }
0x34: {  	[smem:$0x3FB9] =	sst s10  }
0x35: {  	s10 =	sld [smem:$0x3FB8];
	_ =	sdelay $0x3  }
0x36: {  	p1 =	seq.s32 s10, $0x1;
	s10 =	sld [smem:$0x3FB9];
	_ =	sdelay $0x3  }
0x37: {  	[smem:$0x3FB9] =	sst s10  }
0x38: {  	s10 =	sld [smem:$0x3FBA]  }
0x39: {  	_ = 	snop;
	(pc) =	sbr.ind lr, $3  }
0x3a: {  	_ = 	snop  }
0x3b: {  	_ = 	snop  }
0x3c: {  	p2 =	seq.s32 s10, $0x1;
	s10 =	sld [smem:$0x3FB9]  }
0x3d: {  	_ =	shalt  }
0x3e: {  	_ =	shalt  }
0x3f: {  	_ =	shalt  }
0x40: {  	_ =	shalt  }
0x41: {  	_ =	shalt  }
0x42: {  	_ =	shalt  }
0x43: {  	_ =	shalt  }
0x44: {  	_ =	shalt  }
0x45: {  	_ =	shalt  }
0x46: {  	_ =	shalt  }
0x47: {  	_ =	shalt  }
0x48: {  	_ =	shalt  }
0x49: {  	_ =	shalt  }
0x4a: {  	_ =	shalt  }
0x4b: {  	_ =	shalt  }
0x4c: {  	_ =	shalt  }
0x4d: {  	_ =	shalt  }
0x4e: {  	_ =	shalt  }
0x4f: {  	_ =	shalt  }
0x50: {  	_ =	shalt  }
0x51: {  	_ =	shalt  }
0x52: {  	_ =	shalt  }
0x53: {  	_ =	shalt  }
0x54: {  	_ =	shalt  }
0x55: {  	_ =	shalt  }
0x56: {  	_ =	shalt  }
0x57: {  	_ =	shalt  }
0x58: {  	_ =	shalt  }
0x59: {  	_ =	shalt  }
0x5a: {  	_ =	shalt  }
0x5b: {  	_ =	shalt  }
0x5c: {  	_ =	shalt  }
0x5d: {  	_ =	shalt  }
0x5e: {  	_ =	shalt  }
0x5f: {  	_ =	shalt  }
0x60: {  	_ =	shalt  }
0x61: {  	_ =	shalt  }
0x62: {  	_ =	shalt  }
0x63: {  	_ =	shalt  }
0x64: {  	_ =	shalt  }
0x65: {  	_ =	shalt  }
0x66: {  	_ =	shalt  }
0x67: {  	_ =	shalt  }
0x68: {  	_ =	shalt  }
0x69: {  	_ =	shalt  }
0x6a: {  	_ =	shalt  }
0x6b: {  	_ =	shalt  }
0x6c: {  	_ =	shalt  }
0x6d: {  	_ =	shalt  }
0x6e: {  	_ =	shalt  }
0x6f: {  	_ =	shalt  }
0x70: {  	_ =	shalt  }
0x71: {  	_ =	shalt  }
0x72: {  	_ =	shalt  }
0x73: {  	_ =	shalt  }
0x74: {  	_ =	shalt  }
0x75: {  	_ =	shalt  }
0x76: {  	_ =	shalt  }
0x77: {  	_ =	shalt  }
0x78: {  	_ =	shalt  }
0x79: {  	_ =	shalt  }
0x7a: {  	_ =	shalt  }
0x7b: {  	_ =	shalt  }
0x7c: {  	_ =	shalt  }
0x7d: {  	_ =	shalt  }
0x7e: {  	_ =	shalt  }
0x7f: {  	_ =	shalt  }
0x80: {  	_ =	shalt  }
0x81: {  	_ =	shalt  }
0x82: {  	_ =	shalt  }
0x83: {  	_ =	shalt  }
0x84: {  	_ =	shalt  }
0x85: {  	_ =	shalt  }
0x86: {  	_ =	shalt  }
0x87: {  	_ =	shalt  }
.Lfunc_end0:
.L_simem_size_0:
called_computation_lowered:
.L_overlay_start_0:
0x88: {  	s2 =	sld [smem:$0x3FD9]  }
0x89: {  	s3 =	sld [smem:$0x3FFE];
	_ =	sdelay $0x1  }
0x8a: {  	s1 =	srdreg.scid  }
0x8b: {  	s0 =	sand.u32 $0x1, s1  }
0x8c: {  	s17 =	sshll.u32 s0, $0xA;
	s2 =	sadd.s32 s3, s2  }
0x8d: {  	s2 =	sadd.s32 s2, s17  }
0x8e: {  	[smem:$0x3FC5] =	sst s2  }
0x8f: {  	_ = 	snop  }
0x90: {  	s2 =	sld [smem:$0x3FD0];
	(tm) =	ssettm $0x1  }
0x91: {  	s18 =	sld [smem:$0x3FFB];
	_ =	sdelay $0x3  }
0x92: {  	_ =	strace s18  }
0x93: {  	s3 =	sld [smem:$0x3FFC];
	_ =	sdelay $0x3  }
0x94: {  	_ =	strace s3  }
0x95: {  	s3 =	sld [smem:$0x3FFD];
	_ =	sdelay $0x3  }
0x96: {  	_ =	strace s3  }
0x97: {  	_ =	strace $0x8FFFFFFF  }
0x98: {  	s19 =	sld [smem:$0x3FDB];
	_ =	sdelay $0x1  }
0x99: {  	s4 =	simm.s32 $_scs_section_size  }
0x9a: {  	s5 =	simm.s32 $_size__tile_overlayer_lowered;
	s6 =	simm.s32 $_tile_overlayer_lowered  }
0x9b: {  	s22 =	simm.s32 $0x1BFF;
	s21 =	sshll.u32 s6, $0x1;
	s3 =	sadd.s32 s4, s19  }
0x9c: {  	s7 =	simm.s32 $0x0;
	s20 =	sshll.u32 s5, $0x1;
	s5 =	sadd.s32 s21, s3  }
0x9d: {  	[timem:s7], [sflag:s22] =	dma.local [hbm:s5], s20  }
0x9e: {  	_ =	swait.ge [sflag:s22], s20  }
0x9f: {  	s4 =	ssub.s32 $0x0, s20;
	[sflag:s22] =	ssyncset.done $0x0  }
0xa0: {  	[sflag:s22] =	ssyncadd.s32 s4;
	_ =	sdelay $0x1  }
0xa1: {  	s23 =	simm.s32 $0x1B8B  }
0xa2: {  	_ =	swait.ge [sflag:s23], $0x1  }
0xa3: {  	[sflag:s23] =	ssyncset.done $0x0  }
0xa4: {  	s25 =	simm.s32 $0x1B8E;
	s24 =	sld [smem:$0x3FFE];
	[sflag:s23] =	ssyncadd.s32 $0xFFFFFFFF  }
0xa5: {  	s26 =	simm.s32 $execute0_lowered;
	[smem:$0x3FD2] =	sst s25  }
0xa6: {  	s5 =	sshll.u32 s26, $0x1;
	_ =	strace $0x80000046;
	[dreg:$0x1] =	wrdreg $0xFFFFFFFF  }
0xa7: {  	s28 =	simm.s32 $_size_execute0_lowered;
	s3 =	sadd.s32 s3, s5;
	[dreg:$0x0] =	wrdreg $0x0  }
0xa8: {  	s5 =	sshll.u32 s28, $0x1;
	[dreg:$0x2] =	wrdreg s3  }
0xa9: {  	[dreg:$0x3] =	wrdreg s5  }
0xaa: {  	[dreg:$0x4] =	wrdreg $0xC0  }
0xab: {  	_ =	task [dreg:s7], $0x5FFFF  }
0xac: {  	[dreg:$0x1] =	wrdreg $0xFFFFFFFF  }
0xad: {  	[dreg:$0x0] =	wrdreg $0x60  }
0xae: {  	[dreg:$0x2] =	wrdreg s24  }
0xaf: {  	[dreg:$0x3] =	wrdreg s2  }
0xb0: {  	[dreg:$0x4] =	wrdreg $0xD3980  }
0xb1: {  	[dreg:$0x5] =	wrdreg $0x9  }
0xb2: {  	_ =	task.clear_ibuf [dreg:s7], $0x6FFFF;
	_ =	strace $0x90000046  }
0xb3: {  	s29 =	simm.s32 $0x9;
	_ =	strace $0x80000048  }
0xb4: {  	_ =	swait.ge [sflag:s29], $0x1  }
0xb5: {  	[sflag:s29] =	ssyncadd.s32 $0xFFFFFFFF  }
0xb6: {  	_ =	strace $0x90000048  }
0xb7: {  	_ =	sfence  }
0xb8: {  	s30 =	sld [smem:$0x0];
	_ =	sdelay $0x2  }
0xb9: {  	s31 =	sshll.u32 s1, $0xD;
	s1 =	sshrl.u32 s1, $0x2  }
0xba: {  	s3 =	sand.u32 $0x4000, s31;
	s1 =	sadd.s32 s1, s30  }
0xbb: {  	s0 =	sor.u32 s3, s0;
	s1 =	sshll.u32 s1, $0x11  }
0xbc: {  	s0 =	sor.u32 s1, s0  }
0xbd: {  	s0 =	sadd.s32 $0x8F2B, s0  }
0xbe: {  	[sflag:s0] =	ssyncadd.remote.s32 $0x1  }
0xbf: {  	_ =	sfence.sel $0xFFFF  }
0xc0: {  	[dreg:$0x0] =	wrdreg $0xFFFFFFFF;
	(pc) =	sbr.abs _section_cstart, $3  }
0xc1: {  	[dreg:$0x1] =	wrdreg $0xFFFFFFFF  }
0xc2: {  	_ =	task.clear_ibuf [dreg:s7], $0x2FFFF;
	_ =	strace $0x9FFFFFFF  }
0xc3: {  	(tm) =	ssettm $0x7FFFFFFF  }
tec
execute0_lowered:
.L_overlay_start_1:
0x0: {  	(tag) =	ssettag $0x1  }
0x1: {  	s0 =	rddreg [dreg:$0x0]  }
0x2: {  	s1 =	srdreg.scid;
	s2 =	rddreg [dreg:$0x1]  }
0x3: {  	s9 =	stileid.u32;
	s19 =	rddreg [dreg:$0x2]  }
0x4: {  	s12 =	simm.s32 $0x158;
	s17 =	simm.s32 $0x1;
	s18 =	simm.s32 $0x2  }
0x5: {  	s1 =	sand.u32 $0x1, s1;
	s3 =	sshll.u32 s9, $0x1;
	s6 =	smul.u32 $0x13C00, s9  }
0x6: {  	s5 =	sor.u32 s1, s3;
	s3 =	simm.s32 $0x0;
	s1 =	ssub.s32 $0x2, s1  }
0x7: {  	s4 =	smul.u32 $0x28, s5;
	[smem:$0x7FF] =	sst s3;
	s8 =	sshrl.u32 s6, $0x4  }
0x8: {  	s25 =	sshrl.u32 s1, $0x1;
	s6 =	sshrl.u32 s6, $0x1;
	s5 =	smul.u32 $0xA00, s5  }
0x9: {  	_ =	strace $0x80000047;
	s1 =	ssub.s32 s1, s25;
	s6 =	sadd.s32 s6, s19  }
0xa: {  	s7 =	sadd.s32 s4, s0;
	s4 =	sadd.s32 $0x14A00, s0;
	s29 =	sadd.s32 s2, s5  }
0xb: {  	s0 =	sadd.s32 s8, s0;
	s30 =	smax.u32 s1, $0x1;
	[dreg:$0x7] =	wrdreg s29  }
.Ltmp0:
0xc: {  	s31 =	sshrl.u32 s6, $0x3;
	[dreg:$0x8] =	wrdreg s30;
	(pc) =	sbr.rel .LBB2_1-.Ltmp0, $4  }
0xd: {  	s20 =	simm.s32 $0x3;
	s0 =	sadd.s32 $0x800, s0;
	[dreg:$0x9] =	wrdreg s31  }
0xe: {  	s26 =	sshll.u32 s9, $0x6;
	s28 =	sadd.s32 $0x14400, s7;
	[dreg:$0x4] =	wrdreg s0  }
0xf: {  	s21 =	simm.s32 $0x4;
	s0 =	sor.u32 $0x1C05, s26;
	[dreg:$0x6] =	wrdreg s28  }
0x10: {  	v0 =	vimm.bf16 $-Inf;
	s5 =	simm.s32 $0x6;
	s6 =	simm.s32 $0x0;
	[dreg:$0x5] =	wrdreg s0  }
.LBB2_39:
0x11: {  	v1 =	vmax.bf16 v1, v7  }
0x12: {  	v2 =	vmax.bf16 v14, v6;
	v4 =	vmax.bf16 v8, v4;
	v3 =	vmax.bf16 v5, v3;
	s5 =	simm.s32 $0x6;
	s6 =	rddreg [dreg:$0xa]  }
.LBB2_40:
0x13: {  	_ =	swait.ge [sflag:s20], $0x4000  }
0x14: {  	[sflag:s20] =	ssyncset.done $0x0  }
0x15: {  	[sflag:s20] =	ssyncadd.s32 $0xFFFFC000  }
0x16: {  	p0 =	sle.s32 s26, s24;
	_ =	swait.ge [sflag:s18], $0x100  }
0x17: {  	s0 =	sshll.u32 @!p0 s25, $0x8;
	[sflag:s18] =	ssyncset.done $0x0  }
0x18: {  	s0 =	sshra.s32 @!p0 s0, $0x2;
	[sflag:s18] =	ssyncadd.s32 $0xFFFFFF00  }
0x19: {  	[tilespmem:s0+$0x8358] =	vst @!p0 v1  }
0x1a: {  	[tilespmem:s0+$0x8368] =	vst @!p0 v2  }
0x1b: {  	[tilespmem:s0+$0x8378] =	vst @!p0 v4  }
0x1c: {  	s1 =	simm.s32 $0x8358;
	s30 =	rddreg [dreg:$0x7];
	[tilespmem:s0+$0x8388] =	vst @!p0 v3  }
0x1d: {  	[hbm4b:s30+s3] =	stream.linear.scatter [tilespmem:s1], [sflag:$0x6], $0x5000, $0x38;
	[tilespmem:$0x17198] =	vst v63  }
0x1e: {  	_ =	swait.ge [sflag:s5], $0x5000  }
0x1f: {  	s6 =	sadd.s32 $0x1, s6;
	s31 =	rddreg [dreg:$0x8]  }
0x20: {  	p0 =	sne.s32 s6, s31  }
.Ltmp1:
0x21: {  	_ = 	snop;
	(pc) =	sbr.rel @!p0 .LBB2_41-.Ltmp1, $3  }
0x22: {  	_ =	sdelay $0x1  }
0x23: {  	[sflag:s5] =	ssyncset.done $0x0  }
0x24: {  	[sflag:s5] =	ssyncadd.s32 $0xFFFFB000  }
.LBB2_1:
0x25: {  	s0 =	rddreg [dreg:$0x4]  }
0x26: {  	s1 =	rddreg [dreg:$0x5]  }
0x27: {  	s2 =	rddreg [dreg:$0x9]  }
0x28: {  	[spmem:s2], [sflag:s1] =	dma.local [hbm:s0], $0x13C0  }
0x29: {  	s0 =	rddreg [dreg:$0x6]  }
0x2a: {  	[tilespmem:s3], [sflag:$0x6] =	stream.linear.gather [hbm4b:s0+s3], $0x158, $0x38;
	[tilespmem:$0x17198] =	vst v63  }
0x2b: {  	_ =	swait.ge [sflag:s5], $0x158  }
0x2c: {  	[sflag:s5] =	ssyncset.done $0x0  }
0x2d: {  	[sflag:s5] =	ssyncadd.s32 $0xFFFFFEA8  }
0x2e: {  	v1 =	vld [tilespmem:$0x0];
	_ =	sdelay $0x4  }
0x2f: {  	(v2sf) =	vpush v1, $0x0;
	_ =	sdelay $0xe  }
0x30: {  	s24 =	spop (v2sf)  }
0x31: {  	s29 =	sshrl.u32 s24, $0x3  }
0x32: {  	s30 =	sadd.s32 $0x100, s24;
	s0 =	sadd.s32 s4, s29  }
0x33: {  	v1 =	vld [tilespmem:$0x140];
	[tilespmem:s12], [sflag:$0x1] =	stream.linear.gather [hbm4b:s0+s3], $0x100, $0x38  }
0x34: {  	s0 =	sshrl.u32 s30, $0x3  }
0x35: {  	s31 =	simm.s32 $0x258;
	s0 =	sadd.s32 s4, s0  }
0x36: {  	[tilespmem:s31], [sflag:$0x2] =	stream.linear.gather [hbm4b:s0+s3], $0x100, $0x38;
	[tilespmem:$0x17198] =	vst v63  }
0x37: {  	s1 =	simm.s32 $0x100;
	s0 =	simm.s32 $0x0  }
.LBB2_2:
0x38: {  	p0 =	sne.s32 s1, $0x14000;
	[tilespmem:s0+$0x8388] =	vst v0;
	s2 =	smov.u32 s1;
	s1 =	sadd.s32 $0x100, s1  }
.Ltmp2:
0x39: {  	[tilespmem:s0+$0x8378] =	vst v0;
	(pc) =	sbr.rel @p0 .LBB2_2-.Ltmp2, $3  }
0x3a: {  	[tilespmem:s0+$0x8358] =	vst v0  }
0x3b: {  	[tilespmem:s0+$0x8368] =	vst v0;
	_ =	sdelay $0x1  }
0x3c: {  	s0 =	sshra.s32 s2, $0x2  }
0x3d: {  	[tilespmem:s0+$0x8388] =	vst v0  }
0x3e: {  	[tilespmem:s0+$0x8378] =	vst v0  }
0x3f: {  	[tilespmem:s0+$0x8358] =	vst v0  }
0x40: {  	[tilespmem:s0+$0x8368] =	vst v0;
	s31 =	simm.s32 $0x5  }
0x41: {  	_ =	swait.ge [sflag:s31], $0x13C0  }
0x42: {  	[sflag:s31] =	ssyncset.done $0x0  }
0x43: {  	[sflag:s31] =	ssyncadd.s32 $0xFFFFEC40  }
0x44: {  	s0 =	simm.s32 $0x1;
	[bflag:$0x0] =	sbarrier.arrive $0xFFFF  }
0x45: {  	_ =	swait.ge [sflag:s0], $0x100  }
0x46: {  	s1 =	simm.s32 $0x100;
	[sflag:s0] =	ssyncset.done $0x0  }
0x47: {  	s2 =	simm.s32 $0x358;
	s25 =	simm.s32 $0xFFFFFFFF;
	[sflag:s0] =	ssyncadd.s32 $0xFFFFFF00  }
0x48: {  	[tilespmem:s2], [sflag:$0x3] =	stream.indirect.gather [spmem:s19], $0x40, s12, s1, $0xb8;
	[tilespmem:$0x17198] =	vst v63  }
.LBB2_4:
0x49: {  	v2 =	vld [tilespmem:s0+$0x0];
	_ =	sdelay $0x4  }
0x4a: {  	(v2sf) =	vpush v2, $0x0;
	_ =	sdelay $0xd  }
0x4b: {  	s25 =	sadd.s32 $0x1, s25  }
0x4c: {  	p0 =	sgt.u32 s25, $0x13F;
	s7 =	spop (v2sf)  }
0x4d: {  	p1 =	sle.s32 @!p0 s7, s24  }
0x4e: {  	p0 =	por p0, !p1  }
.Ltmp3:
0x4f: {  	_ = 	snop;
	(pc) =	sbr.rel @!p0 .LBB2_4-.Ltmp3, $2  }
0x50: {  	_ =	sdelay $0x2  }
0x51: {  	s0 =	sadd.s32 $0x1, s0  }
0x52: {  	(v2sf) =	vpush v1, $0x0;
	_ =	sdelay $0xe  }
0x53: {  	s28 =	sand.u32 $0xFFFFFFF8, s24;
	s26 =	spop (v2sf)  }
0x54: {  	s29 =	ssub.s32 s26, s28  }
0x55: {  	s0 =	sadd.s32 $0xFF, s29  }
0x56: {  	s1 =	sand.u32 $0xFF, s0  }
0x57: {  	s2 =	sshra.s32 s0, $0x1F;
	p0 =	slt.s32 s0, $0x1;
	p1 =	sne.s32 s1, $0x0  }
0x58: {  	s22 =	sshrl.u32 s2, $0x18;
	p0 =	por !p0, !p1  }
0x59: {  	s1 =	simm.s32 $0x1;
	s0 =	sadd.s32 s22, s0;
	p0 =	por !p0, !p0  }
0x5a: {  	s0 =	sshra.s32 s0, $0x8;
	s1 =	simm.s32 @!p0 $0x0  }
0x5b: {  	s0 =	ssub.s32 s0, s1  }
0x5c: {  	s1 =	sadd.s32 $0x1, s0  }
0x5d: {  	s23 =	sand.u32 $0x1, s1  }
0x5e: {  	p5 =	slt.s32 s0, $0x0;
	p6 =	seq.s32 s23, $0x1  }
0x5f: {  	s31 =	sshrl.u32 s1, $0x1F;
	p0 =	por !p5, !p6  }
0x60: {  	s0 =	sadd.s32 s31, s1;
	s1 =	simm.s32 $0x1;
	p0 =	por !p0, !p0  }
0x61: {  	s0 =	sshra.s32 s0, $0x1;
	s1 =	simm.s32 @!p0 $0x0  }
0x62: {  	s30 =	ssub.s32 s0, s1  }
0x63: {  	p0 =	slt.s32 s30, $0x1  }
.Ltmp4:
0x64: {  	_ = 	snop;
	(pc) =	sbr.rel @p0 .LBB2_6-.Ltmp4, $1  }
0x65: {  	_ =	sdelay $0x3  }
.Ltmp5:
0x66: {  	(pc) =	sbr.rel .LBB2_8-.Ltmp5, $4  }
0x67: {  	_ = 	snop  }
0x68: {  	[dreg:$0xa] =	wrdreg s6;
	v3 =	vimm.bf16 $-Inf;
	v4 =	vimm.bf16 $-Inf  }
0x69: {  	s31 =	sadd.s32 $0x200, s24;
	s1 =	sadd.s32 $0x300, s24;
	s0 =	ssub.s32 $0x0, s28;
	v6 =	vimm.bf16 $-Inf;
	v7 =	vimm.bf16 $-Inf;
	v5 =	vimm.bf16 $-Inf  }
0x6a: {  	s22 =	ssub.s32 $0xFFFFFF00, s28;
	s5 =	sadd.s32 $0xFFFFFF00, s29;
	s6 =	simm.s32 $0x0;
	v8 =	vimm.bf16 $-Inf;
	v14 =	vimm.bf16 $-Inf;
	v1 =	vimm.bf16 $-Inf  }
.LBB2_38:
0x6b: {  	s6 =	sadd.s32 $0x1, s6  }
0x6c: {  	p0 =	sne.s32 s6, s30  }
.Ltmp6:
0x6d: {  	_ = 	snop;
	(pc) =	sbr.rel @!p0 .LBB2_39-.Ltmp6, $3  }
0x6e: {  	_ =	sdelay $0x1  }
0x6f: {  	s0 =	sadd.s32 $0xFFFFFE00, s0  }
0x70: {  	s29 =	sadd.s32 $0xFFFFFE00, s29;
	s22 =	sadd.s32 $0xFFFFFE00, s22;
	s5 =	sadd.s32 $0xFFFFFE00, s5  }
.LBB2_8:
0x71: {  	_ =	swait.ge [sflag:s18], $0x100;
	s8 =	sshll.u32 s6, $0x9  }
0x72: {  	s2 =	simm.s32 $0x258;
	s9 =	simm.s32 $0x100;
	[sflag:s18] =	ssyncset.done $0x0  }
0x73: {  	s10 =	simm.s32 $0x4358;
	s14 =	sadd.s32 s28, s8;
	[sflag:s18] =	ssyncadd.s32 $0xFFFFFF00  }
0x74: {  	[tilespmem:s10], [sflag:$0x4] =	stream.indirect.gather [spmem:s19], $0x40, s2, s9, $0xb8;
	[tilespmem:$0x17198] =	vst v63  }
0x75: {  	s9 =	ssub.s32 s26, s14  }
0x76: {  	p0 =	slt.s32 s9, $0x100  }
0x77: {  	s9 =	simm.s32 @!p0 $0x100  }
0x78: {  	s11 =	sadd.s32 s14, s9  }
0x79: {  	p1 =	sge.s32 s7, s11  }
.Ltmp7:
0x7a: {  	s15 =	smov.u32 s19;
	(pc) =	sbr.rel @p1 .LBB2_9-.Ltmp7, $4  }
0x7b: {  	s23 =	sadd.s32 s8, s31;
	s10 =	ssub.s32 s24, s14;
	_ =	swait.ge [sflag:s20], $0x4000  }
0x7c: {  	s2 =	sshrl.u32 s23, $0x3;
	[sflag:s20] =	ssyncset.done $0x0;
	p0 =	sgt.s32 s10, $0x0  }
0x7d: {  	s2 =	sadd.s32 s4, s2;
	[sflag:s20] =	ssyncadd.s32 $0xFFFFC000;
	s10 =	simm.s32 @!p0 $0x0  }
0x7e: {  	[tilespmem:s12], [sflag:$0x1] =	stream.linear.gather [hbm4b:s2+s3], $0x100, $0x38;
	[tilespmem:$0x17198] =	vst v63  }
0x7f: {  	s23 =	sadd.s32 s14, s10;
	v2 =	vmov v3  }
.LBB2_14:
0x80: {  	s2 =	smov.u32 s23;
	s23 =	smov.u32 s7  }
0x81: {  	s7 =	ssub.s32 s2, s14;
	s10 =	ssub.s32 s23, s14  }
0x82: {  	s13 =	ssub.s32 s10, s7  }
0x83: {  	p0 =	sgt.s32 s13, $0x0  }
0x84: {  	p1 =	slt.s32 s13, $0x1;
	s13 =	simm.s32 @!p0 $0x0  }
0x85: {  	s16 =	sand.u32 $0x3, s13  }
0x86: {  	p6 =	sne.s32 s16, $0x0  }
0x87: {  	p0 =	por !p1, !p6  }
0x88: {  	s16 =	simm.s32 $0x1;
	p0 =	por !p0, !p0  }
0x89: {  	s13 =	sshrl.u32 s13, $0x2;
	s16 =	simm.s32 @!p0 $0x0  }
0x8a: {  	s16 =	ssub.s32 s13, s16  }
0x8b: {  	p0 =	slt.s32 s16, $0x1  }
.Ltmp8:
0x8c: {  	_ = 	snop;
	(pc) =	sbr.rel @p0 .LBB2_18-.Ltmp8, $2  }
0x8d: {  	_ =	sdelay $0x2  }
0x8e: {  	s19 =	sadd.s32 s2, s0  }
0x8f: {  	s2 =	sshll.u32 s19, $0x8  }
0x90: {  	s2 =	sshra.s32 s2, $0x2  }
0x91: {  	s2 =	sadd.s32 $0x3D8, s2  }
0x92: {  	v12 =	vld [tilespmem:s2+$0x0]  }
0x93: {  	v13 =	vld [tilespmem:s2+$0x10]  }
0x94: {  	v3 =	vld [tilespmem:s2+$0x20]  }
0x95: {  	v11 =	vld [tilespmem:s2+$0x30]  }
0x96: {  	v15 =	vld [tilespmem:s2+$0x40]  }
0x97: {  	v9 =	vld [tilespmem:s2+$0x50]  }
0x98: {  	v10 =	vld [tilespmem:s2+$0x60]  }
0x99: {  	v22 =	vld [tilespmem:s2+$0xFFFFFF80]  }
0x9a: {  	v23 =	vld [tilespmem:s2+$0xFFFFFF90]  }
0x9b: {  	p0 =	sne.s32 s16, $0x1;
	v19 =	vld [tilespmem:s2+$0xFFFFFFA0]  }
.Ltmp9:
0x9c: {  	v20 =	vld [tilespmem:s2+$0xFFFFFFB0];
	(pc) =	sbr.rel @!p0 .LBB2_17-.Ltmp9, $4  }
0x9d: {  	v21 =	vld [tilespmem:s2+$0xFFFFFFC0]  }
0x9e: {  	v16 =	vld [tilespmem:s2+$0xFFFFFFD0]  }
0x9f: {  	v17 =	vld [tilespmem:s2+$0xFFFFFFE0]  }
0xa0: {  	s13 =	sadd.s32 $0xFFFFFFFF, s16;
	v18 =	vld [tilespmem:s2+$0xFFFFFFF0]  }
.LBB2_16:
0xa1: {  	p0 =	sne.s32 s13, $0x1;
	v1 =	vmax.bf16 v1, v22;
	v14 =	vmax.bf16 v14, v23;
	v22 =	vld [tilespmem:s2+$0x70];
	s2 =	sadd.s32 $0x100, s2  }
0xa2: {  	v1 =	vmax.bf16 v1, v12;
	v12 =	vld [tilespmem:s2+$0x0];
	v14 =	vmax.bf16 v14, v13  }
0xa3: {  	v8 =	vmax.bf16 v8, v19;
	v5 =	vmax.bf16 v5, v20;
	v7 =	vmax.bf16 v7, v21;
	v13 =	vld [tilespmem:s2+$0x10]  }
0xa4: {  	v8 =	vmax.bf16 v8, v3;
	v5 =	vmax.bf16 v5, v11;
	v7 =	vmax.bf16 v7, v15;
	v3 =	vld [tilespmem:s2+$0x20]  }
0xa5: {  	v6 =	vmax.bf16 v6, v16;
	v4 =	vmax.bf16 v4, v17;
	v11 =	vld [tilespmem:s2+$0x30];
	v2 =	vmax.bf16 v2, v18  }
0xa6: {  	v6 =	vmax.bf16 v6, v9;
	v4 =	vmax.bf16 v4, v10;
	v15 =	vld [tilespmem:s2+$0x40];
	v2 =	vmax.bf16 v2, v22  }
0xa7: {  	v9 =	vld [tilespmem:s2+$0x50]  }
0xa8: {  	v10 =	vld [tilespmem:s2+$0x60]  }
0xa9: {  	v22 =	vld [tilespmem:s2+$0xFFFFFF80]  }
0xaa: {  	v23 =	vld [tilespmem:s2+$0xFFFFFF90]  }
0xab: {  	v19 =	vld [tilespmem:s2+$0xFFFFFFA0]  }
.Ltmp10:
0xac: {  	v20 =	vld [tilespmem:s2+$0xFFFFFFB0];
	(pc) =	sbr.rel @p0 .LBB2_16-.Ltmp10, $4  }
0xad: {  	v21 =	vld [tilespmem:s2+$0xFFFFFFC0]  }
0xae: {  	v16 =	vld [tilespmem:s2+$0xFFFFFFD0]  }
0xaf: {  	v17 =	vld [tilespmem:s2+$0xFFFFFFE0]  }
0xb0: {  	s13 =	sadd.s32 $0xFFFFFFFF, s13;
	v18 =	vld [tilespmem:s2+$0xFFFFFFF0]  }
.LBB2_17:
0xb1: {  	v1 =	vmax.bf16 v1, v22;
	v63 =	vld [tilespmem:s2+$0x70]  }
0xb2: {  	v14 =	vmax.bf16 v14, v23;
	v8 =	vmax.bf16 v8, v19;
	v5 =	vmax.bf16 v5, v20  }
0xb3: {  	v1 =	vmax.bf16 v1, v12;
	v14 =	vmax.bf16 v14, v13;
	v7 =	vmax.bf16 v7, v21  }
0xb4: {  	v8 =	vmax.bf16 v8, v3;
	v5 =	vmax.bf16 v5, v11;
	v7 =	vmax.bf16 v7, v15  }
0xb5: {  	v3 =	vmax.bf16 v6, v16;
	v4 =	vmax.bf16 v4, v17;
	v2 =	vmax.bf16 v2, v18  }
0xb6: {  	v6 =	vmax.bf16 v3, v9;
	v4 =	vmax.bf16 v4, v10;
	v2 =	vmax.bf16 v2, v63  }
.LBB2_18:
0xb7: {  	s13 =	sshll.u32 s16, $0x2  }
0xb8: {  	s2 =	sadd.s32 s7, s13  }
0xb9: {  	p0 =	sge.s32 s2, s10  }
.Ltmp11:
0xba: {  	_ = 	snop;
	(pc) =	sbr.rel @p0 .LBB2_21-.Ltmp11, $1  }
0xbb: {  	_ =	sdelay $0x3  }
0xbc: {  	s7 =	sadd.s32 s13, s19  }
0xbd: {  	s7 =	sshll.u32 s7, $0x8  }
0xbe: {  	s7 =	sshra.s32 s7, $0x2  }
0xbf: {  	s7 =	sadd.s32 $0x378, s7  }
.LBB2_20:
0xc0: {  	v3 =	vld [tilespmem:s7+$0xFFFFFFE0]  }
0xc1: {  	v9 =	vld [tilespmem:s7+$0xFFFFFFF0]  }
0xc2: {  	v10 =	vld [tilespmem:s7+$0x0];
	s2 =	sadd.s32 $0x1, s2  }
0xc3: {  	v11 =	vld [tilespmem:s7+$0x10];
	p0 =	slt.s32 s2, s10  }
.Ltmp12:
0xc4: {  	_ = 	snop;
	(pc) =	sbr.rel @p0 .LBB2_20-.Ltmp12, $4  }
0xc5: {  	_ = 	snop  }
0xc6: {  	v12 =	vmov v1;
	v13 =	vmov v14;
	v15 =	vmov v8  }
0xc7: {  	v16 =	vmovc v5;
	v1 =	vmovc v7;
	v14 =	vmov v6;
	v8 =	vmov v4;
	v7 =	vmax.bf16 v12, v3  }
0xc8: {  	v5 =	vmovc v2;
	s7 =	sadd.s32 $0x40, s7;
	v6 =	vmax.bf16 v13, v9;
	v4 =	vmax.bf16 v15, v10;
	v2 =	vmax.bf16 v16, v11  }
.LBB2_21:
0xc9: {  	s2 =	sshll.u32 s25, $0x8  }
0xca: {  	v1 =	vmax.bf16 v1, v7;
	s2 =	sshra.s32 s2, $0x2  }
0xcb: {  	[tilespmem:s2+$0x8358] =	vst v1;
	v1 =	vmax.bf16 v14, v6  }
0xcc: {  	s7 =	sshll.u32 s25, $0x2;
	[tilespmem:s2+$0x8368] =	vst v1;
	v1 =	vmax.bf16 v8, v4  }
0xcd: {  	s7 =	sshra.s32 s7, $0x2;
	[tilespmem:s2+$0x8378] =	vst v1;
	v1 =	vmax.bf16 v5, v2  }
0xce: {  	[tilespmem:s2+$0x8388] =	vst v1;
	s2 =	sadd.s32 $0x2, s7  }
.LBB2_22:
0xcf: {  	v1 =	vld [tilespmem:s2+$0x0];
	_ =	sdelay $0x4  }
0xd0: {  	(v2sf) =	vpush v1, $0x0;
	_ =	sdelay $0xd  }
0xd1: {  	s25 =	sadd.s32 $0x1, s25  }
0xd2: {  	p0 =	sgt.s32 s25, $0x13F;
	s7 =	spop (v2sf)  }
0xd3: {  	p1 =	sle.s32 @!p0 s7, s23  }
0xd4: {  	p0 =	por p0, !p1  }
.Ltmp13:
0xd5: {  	_ = 	snop;
	(pc) =	sbr.rel @!p0 .LBB2_22-.Ltmp13, $2  }
0xd6: {  	_ =	sdelay $0x2  }
0xd7: {  	s2 =	sadd.s32 $0x1, s2  }
0xd8: {  	p0 =	sge.s32 s7, s11  }
.Ltmp14:
0xd9: {  	v2 =	vimm.bf16 $-Inf;
	v4 =	vimm.bf16 $-Inf;
	v6 =	vimm.bf16 $-Inf;
	(pc) =	sbr.rel @!p0 .LBB2_14-.Ltmp14, $4  }
.Ltmp15:
0xda: {  	v7 =	vimm.bf16 $-Inf;
	v5 =	vimm.bf16 $-Inf;
	v8 =	vimm.bf16 $-Inf;
	(pc) =	sbr.rel @p0 .LBB2_10-.Ltmp15, $4  }
0xdb: {  	v14 =	vimm.bf16 $-Inf;
	v1 =	vimm.bf16 $-Inf;
	v15 =	vimm.bf16 $-Inf  }
0xdc: {  	v12 =	vimm.bf16 $-Inf;
	v10 =	vimm.bf16 $-Inf;
	v11 =	vimm.bf16 $-Inf  }
0xdd: {  	v13 =	vimm.bf16 $-Inf;
	v9 =	vimm.bf16 $-Inf;
	v3 =	vimm.bf16 $-Inf  }
0xde: {  	_ = 	snop  }
.LBB2_9:
0xdf: {  	v2 =	vmov v1;
	v15 =	vmov v14  }
0xe0: {  	v12 =	vmovc v8;
	v10 =	vmovc v5;
	v11 =	vmov v7;
	v13 =	vmov v6;
	v9 =	vmov v4  }
.LBB2_10:
0xe1: {  	s2 =	ssub.s32 s9, s10  }
0xe2: {  	p0 =	sgt.s32 s2, $0x0  }
0xe3: {  	p1 =	slt.s32 s2, $0x1;
	s2 =	simm.s32 @!p0 $0x0  }
0xe4: {  	s11 =	sand.u32 $0x3, s2  }
0xe5: {  	p6 =	sne.s32 s11, $0x0  }
0xe6: {  	p0 =	por !p1, !p6  }
0xe7: {  	s11 =	simm.s32 $0x1;
	p0 =	por !p0, !p0  }
0xe8: {  	s2 =	sshrl.u32 s2, $0x2;
	s11 =	simm.s32 @!p0 $0x0  }
0xe9: {  	s14 =	ssub.s32 s2, s11  }
0xea: {  	p1 =	slt.s32 s14, $0x1  }
.Ltmp16:
0xeb: {  	_ = 	snop;
	(pc) =	sbr.rel @p1 .LBB2_11-.Ltmp16, $2  }
0xec: {  	_ =	sdelay $0x2  }
0xed: {  	s11 =	sshll.u32 s10, $0x8  }
0xee: {  	s2 =	sshra.s32 s11, $0x2  }
0xef: {  	s13 =	sadd.s32 $0x3D8, s2  }
0xf0: {  	v7 =	vld [tilespmem:s13+$0x0]  }
0xf1: {  	v8 =	vld [tilespmem:s13+$0x10]  }
0xf2: {  	v1 =	vld [tilespmem:s13+$0x20]  }
0xf3: {  	v6 =	vld [tilespmem:s13+$0x30]  }
0xf4: {  	v14 =	vld [tilespmem:s13+$0x40]  }
0xf5: {  	v4 =	vld [tilespmem:s13+$0x50]  }
0xf6: {  	v5 =	vld [tilespmem:s13+$0x60]  }
0xf7: {  	v19 =	vld [tilespmem:s13+$0xFFFFFF80]  }
0xf8: {  	v23 =	vld [tilespmem:s13+$0xFFFFFF90]  }
0xf9: {  	v20 =	vld [tilespmem:s13+$0xFFFFFFA0]  }
0xfa: {  	p1 =	sgt.s32 s14, $0x1;
	v21 =	vld [tilespmem:s13+$0xFFFFFFB0]  }
.Ltmp17:
0xfb: {  	v22 =	vld [tilespmem:s13+$0xFFFFFFC0];
	(pc) =	sbr.rel @!p1 .LBB2_25-.Ltmp17, $4  }
0xfc: {  	v16 =	vld [tilespmem:s13+$0xFFFFFFD0]  }
0xfd: {  	v17 =	vld [tilespmem:s13+$0xFFFFFFE0]  }
0xfe: {  	v18 =	vld [tilespmem:s13+$0xFFFFFFF0]  }
0xff: {  	s2 =	simm.s32 $0x1;
	v2 =	vmax.bf16 v2, v19;
	v15 =	vmax.bf16 v15, v23;
	v19 =	vld [tilespmem:s13+$0x70];
	s13 =	sadd.s32 $0x100, s13  }
.LBB2_24:
0x100: {  	v2 =	vmax.bf16 v2, v7;
	v7 =	vld [tilespmem:s13+$0x0];
	v15 =	vmax.bf16 v15, v8  }
0x101: {  	v12 =	vmax.bf16 v12, v20;
	v10 =	vmax.bf16 v10, v21;
	v11 =	vmax.bf16 v11, v22;
	v8 =	vld [tilespmem:s13+$0x10]  }
0x102: {  	v12 =	vmax.bf16 v12, v1;
	v10 =	vmax.bf16 v10, v6;
	v11 =	vmax.bf16 v11, v14;
	v1 =	vld [tilespmem:s13+$0x20]  }
0x103: {  	v13 =	vmax.bf16 v13, v16;
	v9 =	vmax.bf16 v9, v17;
	v6 =	vld [tilespmem:s13+$0x30];
	v3 =	vmax.bf16 v3, v18  }
0x104: {  	v13 =	vmax.bf16 v13, v4;
	v9 =	vmax.bf16 v9, v5;
	v14 =	vld [tilespmem:s13+$0x40];
	v3 =	vmax.bf16 v3, v19  }
0x105: {  	v4 =	vld [tilespmem:s13+$0x50]  }
0x106: {  	v5 =	vld [tilespmem:s13+$0x60]  }
0x107: {  	v19 =	vld [tilespmem:s13+$0xFFFFFF80]  }
0x108: {  	v23 =	vld [tilespmem:s13+$0xFFFFFF90]  }
0x109: {  	s2 =	sadd.s32 $0x1, s2;
	v20 =	vld [tilespmem:s13+$0xFFFFFFA0]  }
0x10a: {  	p1 =	slt.s32 s2, s14;
	v21 =	vld [tilespmem:s13+$0xFFFFFFB0]  }
.Ltmp18:
0x10b: {  	v22 =	vld [tilespmem:s13+$0xFFFFFFC0];
	(pc) =	sbr.rel @p1 .LBB2_24-.Ltmp18, $4  }
0x10c: {  	v16 =	vld [tilespmem:s13+$0xFFFFFFD0]  }
0x10d: {  	v17 =	vld [tilespmem:s13+$0xFFFFFFE0]  }
0x10e: {  	v18 =	vld [tilespmem:s13+$0xFFFFFFF0]  }
0x10f: {  	v2 =	vmax.bf16 v2, v19;
	v15 =	vmax.bf16 v15, v23;
	v19 =	vld [tilespmem:s13+$0x70];
	s13 =	sadd.s32 $0x100, s13  }
.LBB2_25:
.Ltmp19:
0x110: {  	v2 =	vmax.bf16 v2, v7;
	v15 =	vmax.bf16 v15, v8;
	(pc) =	sbr.rel .LBB2_26-.Ltmp19, $4  }
0x111: {  	v62 =	vmax.bf16 v12, v20;
	v8 =	vmax.bf16 v10, v21;
	v11 =	vmax.bf16 v11, v22  }
0x112: {  	v12 =	vmax.bf16 v62, v1;
	v10 =	vmax.bf16 v8, v6;
	v11 =	vmax.bf16 v11, v14  }
0x113: {  	v1 =	vmax.bf16 v13, v16;
	v63 =	vmax.bf16 v9, v17;
	v3 =	vmax.bf16 v3, v18  }
0x114: {  	s19 =	smov.u32 s15;
	v13 =	vmax.bf16 v1, v4;
	v9 =	vmax.bf16 v63, v5;
	v3 =	vmax.bf16 v3, v19  }
.LBB2_11:
0x115: {  	s19 =	smov.u32 s15  }
.LBB2_26:
0x116: {  	s2 =	sshll.u32 s14, $0x2  }
0x117: {  	s2 =	sadd.s32 s10, s2  }
0x118: {  	p1 =	sge.s32 s2, s9  }
.Ltmp20:
0x119: {  	_ = 	snop;
	(pc) =	sbr.rel @p1 .LBB2_29-.Ltmp20, $1  }
0x11a: {  	_ =	sdelay $0x3  }
0x11b: {  	p1 =	slt.s32 s29, $0x100;
	s13 =	smov.u32 s29  }
0x11c: {  	s13 =	simm.s32 @!p1 $0x100  }
0x11d: {  	s10 =	ssub.s32 s13, s10  }
0x11e: {  	p1 =	sgt.s32 s10, $0x0  }
0x11f: {  	s13 =	simm.s32 $0xFFFFFFFF;
	s10 =	simm.s32 @!p1 $0x0  }
0x120: {  	s13 =	simm.s32 @!p0 $0x0;
	s10 =	sshrl.u32 s10, $0x2  }
0x121: {  	s10 =	sadd.s32 s13, s10  }
0x122: {  	s10 =	sshll.u32 s10, $0xA  }
0x123: {  	s10 =	sadd.s32 s11, s10  }
0x124: {  	s10 =	sshra.s32 s10, $0x2  }
0x125: {  	s10 =	sadd.s32 $0x378, s10  }
.LBB2_28:
0x126: {  	v1 =	vld [tilespmem:s10+$0xFFFFFFE0]  }
0x127: {  	v4 =	vld [tilespmem:s10+$0xFFFFFFF0]  }
0x128: {  	v5 =	vld [tilespmem:s10+$0x0];
	s2 =	sadd.s32 $0x1, s2  }
0x129: {  	v6 =	vld [tilespmem:s10+$0x10];
	p0 =	slt.s32 s2, s9  }
.Ltmp21:
0x12a: {  	_ = 	snop;
	(pc) =	sbr.rel @p0 .LBB2_28-.Ltmp21, $4  }
0x12b: {  	_ = 	snop  }
0x12c: {  	v7 =	vmov v2;
	v8 =	vmov v15;
	v14 =	vmov v12  }
0x12d: {  	v16 =	vmovc v10;
	v2 =	vmovc v11;
	v15 =	vmov v13;
	v12 =	vmov v9;
	v11 =	vmax.bf16 v7, v1  }
0x12e: {  	v10 =	vmovc v3;
	s10 =	sadd.s32 $0x40, s10;
	v13 =	vmax.bf16 v8, v4;
	v9 =	vmax.bf16 v14, v5;
	v3 =	vmax.bf16 v16, v6  }
.LBB2_29:
0x12f: {  	_ =	swait.ge [sflag:s17], $0x100;
	s2 =	simm.s32 $0x100;
	s23 =	sadd.s32 s8, s28  }
0x130: {  	s9 =	simm.s32 $0x358;
	[sflag:s17] =	ssyncset.done $0x0;
	s10 =	sadd.s32 $0x100, s23  }
0x131: {  	s15 =	sadd.s32 s8, s1;
	[sflag:s17] =	ssyncadd.s32 $0xFFFFFF00;
	s8 =	ssub.s32 s26, s10  }
0x132: {  	[tilespmem:s9], [sflag:$0x3] =	stream.indirect.gather [spmem:s19], $0x40, s12, s2, $0xb8;
	[tilespmem:$0x17198] =	vst v63  }
0x133: {  	p0 =	slt.s32 s8, $0x100  }
0x134: {  	s8 =	simm.s32 @!p0 $0x100  }
0x135: {  	s11 =	sadd.s32 s10, s8  }
0x136: {  	p1 =	sge.s32 s7, s11  }
.Ltmp22:
0x137: {  	_ = 	snop;
	(pc) =	sbr.rel @p1 .LBB2_30-.Ltmp22, $4  }
0x138: {  	s16 =	simm.s32 $0x258;
	s9 =	ssub.s32 s24, s10;
	_ =	swait.ge [sflag:s21], $0x4000  }
0x139: {  	s2 =	sshrl.u32 s15, $0x3;
	p0 =	sgt.s32 s9, $0x0;
	[sflag:s21] =	ssyncset.done $0x0  }
0x13a: {  	s2 =	sadd.s32 s4, s2;
	s9 =	simm.s32 @!p0 $0x0;
	[sflag:s21] =	ssyncadd.s32 $0xFFFFC000  }
0x13b: {  	[tilespmem:s16], [sflag:$0x2] =	stream.linear.gather [hbm4b:s2+s3], $0x100, $0x38;
	[tilespmem:$0x17198] =	vst v63  }
0x13c: {  	s14 =	sadd.s32 s10, s9;
	v1 =	vmov v3  }
.LBB2_44:
0x13d: {  	s2 =	smov.u32 s14;
	s14 =	smov.u32 s7  }
0x13e: {  	s7 =	ssub.s32 s2, s10;
	s9 =	ssub.s32 s14, s10  }
0x13f: {  	s13 =	ssub.s32 s9, s7  }
0x140: {  	p0 =	sgt.s32 s13, $0x0  }
0x141: {  	p1 =	slt.s32 s13, $0x1;
	s13 =	simm.s32 @!p0 $0x0  }
0x142: {  	s16 =	sand.u32 $0x3, s13  }
0x143: {  	p6 =	sne.s32 s16, $0x0  }
0x144: {  	p0 =	por !p1, !p6  }
0x145: {  	s16 =	simm.s32 $0x1;
	p0 =	por !p0, !p0  }
0x146: {  	s13 =	sshrl.u32 s13, $0x2;
	s16 =	simm.s32 @!p0 $0x0  }
0x147: {  	s16 =	ssub.s32 s13, s16  }
0x148: {  	p0 =	slt.s32 s16, $0x1  }
.Ltmp23:
0x149: {  	_ = 	snop;
	(pc) =	sbr.rel @p0 .LBB2_48-.Ltmp23, $2  }
0x14a: {  	_ =	sdelay $0x2  }
0x14b: {  	s23 =	sadd.s32 s2, s22  }
0x14c: {  	s2 =	sshll.u32 s23, $0x8  }
0x14d: {  	s2 =	sshra.s32 s2, $0x2  }
0x14e: {  	s2 =	sadd.s32 $0x43D8, s2  }
0x14f: {  	v7 =	vld [tilespmem:s2+$0x0]  }
0x150: {  	v8 =	vld [tilespmem:s2+$0x10]  }
0x151: {  	v3 =	vld [tilespmem:s2+$0x20]  }
0x152: {  	v6 =	vld [tilespmem:s2+$0x30]  }
0x153: {  	v14 =	vld [tilespmem:s2+$0x40]  }
0x154: {  	v4 =	vld [tilespmem:s2+$0x50]  }
0x155: {  	v5 =	vld [tilespmem:s2+$0x60]  }
0x156: {  	v22 =	vld [tilespmem:s2+$0xFFFFFF80]  }
0x157: {  	v23 =	vld [tilespmem:s2+$0xFFFFFF90]  }
0x158: {  	p0 =	sne.s32 s16, $0x1;
	v19 =	vld [tilespmem:s2+$0xFFFFFFA0]  }
.Ltmp24:
0x159: {  	v20 =	vld [tilespmem:s2+$0xFFFFFFB0];
	(pc) =	sbr.rel @!p0 .LBB2_47-.Ltmp24, $4  }
0x15a: {  	v21 =	vld [tilespmem:s2+$0xFFFFFFC0]  }
0x15b: {  	v16 =	vld [tilespmem:s2+$0xFFFFFFD0]  }
0x15c: {  	v17 =	vld [tilespmem:s2+$0xFFFFFFE0]  }
0x15d: {  	s13 =	sadd.s32 $0xFFFFFFFF, s16;
	v18 =	vld [tilespmem:s2+$0xFFFFFFF0]  }
.LBB2_46:
0x15e: {  	p0 =	sne.s32 s13, $0x1;
	v2 =	vmax.bf16 v2, v22;
	v15 =	vmax.bf16 v15, v23;
	v22 =	vld [tilespmem:s2+$0x70];
	s2 =	sadd.s32 $0x100, s2  }
0x15f: {  	v2 =	vmax.bf16 v2, v7;
	v7 =	vld [tilespmem:s2+$0x0];
	v15 =	vmax.bf16 v15, v8  }
0x160: {  	v12 =	vmax.bf16 v12, v19;
	v10 =	vmax.bf16 v10, v20;
	v11 =	vmax.bf16 v11, v21;
	v8 =	vld [tilespmem:s2+$0x10]  }
0x161: {  	v12 =	vmax.bf16 v12, v3;
	v10 =	vmax.bf16 v10, v6;
	v11 =	vmax.bf16 v11, v14;
	v3 =	vld [tilespmem:s2+$0x20]  }
0x162: {  	v13 =	vmax.bf16 v13, v16;
	v9 =	vmax.bf16 v9, v17;
	v6 =	vld [tilespmem:s2+$0x30];
	v1 =	vmax.bf16 v1, v18  }
0x163: {  	v13 =	vmax.bf16 v13, v4;
	v9 =	vmax.bf16 v9, v5;
	v14 =	vld [tilespmem:s2+$0x40];
	v1 =	vmax.bf16 v1, v22  }
0x164: {  	v4 =	vld [tilespmem:s2+$0x50]  }
0x165: {  	v5 =	vld [tilespmem:s2+$0x60]  }
0x166: {  	v22 =	vld [tilespmem:s2+$0xFFFFFF80]  }
0x167: {  	v23 =	vld [tilespmem:s2+$0xFFFFFF90]  }
0x168: {  	v19 =	vld [tilespmem:s2+$0xFFFFFFA0]  }
.Ltmp25:
0x169: {  	v20 =	vld [tilespmem:s2+$0xFFFFFFB0];
	(pc) =	sbr.rel @p0 .LBB2_46-.Ltmp25, $4  }
0x16a: {  	v21 =	vld [tilespmem:s2+$0xFFFFFFC0]  }
0x16b: {  	v16 =	vld [tilespmem:s2+$0xFFFFFFD0]  }
0x16c: {  	v17 =	vld [tilespmem:s2+$0xFFFFFFE0]  }
0x16d: {  	s13 =	sadd.s32 $0xFFFFFFFF, s13;
	v18 =	vld [tilespmem:s2+$0xFFFFFFF0]  }
.LBB2_47:
0x16e: {  	v2 =	vmax.bf16 v2, v22;
	v61 =	vld [tilespmem:s2+$0x70]  }
0x16f: {  	v15 =	vmax.bf16 v15, v23;
	v62 =	vmax.bf16 v12, v19;
	v2 =	vmax.bf16 v2, v7  }
0x170: {  	v15 =	vmax.bf16 v15, v8;
	v8 =	vmax.bf16 v10, v20;
	v11 =	vmax.bf16 v11, v21  }
0x171: {  	v12 =	vmax.bf16 v62, v3;
	v10 =	vmax.bf16 v8, v6;
	v11 =	vmax.bf16 v11, v14  }
0x172: {  	v3 =	vmax.bf16 v13, v16;
	v63 =	vmax.bf16 v9, v17;
	v1 =	vmax.bf16 v1, v18  }
0x173: {  	v13 =	vmax.bf16 v3, v4;
	v9 =	vmax.bf16 v63, v5;
	v1 =	vmax.bf16 v1, v61  }
.LBB2_48:
0x174: {  	s13 =	sshll.u32 s16, $0x2  }
0x175: {  	s2 =	sadd.s32 s7, s13  }
0x176: {  	p0 =	sge.s32 s2, s9  }
.Ltmp26:
0x177: {  	_ = 	snop;
	(pc) =	sbr.rel @p0 .LBB2_51-.Ltmp26, $1  }
0x178: {  	_ =	sdelay $0x3  }
0x179: {  	s7 =	sadd.s32 s13, s23  }
0x17a: {  	s7 =	sshll.u32 s7, $0x8  }
0x17b: {  	s7 =	sshra.s32 s7, $0x2  }
0x17c: {  	s7 =	sadd.s32 $0x4378, s7  }
.LBB2_50:
0x17d: {  	v3 =	vld [tilespmem:s7+$0xFFFFFFE0]  }
0x17e: {  	v4 =	vld [tilespmem:s7+$0xFFFFFFF0]  }
0x17f: {  	v5 =	vld [tilespmem:s7+$0x0];
	s2 =	sadd.s32 $0x1, s2  }
0x180: {  	v6 =	vld [tilespmem:s7+$0x10];
	p0 =	slt.s32 s2, s9  }
.Ltmp27:
0x181: {  	_ = 	snop;
	(pc) =	sbr.rel @p0 .LBB2_50-.Ltmp27, $4  }
0x182: {  	_ = 	snop  }
0x183: {  	v7 =	vmov v2;
	v8 =	vmov v15;
	v14 =	vmov v12  }
0x184: {  	v16 =	vmovc v10;
	v2 =	vmovc v11;
	v15 =	vmov v13;
	v12 =	vmov v9;
	v11 =	vmax.bf16 v7, v3  }
0x185: {  	v10 =	vmovc v1;
	s7 =	sadd.s32 $0x40, s7;
	v13 =	vmax.bf16 v8, v4;
	v9 =	vmax.bf16 v14, v5;
	v1 =	vmax.bf16 v16, v6  }
.LBB2_51:
0x186: {  	s2 =	sshll.u32 s25, $0x8  }
0x187: {  	v2 =	vmax.bf16 v2, v11;
	s2 =	sshra.s32 s2, $0x2  }
0x188: {  	v1 =	vmax.bf16 v10, v1;
	[tilespmem:s2+$0x8358] =	vst v2  }
0x189: {  	s7 =	sshll.u32 s25, $0x2;
	v2 =	vmax.bf16 v15, v13;
	[tilespmem:s2+$0x8388] =	vst v1  }
0x18a: {  	s7 =	sshra.s32 s7, $0x2;
	[tilespmem:s2+$0x8368] =	vst v2;
	v2 =	vmax.bf16 v12, v9  }
0x18b: {  	[tilespmem:s2+$0x8378] =	vst v2;
	s2 =	sadd.s32 $0x2, s7  }
.LBB2_52:
0x18c: {  	v1 =	vld [tilespmem:s2+$0x0];
	_ =	sdelay $0x4  }
0x18d: {  	(v2sf) =	vpush v1, $0x0;
	_ =	sdelay $0xd  }
0x18e: {  	s25 =	sadd.s32 $0x1, s25  }
0x18f: {  	p0 =	sgt.s32 s25, $0x13F;
	s7 =	spop (v2sf)  }
0x190: {  	p1 =	sle.s32 @!p0 s7, s14  }
0x191: {  	p0 =	por p0, !p1  }
.Ltmp28:
0x192: {  	_ = 	snop;
	(pc) =	sbr.rel @!p0 .LBB2_52-.Ltmp28, $2  }
0x193: {  	_ =	sdelay $0x2  }
0x194: {  	s2 =	sadd.s32 $0x1, s2  }
0x195: {  	p0 =	sge.s32 s7, s11  }
.Ltmp29:
0x196: {  	v1 =	vimm.bf16 $-Inf;
	v9 =	vimm.bf16 $-Inf;
	v13 =	vimm.bf16 $-Inf;
	(pc) =	sbr.rel @!p0 .LBB2_44-.Ltmp29, $4  }
.Ltmp30:
0x197: {  	v11 =	vimm.bf16 $-Inf;
	v10 =	vimm.bf16 $-Inf;
	v12 =	vimm.bf16 $-Inf;
	(pc) =	sbr.rel @p0 .LBB2_31-.Ltmp30, $4  }
0x198: {  	v15 =	vimm.bf16 $-Inf;
	v2 =	vimm.bf16 $-Inf;
	v14 =	vimm.bf16 $-Inf  }
0x199: {  	v8 =	vimm.bf16 $-Inf;
	v5 =	vimm.bf16 $-Inf;
	v7 =	vimm.bf16 $-Inf  }
0x19a: {  	v6 =	vimm.bf16 $-Inf;
	v4 =	vimm.bf16 $-Inf;
	v3 =	vimm.bf16 $-Inf  }
0x19b: {  	_ = 	snop  }
.LBB2_30:
0x19c: {  	v1 =	vmov v2;
	v14 =	vmov v15  }
0x19d: {  	v8 =	vmovc v12;
	v5 =	vmovc v10;
	v7 =	vmov v11;
	v6 =	vmov v13;
	v4 =	vmov v9  }
.LBB2_31:
0x19e: {  	s2 =	ssub.s32 s8, s9  }
0x19f: {  	p0 =	sgt.s32 s2, $0x0  }
0x1a0: {  	p1 =	slt.s32 s2, $0x1;
	s2 =	simm.s32 @!p0 $0x0  }
0x1a1: {  	s10 =	sand.u32 $0x3, s2  }
0x1a2: {  	p6 =	sne.s32 s10, $0x0  }
0x1a3: {  	p0 =	por !p1, !p6  }
0x1a4: {  	s10 =	simm.s32 $0x1;
	p0 =	por !p0, !p0  }
0x1a5: {  	s2 =	sshrl.u32 s2, $0x2;
	s10 =	simm.s32 @!p0 $0x0  }
0x1a6: {  	s11 =	ssub.s32 s2, s10  }
0x1a7: {  	p1 =	slt.s32 s11, $0x1  }
.Ltmp31:
0x1a8: {  	_ = 	snop;
	(pc) =	sbr.rel @p1 .LBB2_35-.Ltmp31, $2  }
0x1a9: {  	_ =	sdelay $0x2  }
0x1aa: {  	s10 =	sshll.u32 s9, $0x8  }
0x1ab: {  	s2 =	sshra.s32 s10, $0x2  }
0x1ac: {  	s13 =	sadd.s32 $0x43D8, s2  }
0x1ad: {  	v12 =	vld [tilespmem:s13+$0x0]  }
0x1ae: {  	v13 =	vld [tilespmem:s13+$0x10]  }
0x1af: {  	v2 =	vld [tilespmem:s13+$0x20]  }
0x1b0: {  	v11 =	vld [tilespmem:s13+$0x30]  }
0x1b1: {  	v15 =	vld [tilespmem:s13+$0x40]  }
0x1b2: {  	v9 =	vld [tilespmem:s13+$0x50]  }
0x1b3: {  	v10 =	vld [tilespmem:s13+$0x60]  }
0x1b4: {  	v19 =	vld [tilespmem:s13+$0xFFFFFF80]  }
0x1b5: {  	v23 =	vld [tilespmem:s13+$0xFFFFFF90]  }
0x1b6: {  	v20 =	vld [tilespmem:s13+$0xFFFFFFA0]  }
0x1b7: {  	p1 =	sgt.s32 s11, $0x1;
	v21 =	vld [tilespmem:s13+$0xFFFFFFB0]  }
.Ltmp32:
0x1b8: {  	v22 =	vld [tilespmem:s13+$0xFFFFFFC0];
	(pc) =	sbr.rel @!p1 .LBB2_34-.Ltmp32, $4  }
0x1b9: {  	v16 =	vld [tilespmem:s13+$0xFFFFFFD0]  }
0x1ba: {  	v17 =	vld [tilespmem:s13+$0xFFFFFFE0]  }
0x1bb: {  	v18 =	vld [tilespmem:s13+$0xFFFFFFF0]  }
0x1bc: {  	s2 =	simm.s32 $0x1;
	v1 =	vmax.bf16 v1, v19;
	v14 =	vmax.bf16 v14, v23;
	v19 =	vld [tilespmem:s13+$0x70];
	s13 =	sadd.s32 $0x100, s13  }
.LBB2_33:
0x1bd: {  	v1 =	vmax.bf16 v1, v12;
	v12 =	vld [tilespmem:s13+$0x0];
	v14 =	vmax.bf16 v14, v13  }
0x1be: {  	v8 =	vmax.bf16 v8, v20;
	v5 =	vmax.bf16 v5, v21;
	v7 =	vmax.bf16 v7, v22;
	v13 =	vld [tilespmem:s13+$0x10]  }
0x1bf: {  	v8 =	vmax.bf16 v8, v2;
	v5 =	vmax.bf16 v5, v11;
	v7 =	vmax.bf16 v7, v15;
	v2 =	vld [tilespmem:s13+$0x20]  }
0x1c0: {  	v6 =	vmax.bf16 v6, v16;
	v4 =	vmax.bf16 v4, v17;
	v11 =	vld [tilespmem:s13+$0x30];
	v3 =	vmax.bf16 v3, v18  }
0x1c1: {  	v6 =	vmax.bf16 v6, v9;
	v4 =	vmax.bf16 v4, v10;
	v15 =	vld [tilespmem:s13+$0x40];
	v3 =	vmax.bf16 v3, v19  }
0x1c2: {  	v9 =	vld [tilespmem:s13+$0x50]  }
0x1c3: {  	v10 =	vld [tilespmem:s13+$0x60]  }
0x1c4: {  	v19 =	vld [tilespmem:s13+$0xFFFFFF80]  }
0x1c5: {  	v23 =	vld [tilespmem:s13+$0xFFFFFF90]  }
0x1c6: {  	s2 =	sadd.s32 $0x1, s2;
	v20 =	vld [tilespmem:s13+$0xFFFFFFA0]  }
0x1c7: {  	p1 =	slt.s32 s2, s11;
	v21 =	vld [tilespmem:s13+$0xFFFFFFB0]  }
.Ltmp33:
0x1c8: {  	v22 =	vld [tilespmem:s13+$0xFFFFFFC0];
	(pc) =	sbr.rel @p1 .LBB2_33-.Ltmp33, $4  }
0x1c9: {  	v16 =	vld [tilespmem:s13+$0xFFFFFFD0]  }
0x1ca: {  	v17 =	vld [tilespmem:s13+$0xFFFFFFE0]  }
0x1cb: {  	v18 =	vld [tilespmem:s13+$0xFFFFFFF0]  }
0x1cc: {  	v1 =	vmax.bf16 v1, v19;
	v14 =	vmax.bf16 v14, v23;
	v19 =	vld [tilespmem:s13+$0x70];
	s13 =	sadd.s32 $0x100, s13  }
.LBB2_34:
0x1cd: {  	v1 =	vmax.bf16 v1, v12;
	v14 =	vmax.bf16 v14, v13  }
0x1ce: {  	v8 =	vmax.bf16 v8, v20;
	v5 =	vmax.bf16 v5, v21;
	v7 =	vmax.bf16 v7, v22  }
0x1cf: {  	v8 =	vmax.bf16 v8, v2;
	v5 =	vmax.bf16 v5, v11;
	v7 =	vmax.bf16 v7, v15  }
0x1d0: {  	v2 =	vmax.bf16 v6, v16;
	v4 =	vmax.bf16 v4, v17;
	v3 =	vmax.bf16 v3, v18  }
0x1d1: {  	v6 =	vmax.bf16 v2, v9;
	v4 =	vmax.bf16 v4, v10;
	v3 =	vmax.bf16 v3, v19  }
.LBB2_35:
0x1d2: {  	s2 =	sshll.u32 s11, $0x2  }
0x1d3: {  	s2 =	sadd.s32 s9, s2  }
0x1d4: {  	p1 =	sge.s32 s2, s8  }
.Ltmp34:
0x1d5: {  	_ = 	snop;
	(pc) =	sbr.rel @p1 .LBB2_38-.Ltmp34, $1  }
0x1d6: {  	_ =	sdelay $0x3  }
0x1d7: {  	p1 =	slt.s32 s5, $0x100;
	s11 =	smov.u32 s5  }
0x1d8: {  	s11 =	simm.s32 @!p1 $0x100  }
0x1d9: {  	s9 =	ssub.s32 s11, s9  }
0x1da: {  	p1 =	sgt.s32 s9, $0x0  }
0x1db: {  	s11 =	simm.s32 $0xFFFFFFFF;
	s9 =	simm.s32 @!p1 $0x0  }
0x1dc: {  	s11 =	simm.s32 @!p0 $0x0;
	s9 =	sshrl.u32 s9, $0x2  }
0x1dd: {  	s9 =	sadd.s32 s11, s9  }
0x1de: {  	s9 =	sshll.u32 s9, $0xA  }
0x1df: {  	s9 =	sadd.s32 s10, s9  }
0x1e0: {  	s9 =	sshra.s32 s9, $0x2  }
0x1e1: {  	s9 =	sadd.s32 $0x4378, s9  }
.LBB2_37:
0x1e2: {  	v2 =	vld [tilespmem:s9+$0xFFFFFFE0]  }
0x1e3: {  	v9 =	vld [tilespmem:s9+$0xFFFFFFF0]  }
0x1e4: {  	v10 =	vld [tilespmem:s9+$0x0];
	s2 =	sadd.s32 $0x1, s2  }
0x1e5: {  	v11 =	vld [tilespmem:s9+$0x10];
	p0 =	slt.s32 s2, s8  }
.Ltmp35:
0x1e6: {  	_ = 	snop;
	(pc) =	sbr.rel @p0 .LBB2_37-.Ltmp35, $4  }
0x1e7: {  	_ = 	snop  }
0x1e8: {  	v12 =	vmov v1;
	v13 =	vmov v14;
	v15 =	vmov v8  }
0x1e9: {  	v16 =	vmovc v5;
	v1 =	vmovc v7;
	v14 =	vmov v6;
	v8 =	vmov v4;
	v7 =	vmax.bf16 v12, v2  }
0x1ea: {  	v5 =	vmovc v3;
	s9 =	sadd.s32 $0x40, s9;
	v6 =	vmax.bf16 v13, v9;
	v4 =	vmax.bf16 v15, v10;
	v3 =	vmax.bf16 v16, v11  }
.Ltmp36:
0x1eb: {  	_ = 	snop;
	(pc) =	sbr.rel .LBB2_38-.Ltmp36, $1  }
0x1ec: {  	_ =	sdelay $0x3  }
.LBB2_6:
.Ltmp37:
0x1ed: {  	(pc) =	sbr.rel .LBB2_40-.Ltmp37, $3  }
0x1ee: {  	_ =	sdelay $0x1  }
0x1ef: {  	v1 =	vimm.bf16 $-Inf  }
0x1f0: {  	v2 =	vimm.bf16 $-Inf;
	v4 =	vimm.bf16 $-Inf;
	v3 =	vimm.bf16 $-Inf  }
.LBB2_41:
0x1f1: {  	_ =	sfence.sel $0x180000  }
0x1f2: {  	[bflag:$0x0] =	sbarrier.arrive $0xFFFF  }
0x1f3: {  	_ =	strace $0x90000047  }
0x1f4: {  	s0 =	stileid.u32;
	[bflag:$0x2] =	sbarrier.arrive $0xFFFF  }
0x1f5: {  	p0 =	sne.s32 s0, $0x0;
	s0 =	rddreg [dreg:$0x3]  }
0x1f6: {  	s0 =	sadd.s32 @!p0 $0x100000, s0  }
0x1f7: {  	[sflag:s0] =	ssyncadd.tile.s32 @!p0 $0x1;
	_ =	shalt  }
.Lfunc_end2:
_tile_overlayer_lowered:
.L_overlay_start_2:
0x1f8: {  	(tag) =	ssettag $0x2  }
0x1f9: {  	s0 =	rddreg [dreg:$0x0];
	s2 =	stileid.u32  }
0x1fa: {  	s1 =	rddreg [dreg:$0x1];
	p0 =	sne.s32 s2, $0x0  }
0x1fb: {  	s3 =	rddreg [dreg:$0x2];
	[bflag:$0x3] =	sbarrier.arrive $0xFFFF;
	s2 =	simm.s32 @!p0 $0x1C06  }
0x1fc: {  	[timem:s3], [sflag:s2] =	dma.local @!p0 [hbm:s0], s1  }
0x1fd: {  	s0 =	simm.s32 @!p0 $0x6  }
0x1fe: {  	_ =	swait.ge @!p0 [sflag:s0], s1  }
0x1ff: {  	s1 =	ssub.s32 @!p0 $0x0, s1;
	[sflag:s0] =	ssyncset.done @!p0 $0x0  }
0x200: {  	[sflag:s0] =	ssyncadd.s32 @!p0 s1  }
0x201: {  	[bflag:$0x3] =	sbarrier.arrive $0xFFFF  }
0x202: {  	_ =	shalt  }

</sc_bundles>
